<compile_context>
chip_gen: v7x
topology: tpu7x:2x2x1
jax: 0.10.2.dev20260603
libtpu: 0.0.44.dev20260713+nightly
codegen_flags: <defaults>
</compile_context>

<pallas_src>
import functools

import jax
import jax.numpy as jnp
from jax import lax
from jax.experimental import pallas as pl
from jax.experimental.pallas import tpu as pltpu
from jax.experimental.pallas import tpu_sc as plsc

B, L, C = 16, 4096, 256
SIZE2 = 2
LOUT = L * SIZE2
CPT = 16
CHUNK = 512
NCHUNK = L // CHUNK
CB = CHUNK // 8
LANES = 16
NBLK_IN = L // 8
NBLK_OUT = LOUT // 8
HB = LOUT // 2 // 8


def _build_kernel():
  mesh = plsc.VectorSubcoreMesh(core_axis_name="c", subcore_axis_name="s")

  @functools.partial(
      pl.kernel,
      out_type=jax.ShapeDtypeStruct((B * NBLK_OUT, 2, 8, 128), jnp.float32),
      mesh=mesh,
      scratch_types=[
          pltpu.VMEM((2, CB, 8, CPT), jnp.int32),
          pltpu.VMEM((2, CB, 8, CPT), jnp.float32),
          pltpu.VMEM((HB, 8, CPT), jnp.float32),
          pltpu.SemaphoreType.DMA,
          pltpu.SemaphoreType.DMA,
      ],
      compiler_params=pltpu.CompilerParams(
          use_tc_tiling_on_sc=False, needs_layout_passes=False),
  )
  def unpool(upd_hbm, mask_hbm, out_hbm, m_v, u_v, acc_v, in_sem, out_sem):
    h = lax.axis_index("c")
    sid = lax.axis_index("s")
    cbg = lax.shift_right_logical(sid, 3)
    ch0 = (sid & 7) * CPT
    lane = lax.iota(jnp.int32, LANES)
    zero = jnp.zeros((LANES,), jnp.float32)

    def in_desc(bb, kk, buf):
      bl0 = bb * NBLK_IN + kk * CB
      return (
          pltpu.make_async_copy(
              mask_hbm.at[pl.ds(bl0, CB), cbg, :, pl.ds(ch0, CPT)],
              m_v.at[buf], in_sem),
          pltpu.make_async_copy(
              upd_hbm.at[pl.ds(bl0, CB), cbg, :, pl.ds(ch0, CPT)],
              u_v.at[buf], in_sem),
      )

    def start_in(bb, kk, buf):
      for d in in_desc(bb, kk, buf):
        d.start()

    def wait_in(bb, kk, buf):
      for d in in_desc(bb, kk, buf):
        d.wait()

    def out_desc(bb):
      return pltpu.make_async_copy(
          acc_v,
          out_hbm.at[pl.ds(bb * NBLK_OUT + h * HB, HB), cbg, :,
                     pl.ds(ch0, CPT)],
          out_sem)

    start_in(0, 0, 0)
    start_in(0, 1, 1)

    def batch_body(b, _):
      @pl.when(b > 0)
      def _():
        out_desc(jnp.maximum(b - 1, 0)).wait()

      @plsc.parallel_loop(0, HB * 8, unroll=8)
      def _(i):
        acc_v[lax.shift_right_logical(i, 3), i & 7, :] = zero

      for k in range(NCHUNK):
        buf = k % 2
        wait_in(b, k, buf)

        @plsc.parallel_loop(0, CB * 8, unroll=8)
        def _(i):
          q = lax.shift_right_logical(i, 3)
          r8 = i & 7
          m = m_v[buf, q, r8, :]
          u = u_v[buf, q, r8, :]
          x = lax.shift_right_logical(m, 8)
          keep = lax.shift_right_logical(x, 12) == h
          xl = x & (LOUT // 2 - 1)
          plsc.addupdate_scatter(
              acc_v, [lax.shift_right_logical(xl, 3), xl & 7, lane], u,
              mask=keep)

        nk = k + 2
        bb = jnp.minimum(b + nk // NCHUNK, B - 1)
        start_in(bb, nk % NCHUNK, nk % 2)

      out_desc(b).start()
      return ()

    lax.fori_loop(0, B, batch_body, ())

    out_desc(B - 1).wait()
    wait_in(B - 1, 0, 0)
    wait_in(B - 1, 1, 1)

  return unpool


_unpool = _build_kernel()


def kernel(updates, mask):
  u4 = (updates.reshape(B, NBLK_IN, 8, 2, 128)
        .transpose(0, 1, 3, 2, 4).reshape(B * NBLK_IN, 2, 8, 128))
  m4 = (mask.astype(jnp.int32).reshape(B, NBLK_IN, 8, 2, 128)
        .transpose(0, 1, 3, 2, 4).reshape(B * NBLK_IN, 2, 8, 128))
  o4 = _unpool(u4, m4)
  return (o4.reshape(B, NBLK_OUT, 2, 8, 128)
          .transpose(0, 1, 3, 2, 4).reshape(B, LOUT, C))

# --- scband reference (transcript-rebuilt; emitter-appended) ---
"""Pipeline reference for scband-max-unpooling1-d-7481833029700 (READ-ONLY COPY).

The authoritative reference and input builder live on the scoring server;
editing this copy changes nothing except your own understanding.
"""

import jax, jax.numpy as jnp
import numpy as np

SIZE = 2
B, L, C = 16, 4096, 256

def setup_inputs(seed: int = 0):
    key = jax.random.key(seed)
    k1, k2 = jax.random.split(key)
    updates = jax.random.normal(k1, (B, L, C), dtype=jnp.float32)
    mask = jax.random.randint(k2, (B, L, C), 0, L * SIZE * C)
    return {"updates": updates, "mask": mask}

def reference(updates, mask):
    # Faithful port of MaxUnpooling1D.call with output_shape=None
    size = SIZE
    b_dim, l_dim, c_dim = updates.shape
    l_out = l_dim * size
    m = mask.astype(jnp.int32)
    one_like_mask = jnp.ones_like(m, dtype=jnp.int32)
    batch_range = jnp.arange(b_dim, dtype=jnp.int32).reshape(b_dim, 1, 1)
    b = one_like_mask * batch_range
    x = (m // c_dim) % l_out
    feature_range = jnp.arange(c_dim, dtype=jnp.int32).reshape(1, 1, c_dim)
    f = one_like_mask * feature_range
    values = updates.reshape(-1)
    # tf.scatter_nd sums duplicate indices -> use .at[...].add
    ret = jnp.zeros((b_dim, l_out, c_dim), dtype=updates.dtype)
    ret = ret.at[b.reshape(-1), x.reshape(-1), f.reshape(-1)].add(values)
    return ret

if __name__ == "__main__":
    import jax
    _d = setup_inputs()
    print(jax.jit(kernel)(*tuple(_d.values())))

</pallas_src>

<mosaic_0001>
#map = affine_map<(d0, d1) -> (0, 0, 0, 0)>
module attributes {stable_mosaic.version = 14 : i64} {
  func.func @unpool(%arg0: i32, %arg1: i32, %arg2: memref<8192x2x8x128xf32, #tpu.memory_space<hbm>>, %arg3: memref<8192x2x8x128xi32, #tpu.memory_space<hbm>>, %arg4: memref<16384x2x8x128xf32, #tpu.memory_space<hbm>>, %arg5: memref<2x64x8x16xi32, #tpu.memory_space<vmem>>, %arg6: memref<2x64x8x16xf32, #tpu.memory_space<vmem>>, %arg7: memref<512x8x16xf32, #tpu.memory_space<vmem>>, %arg8: memref<!tpu.dma_semaphore, #tpu.memory_space<semaphore_mem>>, %arg9: memref<!tpu.dma_semaphore, #tpu.memory_space<semaphore_mem>>) attributes {dimension_semantics = [#tpu.dimension_semantics<core_parallel>, #tpu.dimension_semantics<subcore_parallel>], iteration_bounds = array<i64: 2, 16>, scalar_prefetch = 0 : i64, scratch_operands = 5 : i64, tpu.core_type = #tpu.core_type<sc_vector_subcore>, window_params = [{transform_indices = #map}, {transform_indices = #map}, {transform_indices = #map}]} {
    %shift_right_logical3A = arith.constant 3 : i32
    %shift_right_logical3A_0 = arith.shrui %arg1, %shift_right_logical3A : i32
    %and3A = arith.constant 7 : i32
    %and3A_1 = arith.andi %arg1, %and3A : i32
    %mul3A = arith.constant 16 : i32
    %mul3A_2 = arith.muli %and3A_1, %mul3A : i32
    %iota3A = tpu.iota {dimensions = array<i32: 0>} : vector<16xi32>
    %broadcast_in_dim3A = arith.constant 0.000000e+00 : f32
    %broadcast_in_dim3A_3 = vector.broadcast %broadcast_in_dim3A : f32 to vector<16xf32>
    %dma_start3A = arith.constant 0 : i32
    %dma_start3A_4 = arith.constant 0 : i32
    %dma_start3A_5 = arith.constant 0 : i32
    %dma_start3A_6 = arith.constant 0 : i32
    %dma_start3A_7 = tpu.memref_slice %arg5[%dma_start3A, %dma_start3A_4, %dma_start3A_5, %dma_start3A_6] : memref<2x64x8x16xi32, #tpu.memory_space<vmem>> -> memref<1x64x8x16xi32, #tpu.memory_space<vmem>>
    %dma_start3A_8 = tpu.memref_squeeze %dma_start3A_7 : memref<1x64x8x16xi32, #tpu.memory_space<vmem>> -> memref<64x8x16xi32, #tpu.memory_space<vmem>>
    %dma_start3A_9 = arith.constant 0 : i32
    %dma_start3A_10 = arith.constant 0 : i32
    %dma_start3A_11 = tpu.memref_slice %arg3[%dma_start3A_9, %shift_right_logical3A_0, %dma_start3A_10, %mul3A_2] : memref<8192x2x8x128xi32, #tpu.memory_space<hbm>> -> memref<64x1x8x16xi32, #tpu.memory_space<hbm>>
    %dma_start3A_12 = tpu.memref_squeeze %dma_start3A_11 : memref<64x1x8x16xi32, #tpu.memory_space<hbm>> -> memref<64x8x16xi32, #tpu.memory_space<hbm>>
    %dma_start3A_13 = arith.constant 0 : i32
    %dma_start3A_14 = arith.constant 0 : i32
    %dma_start3A_15 = arith.constant 0 : i32
    %dma_start3A_16 = tpu.memref_slice %arg5[%dma_start3A, %dma_start3A_13, %dma_start3A_14, %dma_start3A_15] : memref<2x64x8x16xi32, #tpu.memory_space<vmem>> -> memref<1x64x8x16xi32, #tpu.memory_space<vmem>>
    %dma_start3A_17 = tpu.memref_squeeze %dma_start3A_16 : memref<1x64x8x16xi32, #tpu.memory_space<vmem>> -> memref<64x8x16xi32, #tpu.memory_space<vmem>>
    %dma_start3A_18 = arith.constant 0 : i32
    %dma_start3A_19 = arith.constant 0 : i32
    %dma_start3A_20 = tpu.memref_slice %arg3[%dma_start3A_18, %shift_right_logical3A_0, %dma_start3A_19, %mul3A_2] : memref<8192x2x8x128xi32, #tpu.memory_space<hbm>> -> memref<64x1x8x16xi32, #tpu.memory_space<hbm>>
    %dma_start3A_21 = tpu.memref_squeeze %dma_start3A_20 : memref<64x1x8x16xi32, #tpu.memory_space<hbm>> -> memref<64x8x16xi32, #tpu.memory_space<hbm>>
    tpu.enqueue_dma source(%dma_start3A_21 : memref<64x8x16xi32, #tpu.memory_space<hbm>>) target(%dma_start3A_17 : memref<64x8x16xi32, #tpu.memory_space<vmem>>) target_semaphore(%arg8 : memref<!tpu.dma_semaphore, #tpu.memory_space<semaphore_mem>>)
    %dma_start3A_22 = arith.constant 0 : i32
    %dma_start3A_23 = arith.constant 0 : i32
    %dma_start3A_24 = arith.constant 0 : i32
    %dma_start3A_25 = arith.constant 0 : i32
    %dma_start3A_26 = tpu.memref_slice %arg6[%dma_start3A_22, %dma_start3A_23, %dma_start3A_24, %dma_start3A_25] : memref<2x64x8x16xf32, #tpu.memory_space<vmem>> -> memref<1x64x8x16xf32, #tpu.memory_space<vmem>>
    %dma_start3A_27 = tpu.memref_squeeze %dma_start3A_26 : memref<1x64x8x16xf32, #tpu.memory_space<vmem>> -> memref<64x8x16xf32, #tpu.memory_space<vmem>>
    %dma_start3A_28 = arith.constant 0 : i32
    %dma_start3A_29 = arith.constant 0 : i32
    %dma_start3A_30 = tpu.memref_slice %arg2[%dma_start3A_28, %shift_right_logical3A_0, %dma_start3A_29, %mul3A_2] : memref<8192x2x8x128xf32, #tpu.memory_space<hbm>> -> memref<64x1x8x16xf32, #tpu.memory_space<hbm>>
    %dma_start3A_31 = tpu.memref_squeeze %dma_start3A_30 : memref<64x1x8x16xf32, #tpu.memory_space<hbm>> -> memref<64x8x16xf32, #tpu.memory_space<hbm>>
    %dma_start3A_32 = arith.constant 0 : i32
    %dma_start3A_33 = arith.constant 0 : i32
    %dma_start3A_34 = arith.constant 0 : i32
    %dma_start3A_35 = tpu.memref_slice %arg6[%dma_start3A_22, %dma_start3A_32, %dma_start3A_33, %dma_start3A_34] : memref<2x64x8x16xf32, #tpu.memory_space<vmem>> -> memref<1x64x8x16xf32, #tpu.memory_space<vmem>>
    %dma_start3A_36 = tpu.memref_squeeze %dma_start3A_35 : memref<1x64x8x16xf32, #tpu.memory_space<vmem>> -> memref<64x8x16xf32, #tpu.memory_space<vmem>>
    %dma_start3A_37 = arith.constant 0 : i32
    %dma_start3A_38 = arith.constant 0 : i32
    %dma_start3A_39 = tpu.memref_slice %arg2[%dma_start3A_37, %shift_right_logical3A_0, %dma_start3A_38, %mul3A_2] : memref<8192x2x8x128xf32, #tpu.memory_space<hbm>> -> memref<64x1x8x16xf32, #tpu.memory_space<hbm>>
    %dma_start3A_40 = tpu.memref_squeeze %dma_start3A_39 : memref<64x1x8x16xf32, #tpu.memory_space<hbm>> -> memref<64x8x16xf32, #tpu.memory_space<hbm>>
    tpu.enqueue_dma source(%dma_start3A_40 : memref<64x8x16xf32, #tpu.memory_space<hbm>>) target(%dma_start3A_36 : memref<64x8x16xf32, #tpu.memory_space<vmem>>) target_semaphore(%arg8 : memref<!tpu.dma_semaphore, #tpu.memory_space<semaphore_mem>>)
    %dma_start3A_41 = arith.constant 1 : i32
    %dma_start3A_42 = arith.constant 0 : i32
    %dma_start3A_43 = arith.constant 0 : i32
    %dma_start3A_44 = arith.constant 0 : i32
    %dma_start3A_45 = tpu.memref_slice %arg5[%dma_start3A_41, %dma_start3A_42, %dma_start3A_43, %dma_start3A_44] : memref<2x64x8x16xi32, #tpu.memory_space<vmem>> -> memref<1x64x8x16xi32, #tpu.memory_space<vmem>>
    %dma_start3A_46 = tpu.memref_squeeze %dma_start3A_45 : memref<1x64x8x16xi32, #tpu.memory_space<vmem>> -> memref<64x8x16xi32, #tpu.memory_space<vmem>>
    %dma_start3A_47 = arith.constant 64 : i32
    %dma_start3A_48 = arith.constant 0 : i32
    %dma_start3A_49 = tpu.memref_slice %arg3[%dma_start3A_47, %shift_right_logical3A_0, %dma_start3A_48, %mul3A_2] : memref<8192x2x8x128xi32, #tpu.memory_space<hbm>> -> memref<64x1x8x16xi32, #tpu.memory_space<hbm>>
    %dma_start3A_50 = tpu.memref_squeeze %dma_start3A_49 : memref<64x1x8x16xi32, #tpu.memory_space<hbm>> -> memref<64x8x16xi32, #tpu.memory_space<hbm>>
    %dma_start3A_51 = arith.constant 0 : i32
    %dma_start3A_52 = arith.constant 0 : i32
    %dma_start3A_53 = arith.constant 0 : i32
    %dma_start3A_54 = tpu.memref_slice %arg5[%dma_start3A_41, %dma_start3A_51, %dma_start3A_52, %dma_start3A_53] : memref<2x64x8x16xi32, #tpu.memory_space<vmem>> -> memref<1x64x8x16xi32, #tpu.memory_space<vmem>>
    %dma_start3A_55 = tpu.memref_squeeze %dma_start3A_54 : memref<1x64x8x16xi32, #tpu.memory_space<vmem>> -> memref<64x8x16xi32, #tpu.memory_space<vmem>>
    %dma_start3A_56 = arith.constant 64 : i32
    %dma_start3A_57 = arith.constant 0 : i32
    %dma_start3A_58 = tpu.memref_slice %arg3[%dma_start3A_56, %shift_right_logical3A_0, %dma_start3A_57, %mul3A_2] : memref<8192x2x8x128xi32, #tpu.memory_space<hbm>> -> memref<64x1x8x16xi32, #tpu.memory_space<hbm>>
    %dma_start3A_59 = tpu.memref_squeeze %dma_start3A_58 : memref<64x1x8x16xi32, #tpu.memory_space<hbm>> -> memref<64x8x16xi32, #tpu.memory_space<hbm>>
    tpu.enqueue_dma source(%dma_start3A_59 : memref<64x8x16xi32, #tpu.memory_space<hbm>>) target(%dma_start3A_55 : memref<64x8x16xi32, #tpu.memory_space<vmem>>) target_semaphore(%arg8 : memref<!tpu.dma_semaphore, #tpu.memory_space<semaphore_mem>>)
    %dma_start3A_60 = arith.constant 1 : i32
    %dma_start3A_61 = arith.constant 0 : i32
    %dma_start3A_62 = arith.constant 0 : i32
    %dma_start3A_63 = arith.constant 0 : i32
    %dma_start3A_64 = tpu.memref_slice %arg6[%dma_start3A_60, %dma_start3A_61, %dma_start3A_62, %dma_start3A_63] : memref<2x64x8x16xf32, #tpu.memory_space<vmem>> -> memref<1x64x8x16xf32, #tpu.memory_space<vmem>>
    %dma_start3A_65 = tpu.memref_squeeze %dma_start3A_64 : memref<1x64x8x16xf32, #tpu.memory_space<vmem>> -> memref<64x8x16xf32, #tpu.memory_space<vmem>>
    %dma_start3A_66 = arith.constant 64 : i32
    %dma_start3A_67 = arith.constant 0 : i32
    %dma_start3A_68 = tpu.memref_slice %arg2[%dma_start3A_66, %shift_right_logical3A_0, %dma_start3A_67, %mul3A_2] : memref<8192x2x8x128xf32, #tpu.memory_space<hbm>> -> memref<64x1x8x16xf32, #tpu.memory_space<hbm>>
    %dma_start3A_69 = tpu.memref_squeeze %dma_start3A_68 : memref<64x1x8x16xf32, #tpu.memory_space<hbm>> -> memref<64x8x16xf32, #tpu.memory_space<hbm>>
    %dma_start3A_70 = arith.constant 0 : i32
    %dma_start3A_71 = arith.constant 0 : i32
    %dma_start3A_72 = arith.constant 0 : i32
    %dma_start3A_73 = tpu.memref_slice %arg6[%dma_start3A_60, %dma_start3A_70, %dma_start3A_71, %dma_start3A_72] : memref<2x64x8x16xf32, #tpu.memory_space<vmem>> -> memref<1x64x8x16xf32, #tpu.memory_space<vmem>>
    %dma_start3A_74 = tpu.memref_squeeze %dma_start3A_73 : memref<1x64x8x16xf32, #tpu.memory_space<vmem>> -> memref<64x8x16xf32, #tpu.memory_space<vmem>>
    %dma_start3A_75 = arith.constant 64 : i32
    %dma_start3A_76 = arith.constant 0 : i32
    %dma_start3A_77 = tpu.memref_slice %arg2[%dma_start3A_75, %shift_right_logical3A_0, %dma_start3A_76, %mul3A_2] : memref<8192x2x8x128xf32, #tpu.memory_space<hbm>> -> memref<64x1x8x16xf32, #tpu.memory_space<hbm>>
    %dma_start3A_78 = tpu.memref_squeeze %dma_start3A_77 : memref<64x1x8x16xf32, #tpu.memory_space<hbm>> -> memref<64x8x16xf32, #tpu.memory_space<hbm>>
    tpu.enqueue_dma source(%dma_start3A_78 : memref<64x8x16xf32, #tpu.memory_space<hbm>>) target(%dma_start3A_74 : memref<64x8x16xf32, #tpu.memory_space<vmem>>) target_semaphore(%arg8 : memref<!tpu.dma_semaphore, #tpu.memory_space<semaphore_mem>>)
    %scan3A = arith.constant 0 : i32
    %scan3A_79 = arith.constant 16 : i32
    %scan3A_80 = arith.addi %scan3A, %scan3A_79 : i32
    %scan3A_81 = arith.constant 1 : i32
    scf.for %scan3A_167 = %scan3A to %scan3A_80 step %scan3A_81  : i32 {
      %gt3A = arith.constant 0 : i32
      %gt3A_168 = arith.cmpi sgt, %scan3A_167, %gt3A : i32
      %convert_element_type3A = arith.extui %gt3A_168 : i1 to i32
      %cond3A = arith.constant 0 : i32
      %cond3A_169 = arith.cmpi ne, %convert_element_type3A, %cond3A : i32
      scf.if %cond3A_169 {
        %sub3A = arith.constant 1 : i32
        %sub3A_846 = arith.subi %scan3A_167, %sub3A : i32
        %max3A = arith.constant 0 : i32
        %max3A_847 = arith.maxsi %sub3A_846, %max3A : i32
        %mul3A_848 = arith.constant 1024 : i32
        %mul3A_849 = arith.muli %max3A_847, %mul3A_848 : i32
        %mul3A_850 = arith.constant 512 : i32
        %mul3A_851 = arith.muli %arg0, %mul3A_850 : i32
        %add3A_852 = arith.addi %mul3A_849, %mul3A_851 : i32
        %dma_wait3A_853 = arith.constant 0 : i32
        %dma_wait3A_854 = tpu.memref_slice %arg4[%add3A_852, %shift_right_logical3A_0, %dma_wait3A_853, %mul3A_2] : memref<16384x2x8x128xf32, #tpu.memory_space<hbm>> -> memref<512x1x8x16xf32, #tpu.memory_space<hbm>>
        %dma_wait3A_855 = tpu.memref_squeeze %dma_wait3A_854 : memref<512x1x8x16xf32, #tpu.memory_space<hbm>> -> memref<512x8x16xf32, #tpu.memory_space<hbm>>
        %dma_wait3A_856 = arith.constant 0 : i32
        %dma_wait3A_857 = tpu.memref_slice %arg4[%add3A_852, %shift_right_logical3A_0, %dma_wait3A_856, %mul3A_2] : memref<16384x2x8x128xf32, #tpu.memory_space<hbm>> -> memref<512x1x8x16xf32, #tpu.memory_space<hbm>>
        %dma_wait3A_858 = tpu.memref_squeeze %dma_wait3A_857 : memref<512x1x8x16xf32, #tpu.memory_space<hbm>> -> memref<512x8x16xf32, #tpu.memory_space<hbm>>
        tpu.wait_dma2 semaphore(%arg9 : memref<!tpu.dma_semaphore, #tpu.memory_space<semaphore_mem>>) src(%arg7 : memref<512x8x16xf32, #tpu.memory_space<vmem>>) dst(%dma_wait3A_858 : memref<512x8x16xf32, #tpu.memory_space<hbm>>)
      } else {
      }
      %parallel_loop3A = arith.constant 0 : i32
      %parallel_loop3A_170 = arith.constant 4096 : i32
      %parallel_loop3A_171 = arith.constant 1 : i32
      scf.for %parallel_loop3A_846 = %parallel_loop3A to %parallel_loop3A_170 step %parallel_loop3A_171  : i32 {
        %parallel_loop3A_847 = arith.constant 3 : i32
        %parallel_loop3A_848 = arith.shrui %parallel_loop3A_846, %parallel_loop3A_847 : i32
        %parallel_loop3A_849 = arith.constant 7 : i32
        %parallel_loop3A_850 = arith.andi %parallel_loop3A_846, %parallel_loop3A_849 : i32
        %parallel_loop3A_851 = arith.index_cast %parallel_loop3A_848 : i32 to index
        %parallel_loop3A_852 = arith.index_cast %parallel_loop3A_850 : i32 to index
        %parallel_loop3A_853 = arith.constant 0 : index
        %parallel_loop3A_854 = tpu.vector_load %arg7[%parallel_loop3A_851, %parallel_loop3A_852, %parallel_loop3A_853] {strides = array<i32>} : memref<512x8x16xf32, #tpu.memory_space<vmem>>, vector<16xf32>,
        tpu.vector_store %arg7[%parallel_loop3A_851, %parallel_loop3A_852, %parallel_loop3A_853], %broadcast_in_dim3A_3 {strides = array<i32>} : memref<512x8x16xf32, #tpu.memory_space<vmem>>, vector<16xf32>,
      } {sc.loop_unroll_factor = 8 : i64, sc.parallel_access}
      %mul3A_172 = arith.constant 512 : i32
      %mul3A_173 = arith.muli %scan3A_167, %mul3A_172 : i32
      %add3A_174 = arith.constant 0 : i32
      %add3A_175 = arith.addi %mul3A_173, %add3A_174 : i32
      %dma_wait3A_176 = arith.constant 0 : i32
      %dma_wait3A_177 = arith.constant 0 : i32
      %dma_wait3A_178 = arith.constant 0 : i32
      %dma_wait3A_179 = arith.constant 0 : i32
      %dma_wait3A_180 = tpu.memref_slice %arg5[%dma_wait3A_176, %dma_wait3A_177, %dma_wait3A_178, %dma_wait3A_179] : memref<2x64x8x16xi32, #tpu.memory_space<vmem>> -> memref<1x64x8x16xi32, #tpu.memory_space<vmem>>
      %dma_wait3A_181 = tpu.memref_squeeze %dma_wait3A_180 : memref<1x64x8x16xi32, #tpu.memory_space<vmem>> -> memref<64x8x16xi32, #tpu.memory_space<vmem>>
      %dma_wait3A_182 = arith.constant 0 : i32
      %dma_wait3A_183 = tpu.memref_slice %arg3[%add3A_175, %shift_right_logical3A_0, %dma_wait3A_182, %mul3A_2] : memref<8192x2x8x128xi32, #tpu.memory_space<hbm>> -> memref<64x1x8x16xi32, #tpu.memory_space<hbm>>
      %dma_wait3A_184 = tpu.memref_squeeze %dma_wait3A_183 : memref<64x1x8x16xi32, #tpu.memory_space<hbm>> -> memref<64x8x16xi32, #tpu.memory_space<hbm>>
      %dma_wait3A_185 = arith.constant 0 : i32
      %dma_wait3A_186 = arith.constant 0 : i32
      %dma_wait3A_187 = arith.constant 0 : i32
      %dma_wait3A_188 = tpu.memref_slice %arg5[%dma_wait3A_176, %dma_wait3A_185, %dma_wait3A_186, %dma_wait3A_187] : memref<2x64x8x16xi32, #tpu.memory_space<vmem>> -> memref<1x64x8x16xi32, #tpu.memory_space<vmem>>
      %dma_wait3A_189 = tpu.memref_squeeze %dma_wait3A_188 : memref<1x64x8x16xi32, #tpu.memory_space<vmem>> -> memref<64x8x16xi32, #tpu.memory_space<vmem>>
      %dma_wait3A_190 = arith.constant 0 : i32
      %dma_wait3A_191 = tpu.memref_slice %arg3[%add3A_175, %shift_right_logical3A_0, %dma_wait3A_190, %mul3A_2] : memref<8192x2x8x128xi32, #tpu.memory_space<hbm>> -> memref<64x1x8x16xi32, #tpu.memory_space<hbm>>
      %dma_wait3A_192 = tpu.memref_squeeze %dma_wait3A_191 : memref<64x1x8x16xi32, #tpu.memory_space<hbm>> -> memref<64x8x16xi32, #tpu.memory_space<hbm>>
      tpu.wait_dma2 semaphore(%arg8 : memref<!tpu.dma_semaphore, #tpu.memory_space<semaphore_mem>>) src(%dma_wait3A_192 : memref<64x8x16xi32, #tpu.memory_space<hbm>>) dst(%dma_wait3A_189 : memref<64x8x16xi32, #tpu.memory_space<vmem>>)
      %dma_wait3A_193 = arith.constant 0 : i32
      %dma_wait3A_194 = arith.constant 0 : i32
      %dma_wait3A_195 = arith.constant 0 : i32
      %dma_wait3A_196 = arith.constant 0 : i32
      %dma_wait3A_197 = tpu.memref_slice %arg6[%dma_wait3A_193, %dma_wait3A_194, %dma_wait3A_195, %dma_wait3A_196] : memref<2x64x8x16xf32, #tpu.memory_space<vmem>> -> memref<1x64x8x16xf32, #tpu.memory_space<vmem>>
      %dma_wait3A_198 = tpu.memref_squeeze %dma_wait3A_197 : memref<1x64x8x16xf32, #tpu.memory_space<vmem>> -> memref<64x8x16xf32, #tpu.memory_space<vmem>>
      %dma_wait3A_199 = arith.constant 0 : i32
      %dma_wait3A_200 = tpu.memref_slice %arg2[%add3A_175, %shift_right_logical3A_0, %dma_wait3A_199, %mul3A_2] : memref<8192x2x8x128xf32, #tpu.memory_space<hbm>> -> memref<64x1x8x16xf32, #tpu.memory_space<hbm>>
      %dma_wait3A_201 = tpu.memref_squeeze %dma_wait3A_200 : memref<64x1x8x16xf32, #tpu.memory_space<hbm>> -> memref<64x8x16xf32, #tpu.memory_space<hbm>>
      %dma_wait3A_202 = arith.constant 0 : i32
      %dma_wait3A_203 = arith.constant 0 : i32
      %dma_wait3A_204 = arith.constant 0 : i32
      %dma_wait3A_205 = tpu.memref_slice %arg6[%dma_wait3A_193, %dma_wait3A_202, %dma_wait3A_203, %dma_wait3A_204] : memref<2x64x8x16xf32, #tpu.memory_space<vmem>> -> memref<1x64x8x16xf32, #tpu.memory_space<vmem>>
      %dma_wait3A_206 = tpu.memref_squeeze %dma_wait3A_205 : memref<1x64x8x16xf32, #tpu.memory_space<vmem>> -> memref<64x8x16xf32, #tpu.memory_space<vmem>>
      %dma_wait3A_207 = arith.constant 0 : i32
      %dma_wait3A_208 = tpu.memref_slice %arg2[%add3A_175, %shift_right_logical3A_0, %dma_wait3A_207, %mul3A_2] : memref<8192x2x8x128xf32, #tpu.memory_space<hbm>> -> memref<64x1x8x16xf32, #tpu.memory_space<hbm>>
      %dma_wait3A_209 = tpu.memref_squeeze %dma_wait3A_208 : memref<64x1x8x16xf32, #tpu.memory_space<hbm>> -> memref<64x8x16xf32, #tpu.memory_space<hbm>>
      tpu.wait_dma2 semaphore(%arg8 : memref<!tpu.dma_semaphore, #tpu.memory_space<semaphore_mem>>) src(%dma_wait3A_209 : memref<64x8x16xf32, #tpu.memory_space<hbm>>) dst(%dma_wait3A_206 : memref<64x8x16xf32, #tpu.memory_space<vmem>>)
      %parallel_loop3A_210 = arith.constant 0 : i32
      %parallel_loop3A_211 = arith.constant 512 : i32
      %parallel_loop3A_212 = arith.constant 1 : i32
      scf.for %parallel_loop3A_846 = %parallel_loop3A_210 to %parallel_loop3A_211 step %parallel_loop3A_212  : i32 {
        %parallel_loop3A_847 = arith.constant 3 : i32
        %parallel_loop3A_848 = arith.shrui %parallel_loop3A_846, %parallel_loop3A_847 : i32
        %parallel_loop3A_849 = arith.constant 7 : i32
        %parallel_loop3A_850 = arith.andi %parallel_loop3A_846, %parallel_loop3A_849 : i32
        %parallel_loop3A_851 = arith.constant 0 : i32
        %parallel_loop3A_852 = arith.index_cast %parallel_loop3A_851 : i32 to index
        %parallel_loop3A_853 = arith.index_cast %parallel_loop3A_848 : i32 to index
        %parallel_loop3A_854 = arith.index_cast %parallel_loop3A_850 : i32 to index
        %parallel_loop3A_855 = arith.constant 0 : index
        %parallel_loop3A_856 = tpu.vector_load %arg5[%parallel_loop3A_852, %parallel_loop3A_853, %parallel_loop3A_854, %parallel_loop3A_855] {strides = array<i32>} : memref<2x64x8x16xi32, #tpu.memory_space<vmem>>, vector<16xi32>,
        %parallel_loop3A_857 = arith.constant 0 : i32
        %parallel_loop3A_858 = arith.index_cast %parallel_loop3A_857 : i32 to index
        %parallel_loop3A_859 = arith.index_cast %parallel_loop3A_848 : i32 to index
        %parallel_loop3A_860 = arith.index_cast %parallel_loop3A_850 : i32 to index
        %parallel_loop3A_861 = arith.constant 0 : index
        %parallel_loop3A_862 = tpu.vector_load %arg6[%parallel_loop3A_858, %parallel_loop3A_859, %parallel_loop3A_860, %parallel_loop3A_861] {strides = array<i32>} : memref<2x64x8x16xf32, #tpu.memory_space<vmem>>, vector<16xf32>,
        %parallel_loop3A_863 = arith.constant 8 : i32
        %parallel_loop3A_864 = vector.broadcast %parallel_loop3A_863 : i32 to vector<16xi32>
        %parallel_loop3A_865 = arith.shrui %parallel_loop3A_856, %parallel_loop3A_864 : vector<16xi32>
        %parallel_loop3A_866 = arith.constant 12 : i32
        %parallel_loop3A_867 = vector.broadcast %parallel_loop3A_866 : i32 to vector<16xi32>
        %parallel_loop3A_868 = arith.shrui %parallel_loop3A_865, %parallel_loop3A_867 : vector<16xi32>
        %parallel_loop3A_869 = vector.broadcast %arg0 : i32 to vector<16xi32>
        %parallel_loop3A_870 = arith.cmpi eq, %parallel_loop3A_868, %parallel_loop3A_869 : vector<16xi32>
        %parallel_loop3A_871 = arith.constant 4095 : i32
        %parallel_loop3A_872 = vector.broadcast %parallel_loop3A_871 : i32 to vector<16xi32>
        %parallel_loop3A_873 = arith.andi %parallel_loop3A_865, %parallel_loop3A_872 : vector<16xi32>
        %parallel_loop3A_874 = arith.constant 3 : i32
        %parallel_loop3A_875 = vector.broadcast %parallel_loop3A_874 : i32 to vector<16xi32>
        %parallel_loop3A_876 = arith.shrui %parallel_loop3A_873, %parallel_loop3A_875 : vector<16xi32>
        %parallel_loop3A_877 = arith.constant 7 : i32
        %parallel_loop3A_878 = vector.broadcast %parallel_loop3A_877 : i32 to vector<16xi32>
        %parallel_loop3A_879 = arith.andi %parallel_loop3A_873, %parallel_loop3A_878 : vector<16xi32>
        tpu.vector_store_idx %arg7[%parallel_loop3A_876, %parallel_loop3A_879, %iota3A], %parallel_loop3A_862 masked %parallel_loop3A_870 {add = true} : memref<512x8x16xf32, #tpu.memory_space<vmem>>[vector<16xi32>, vector<16xi32>, vector<16xi32>], vector<16xf32>, vector<16xi1>
      } {sc.loop_unroll_factor = 8 : i64, sc.parallel_access}
      %add3A_213 = arith.constant 0 : i32
      %add3A_214 = arith.addi %scan3A_167, %add3A_213 : i32
      %min3A = arith.constant 15 : i32
      %min3A_215 = arith.minsi %add3A_214, %min3A : i32
      %mul3A_216 = arith.constant 512 : i32
      %mul3A_217 = arith.muli %min3A_215, %mul3A_216 : i32
      %add3A_218 = arith.constant 128 : i32
      %add3A_219 = arith.addi %mul3A_217, %add3A_218 : i32
      %dma_start3A_220 = arith.constant 0 : i32
      %dma_start3A_221 = arith.constant 0 : i32
      %dma_start3A_222 = arith.constant 0 : i32
      %dma_start3A_223 = arith.constant 0 : i32
      %dma_start3A_224 = tpu.memref_slice %arg5[%dma_start3A_220, %dma_start3A_221, %dma_start3A_222, %dma_start3A_223] : memref<2x64x8x16xi32, #tpu.memory_space<vmem>> -> memref<1x64x8x16xi32, #tpu.memory_space<vmem>>
      %dma_start3A_225 = tpu.memref_squeeze %dma_start3A_224 : memref<1x64x8x16xi32, #tpu.memory_space<vmem>> -> memref<64x8x16xi32, #tpu.memory_space<vmem>>
      %dma_start3A_226 = arith.constant 0 : i32
      %dma_start3A_227 = tpu.memref_slice %arg3[%add3A_219, %shift_right_logical3A_0, %dma_start3A_226, %mul3A_2] : memref<8192x2x8x128xi32, #tpu.memory_space<hbm>> -> memref<64x1x8x16xi32, #tpu.memory_space<hbm>>
      %dma_start3A_228 = tpu.memref_squeeze %dma_start3A_227 : memref<64x1x8x16xi32, #tpu.memory_space<hbm>> -> memref<64x8x16xi32, #tpu.memory_space<hbm>>
      %dma_start3A_229 = arith.constant 0 : i32
      %dma_start3A_230 = arith.constant 0 : i32
      %dma_start3A_231 = arith.constant 0 : i32
      %dma_start3A_232 = tpu.memref_slice %arg5[%dma_start3A_220, %dma_start3A_229, %dma_start3A_230, %dma_start3A_231] : memref<2x64x8x16xi32, #tpu.memory_space<vmem>> -> memref<1x64x8x16xi32, #tpu.memory_space<vmem>>
      %dma_start3A_233 = tpu.memref_squeeze %dma_start3A_232 : memref<1x64x8x16xi32, #tpu.memory_space<vmem>> -> memref<64x8x16xi32, #tpu.memory_space<vmem>>
      %dma_start3A_234 = arith.constant 0 : i32
      %dma_start3A_235 = tpu.memref_slice %arg3[%add3A_219, %shift_right_logical3A_0, %dma_start3A_234, %mul3A_2] : memref<8192x2x8x128xi32, #tpu.memory_space<hbm>> -> memref<64x1x8x16xi32, #tpu.memory_space<hbm>>
      %dma_start3A_236 = tpu.memref_squeeze %dma_start3A_235 : memref<64x1x8x16xi32, #tpu.memory_space<hbm>> -> memref<64x8x16xi32, #tpu.memory_space<hbm>>
      tpu.enqueue_dma source(%dma_start3A_236 : memref<64x8x16xi32, #tpu.memory_space<hbm>>) target(%dma_start3A_233 : memref<64x8x16xi32, #tpu.memory_space<vmem>>) target_semaphore(%arg8 : memref<!tpu.dma_semaphore, #tpu.memory_space<semaphore_mem>>)
      %dma_start3A_237 = arith.constant 0 : i32
      %dma_start3A_238 = arith.constant 0 : i32
      %dma_start3A_239 = arith.constant 0 : i32
      %dma_start3A_240 = arith.constant 0 : i32
      %dma_start3A_241 = tpu.memref_slice %arg6[%dma_start3A_237, %dma_start3A_238, %dma_start3A_239, %dma_start3A_240] : memref<2x64x8x16xf32, #tpu.memory_space<vmem>> -> memref<1x64x8x16xf32, #tpu.memory_space<vmem>>
      %dma_start3A_242 = tpu.memref_squeeze %dma_start3A_241 : memref<1x64x8x16xf32, #tpu.memory_space<vmem>> -> memref<64x8x16xf32, #tpu.memory_space<vmem>>
      %dma_start3A_243 = arith.constant 0 : i32
      %dma_start3A_244 = tpu.memref_slice %arg2[%add3A_219, %shift_right_logical3A_0, %dma_start3A_243, %mul3A_2] : memref<8192x2x8x128xf32, #tpu.memory_space<hbm>> -> memref<64x1x8x16xf32, #tpu.memory_space<hbm>>
      %dma_start3A_245 = tpu.memref_squeeze %dma_start3A_244 : memref<64x1x8x16xf32, #tpu.memory_space<hbm>> -> memref<64x8x16xf32, #tpu.memory_space<hbm>>
      %dma_start3A_246 = arith.constant 0 : i32
      %dma_start3A_247 = arith.constant 0 : i32
      %dma_start3A_248 = arith.constant 0 : i32
      %dma_start3A_249 = tpu.memref_slice %arg6[%dma_start3A_237, %dma_start3A_246, %dma_start3A_247, %dma_start3A_248] : memref<2x64x8x16xf32, #tpu.memory_space<vmem>> -> memref<1x64x8x16xf32, #tpu.memory_space<vmem>>
      %dma_start3A_250 = tpu.memref_squeeze %dma_start3A_249 : memref<1x64x8x16xf32, #tpu.memory_space<vmem>> -> memref<64x8x16xf32, #tpu.memory_space<vmem>>
      %dma_start3A_251 = arith.constant 0 : i32
      %dma_start3A_252 = tpu.memref_slice %arg2[%add3A_219, %shift_right_logical3A_0, %dma_start3A_251, %mul3A_2] : memref<8192x2x8x128xf32, #tpu.memory_space<hbm>> -> memref<64x1x8x16xf32, #tpu.memory_space<hbm>>
      %dma_start3A_253 = tpu.memref_squeeze %dma_start3A_252 : memref<64x1x8x16xf32, #tpu.memory_space<hbm>> -> memref<64x8x16xf32, #tpu.memory_space<hbm>>
      tpu.enqueue_dma source(%dma_start3A_253 : memref<64x8x16xf32, #tpu.memory_space<hbm>>) target(%dma_start3A_250 : memref<64x8x16xf32, #tpu.memory_space<vmem>>) target_semaphore(%arg8 : memref<!tpu.dma_semaphore, #tpu.memory_space<semaphore_mem>>)
      %mul3A_254 = arith.constant 512 : i32
      %mul3A_255 = arith.muli %scan3A_167, %mul3A_254 : i32
      %add3A_256 = arith.constant 64 : i32
      %add3A_257 = arith.addi %mul3A_255, %add3A_256 : i32
      %dma_wait3A_258 = arith.constant 1 : i32
      %dma_wait3A_259 = arith.constant 0 : i32
      %dma_wait3A_260 = arith.constant 0 : i32
      %dma_wait3A_261 = arith.constant 0 : i32
      %dma_wait3A_262 = tpu.memref_slice %arg5[%dma_wait3A_258, %dma_wait3A_259, %dma_wait3A_260, %dma_wait3A_261] : memref<2x64x8x16xi32, #tpu.memory_space<vmem>> -> memref<1x64x8x16xi32, #tpu.memory_space<vmem>>
      %dma_wait3A_263 = tpu.memref_squeeze %dma_wait3A_262 : memref<1x64x8x16xi32, #tpu.memory_space<vmem>> -> memref<64x8x16xi32, #tpu.memory_space<vmem>>
      %dma_wait3A_264 = arith.constant 0 : i32
      %dma_wait3A_265 = tpu.memref_slice %arg3[%add3A_257, %shift_right_logical3A_0, %dma_wait3A_264, %mul3A_2] : memref<8192x2x8x128xi32, #tpu.memory_space<hbm>> -> memref<64x1x8x16xi32, #tpu.memory_space<hbm>>
      %dma_wait3A_266 = tpu.memref_squeeze %dma_wait3A_265 : memref<64x1x8x16xi32, #tpu.memory_space<hbm>> -> memref<64x8x16xi32, #tpu.memory_space<hbm>>
      %dma_wait3A_267 = arith.constant 0 : i32
      %dma_wait3A_268 = arith.constant 0 : i32
      %dma_wait3A_269 = arith.constant 0 : i32
      %dma_wait3A_270 = tpu.memref_slice %arg5[%dma_wait3A_258, %dma_wait3A_267, %dma_wait3A_268, %dma_wait3A_269] : memref<2x64x8x16xi32, #tpu.memory_space<vmem>> -> memref<1x64x8x16xi32, #tpu.memory_space<vmem>>
      %dma_wait3A_271 = tpu.memref_squeeze %dma_wait3A_270 : memref<1x64x8x16xi32, #tpu.memory_space<vmem>> -> memref<64x8x16xi32, #tpu.memory_space<vmem>>
      %dma_wait3A_272 = arith.constant 0 : i32
      %dma_wait3A_273 = tpu.memref_slice %arg3[%add3A_257, %shift_right_logical3A_0, %dma_wait3A_272, %mul3A_2] : memref<8192x2x8x128xi32, #tpu.memory_space<hbm>> -> memref<64x1x8x16xi32, #tpu.memory_space<hbm>>
      %dma_wait3A_274 = tpu.memref_squeeze %dma_wait3A_273 : memref<64x1x8x16xi32, #tpu.memory_space<hbm>> -> memref<64x8x16xi32, #tpu.memory_space<hbm>>
      tpu.wait_dma2 semaphore(%arg8 : memref<!tpu.dma_semaphore, #tpu.memory_space<semaphore_mem>>) src(%dma_wait3A_274 : memref<64x8x16xi32, #tpu.memory_space<hbm>>) dst(%dma_wait3A_271 : memref<64x8x16xi32, #tpu.memory_space<vmem>>)
      %dma_wait3A_275 = arith.constant 1 : i32
      %dma_wait3A_276 = arith.constant 0 : i32
      %dma_wait3A_277 = arith.constant 0 : i32
      %dma_wait3A_278 = arith.constant 0 : i32
      %dma_wait3A_279 = tpu.memref_slice %arg6[%dma_wait3A_275, %dma_wait3A_276, %dma_wait3A_277, %dma_wait3A_278] : memref<2x64x8x16xf32, #tpu.memory_space<vmem>> -> memref<1x64x8x16xf32, #tpu.memory_space<vmem>>
      %dma_wait3A_280 = tpu.memref_squeeze %dma_wait3A_279 : memref<1x64x8x16xf32, #tpu.memory_space<vmem>> -> memref<64x8x16xf32, #tpu.memory_space<vmem>>
      %dma_wait3A_281 = arith.constant 0 : i32
      %dma_wait3A_282 = tpu.memref_slice %arg2[%add3A_257, %shift_right_logical3A_0, %dma_wait3A_281, %mul3A_2] : memref<8192x2x8x128xf32, #tpu.memory_space<hbm>> -> memref<64x1x8x16xf32, #tpu.memory_space<hbm>>
      %dma_wait3A_283 = tpu.memref_squeeze %dma_wait3A_282 : memref<64x1x8x16xf32, #tpu.memory_space<hbm>> -> memref<64x8x16xf32, #tpu.memory_space<hbm>>
      %dma_wait3A_284 = arith.constant 0 : i32
      %dma_wait3A_285 = arith.constant 0 : i32
      %dma_wait3A_286 = arith.constant 0 : i32
      %dma_wait3A_287 = tpu.memref_slice %arg6[%dma_wait3A_275, %dma_wait3A_284, %dma_wait3A_285, %dma_wait3A_286] : memref<2x64x8x16xf32, #tpu.memory_space<vmem>> -> memref<1x64x8x16xf32, #tpu.memory_space<vmem>>
      %dma_wait3A_288 = tpu.memref_squeeze %dma_wait3A_287 : memref<1x64x8x16xf32, #tpu.memory_space<vmem>> -> memref<64x8x16xf32, #tpu.memory_space<vmem>>
      %dma_wait3A_289 = arith.constant 0 : i32
      %dma_wait3A_290 = tpu.memref_slice %arg2[%add3A_257, %shift_right_logical3A_0, %dma_wait3A_289, %mul3A_2] : memref<8192x2x8x128xf32, #tpu.memory_space<hbm>> -> memref<64x1x8x16xf32, #tpu.memory_space<hbm>>
      %dma_wait3A_291 = tpu.memref_squeeze %dma_wait3A_290 : memref<64x1x8x16xf32, #tpu.memory_space<hbm>> -> memref<64x8x16xf32, #tpu.memory_space<hbm>>
      tpu.wait_dma2 semaphore(%arg8 : memref<!tpu.dma_semaphore, #tpu.memory_space<semaphore_mem>>) src(%dma_wait3A_291 : memref<64x8x16xf32, #tpu.memory_space<hbm>>) dst(%dma_wait3A_288 : memref<64x8x16xf32, #tpu.memory_space<vmem>>)
      %parallel_loop3A_292 = arith.constant 0 : i32
      %parallel_loop3A_293 = arith.constant 512 : i32
      %parallel_loop3A_294 = arith.constant 1 : i32
      scf.for %parallel_loop3A_846 = %parallel_loop3A_292 to %parallel_loop3A_293 step %parallel_loop3A_294  : i32 {
        %parallel_loop3A_847 = arith.constant 3 : i32
        %parallel_loop3A_848 = arith.shrui %parallel_loop3A_846, %parallel_loop3A_847 : i32
        %parallel_loop3A_849 = arith.constant 7 : i32
        %parallel_loop3A_850 = arith.andi %parallel_loop3A_846, %parallel_loop3A_849 : i32
        %parallel_loop3A_851 = arith.constant 1 : i32
        %parallel_loop3A_852 = arith.index_cast %parallel_loop3A_851 : i32 to index
        %parallel_loop3A_853 = arith.index_cast %parallel_loop3A_848 : i32 to index
        %parallel_loop3A_854 = arith.index_cast %parallel_loop3A_850 : i32 to index
        %parallel_loop3A_855 = arith.constant 0 : index
        %parallel_loop3A_856 = tpu.vector_load %arg5[%parallel_loop3A_852, %parallel_loop3A_853, %parallel_loop3A_854, %parallel_loop3A_855] {strides = array<i32>} : memref<2x64x8x16xi32, #tpu.memory_space<vmem>>, vector<16xi32>,
        %parallel_loop3A_857 = arith.constant 1 : i32
        %parallel_loop3A_858 = arith.index_cast %parallel_loop3A_857 : i32 to index
        %parallel_loop3A_859 = arith.index_cast %parallel_loop3A_848 : i32 to index
        %parallel_loop3A_860 = arith.index_cast %parallel_loop3A_850 : i32 to index
        %parallel_loop3A_861 = arith.constant 0 : index
        %parallel_loop3A_862 = tpu.vector_load %arg6[%parallel_loop3A_858, %parallel_loop3A_859, %parallel_loop3A_860, %parallel_loop3A_861] {strides = array<i32>} : memref<2x64x8x16xf32, #tpu.memory_space<vmem>>, vector<16xf32>,
        %parallel_loop3A_863 = arith.constant 8 : i32
        %parallel_loop3A_864 = vector.broadcast %parallel_loop3A_863 : i32 to vector<16xi32>
        %parallel_loop3A_865 = arith.shrui %parallel_loop3A_856, %parallel_loop3A_864 : vector<16xi32>
        %parallel_loop3A_866 = arith.constant 12 : i32
        %parallel_loop3A_867 = vector.broadcast %parallel_loop3A_866 : i32 to vector<16xi32>
        %parallel_loop3A_868 = arith.shrui %parallel_loop3A_865, %parallel_loop3A_867 : vector<16xi32>
        %parallel_loop3A_869 = vector.broadcast %arg0 : i32 to vector<16xi32>
        %parallel_loop3A_870 = arith.cmpi eq, %parallel_loop3A_868, %parallel_loop3A_869 : vector<16xi32>
        %parallel_loop3A_871 = arith.constant 4095 : i32
        %parallel_loop3A_872 = vector.broadcast %parallel_loop3A_871 : i32 to vector<16xi32>
        %parallel_loop3A_873 = arith.andi %parallel_loop3A_865, %parallel_loop3A_872 : vector<16xi32>
        %parallel_loop3A_874 = arith.constant 3 : i32
        %parallel_loop3A_875 = vector.broadcast %parallel_loop3A_874 : i32 to vector<16xi32>
        %parallel_loop3A_876 = arith.shrui %parallel_loop3A_873, %parallel_loop3A_875 : vector<16xi32>
        %parallel_loop3A_877 = arith.constant 7 : i32
        %parallel_loop3A_878 = vector.broadcast %parallel_loop3A_877 : i32 to vector<16xi32>
        %parallel_loop3A_879 = arith.andi %parallel_loop3A_873, %parallel_loop3A_878 : vector<16xi32>
        tpu.vector_store_idx %arg7[%parallel_loop3A_876, %parallel_loop3A_879, %iota3A], %parallel_loop3A_862 masked %parallel_loop3A_870 {add = true} : memref<512x8x16xf32, #tpu.memory_space<vmem>>[vector<16xi32>, vector<16xi32>, vector<16xi32>], vector<16xf32>, vector<16xi1>
      } {sc.loop_unroll_factor = 8 : i64, sc.parallel_access}
      %add3A_295 = arith.constant 0 : i32
      %add3A_296 = arith.addi %scan3A_167, %add3A_295 : i32
      %min3A_297 = arith.constant 15 : i32
      %min3A_298 = arith.minsi %add3A_296, %min3A_297 : i32
      %mul3A_299 = arith.constant 512 : i32
      %mul3A_300 = arith.muli %min3A_298, %mul3A_299 : i32
      %add3A_301 = arith.constant 192 : i32
      %add3A_302 = arith.addi %mul3A_300, %add3A_301 : i32
      %dma_start3A_303 = arith.constant 1 : i32
      %dma_start3A_304 = arith.constant 0 : i32
      %dma_start3A_305 = arith.constant 0 : i32
      %dma_start3A_306 = arith.constant 0 : i32
      %dma_start3A_307 = tpu.memref_slice %arg5[%dma_start3A_303, %dma_start3A_304, %dma_start3A_305, %dma_start3A_306] : memref<2x64x8x16xi32, #tpu.memory_space<vmem>> -> memref<1x64x8x16xi32, #tpu.memory_space<vmem>>
      %dma_start3A_308 = tpu.memref_squeeze %dma_start3A_307 : memref<1x64x8x16xi32, #tpu.memory_space<vmem>> -> memref<64x8x16xi32, #tpu.memory_space<vmem>>
      %dma_start3A_309 = arith.constant 0 : i32
      %dma_start3A_310 = tpu.memref_slice %arg3[%add3A_302, %shift_right_logical3A_0, %dma_start3A_309, %mul3A_2] : memref<8192x2x8x128xi32, #tpu.memory_space<hbm>> -> memref<64x1x8x16xi32, #tpu.memory_space<hbm>>
      %dma_start3A_311 = tpu.memref_squeeze %dma_start3A_310 : memref<64x1x8x16xi32, #tpu.memory_space<hbm>> -> memref<64x8x16xi32, #tpu.memory_space<hbm>>
      %dma_start3A_312 = arith.constant 0 : i32
      %dma_start3A_313 = arith.constant 0 : i32
      %dma_start3A_314 = arith.constant 0 : i32
      %dma_start3A_315 = tpu.memref_slice %arg5[%dma_start3A_303, %dma_start3A_312, %dma_start3A_313, %dma_start3A_314] : memref<2x64x8x16xi32, #tpu.memory_space<vmem>> -> memref<1x64x8x16xi32, #tpu.memory_space<vmem>>
      %dma_start3A_316 = tpu.memref_squeeze %dma_start3A_315 : memref<1x64x8x16xi32, #tpu.memory_space<vmem>> -> memref<64x8x16xi32, #tpu.memory_space<vmem>>
      %dma_start3A_317 = arith.constant 0 : i32
      %dma_start3A_318 = tpu.memref_slice %arg3[%add3A_302, %shift_right_logical3A_0, %dma_start3A_317, %mul3A_2] : memref<8192x2x8x128xi32, #tpu.memory_space<hbm>> -> memref<64x1x8x16xi32, #tpu.memory_space<hbm>>
      %dma_start3A_319 = tpu.memref_squeeze %dma_start3A_318 : memref<64x1x8x16xi32, #tpu.memory_space<hbm>> -> memref<64x8x16xi32, #tpu.memory_space<hbm>>
      tpu.enqueue_dma source(%dma_start3A_319 : memref<64x8x16xi32, #tpu.memory_space<hbm>>) target(%dma_start3A_316 : memref<64x8x16xi32, #tpu.memory_space<vmem>>) target_semaphore(%arg8 : memref<!tpu.dma_semaphore, #tpu.memory_space<semaphore_mem>>)
      %dma_start3A_320 = arith.constant 1 : i32
      %dma_start3A_321 = arith.constant 0 : i32
      %dma_start3A_322 = arith.constant 0 : i32
      %dma_start3A_323 = arith.constant 0 : i32
      %dma_start3A_324 = tpu.memref_slice %arg6[%dma_start3A_320, %dma_start3A_321, %dma_start3A_322, %dma_start3A_323] : memref<2x64x8x16xf32, #tpu.memory_space<vmem>> -> memref<1x64x8x16xf32, #tpu.memory_space<vmem>>
      %dma_start3A_325 = tpu.memref_squeeze %dma_start3A_324 : memref<1x64x8x16xf32, #tpu.memory_space<vmem>> -> memref<64x8x16xf32, #tpu.memory_space<vmem>>
      %dma_start3A_326 = arith.constant 0 : i32
      %dma_start3A_327 = tpu.memref_slice %arg2[%add3A_302, %shift_right_logical3A_0, %dma_start3A_326, %mul3A_2] : memref<8192x2x8x128xf32, #tpu.memory_space<hbm>> -> memref<64x1x8x16xf32, #tpu.memory_space<hbm>>
      %dma_start3A_328 = tpu.memref_squeeze %dma_start3A_327 : memref<64x1x8x16xf32, #tpu.memory_space<hbm>> -> memref<64x8x16xf32, #tpu.memory_space<hbm>>
      %dma_start3A_329 = arith.constant 0 : i32
      %dma_start3A_330 = arith.constant 0 : i32
      %dma_start3A_331 = arith.constant 0 : i32
      %dma_start3A_332 = tpu.memref_slice %arg6[%dma_start3A_320, %dma_start3A_329, %dma_start3A_330, %dma_start3A_331] : memref<2x64x8x16xf32, #tpu.memory_space<vmem>> -> memref<1x64x8x16xf32, #tpu.memory_space<vmem>>
      %dma_start3A_333 = tpu.memref_squeeze %dma_start3A_332 : memref<1x64x8x16xf32, #tpu.memory_space<vmem>> -> memref<64x8x16xf32, #tpu.memory_space<vmem>>
      %dma_start3A_334 = arith.constant 0 : i32
      %dma_start3A_335 = tpu.memref_slice %arg2[%add3A_302, %shift_right_logical3A_0, %dma_start3A_334, %mul3A_2] : memref<8192x2x8x128xf32, #tpu.memory_space<hbm>> -> memref<64x1x8x16xf32, #tpu.memory_space<hbm>>
      %dma_start3A_336 = tpu.memref_squeeze %dma_start3A_335 : memref<64x1x8x16xf32, #tpu.memory_space<hbm>> -> memref<64x8x16xf32, #tpu.memory_space<hbm>>
      tpu.enqueue_dma source(%dma_start3A_336 : memref<64x8x16xf32, #tpu.memory_space<hbm>>) target(%dma_start3A_333 : memref<64x8x16xf32, #tpu.memory_space<vmem>>) target_semaphore(%arg8 : memref<!tpu.dma_semaphore, #tpu.memory_space<semaphore_mem>>)
      %mul3A_337 = arith.constant 512 : i32
      %mul3A_338 = arith.muli %scan3A_167, %mul3A_337 : i32
      %add3A_339 = arith.constant 128 : i32
      %add3A_340 = arith.addi %mul3A_338, %add3A_339 : i32
      %dma_wait3A_341 = arith.constant 0 : i32
      %dma_wait3A_342 = arith.constant 0 : i32
      %dma_wait3A_343 = arith.constant 0 : i32
      %dma_wait3A_344 = arith.constant 0 : i32
      %dma_wait3A_345 = tpu.memref_slice %arg5[%dma_wait3A_341, %dma_wait3A_342, %dma_wait3A_343, %dma_wait3A_344] : memref<2x64x8x16xi32, #tpu.memory_space<vmem>> -> memref<1x64x8x16xi32, #tpu.memory_space<vmem>>
      %dma_wait3A_346 = tpu.memref_squeeze %dma_wait3A_345 : memref<1x64x8x16xi32, #tpu.memory_space<vmem>> -> memref<64x8x16xi32, #tpu.memory_space<vmem>>
      %dma_wait3A_347 = arith.constant 0 : i32
      %dma_wait3A_348 = tpu.memref_slice %arg3[%add3A_340, %shift_right_logical3A_0, %dma_wait3A_347, %mul3A_2] : memref<8192x2x8x128xi32, #tpu.memory_space<hbm>> -> memref<64x1x8x16xi32, #tpu.memory_space<hbm>>
      %dma_wait3A_349 = tpu.memref_squeeze %dma_wait3A_348 : memref<64x1x8x16xi32, #tpu.memory_space<hbm>> -> memref<64x8x16xi32, #tpu.memory_space<hbm>>
      %dma_wait3A_350 = arith.constant 0 : i32
      %dma_wait3A_351 = arith.constant 0 : i32
      %dma_wait3A_352 = arith.constant 0 : i32
      %dma_wait3A_353 = tpu.memref_slice %arg5[%dma_wait3A_341, %dma_wait3A_350, %dma_wait3A_351, %dma_wait3A_352] : memref<2x64x8x16xi32, #tpu.memory_space<vmem>> -> memref<1x64x8x16xi32, #tpu.memory_space<vmem>>
      %dma_wait3A_354 = tpu.memref_squeeze %dma_wait3A_353 : memref<1x64x8x16xi32, #tpu.memory_space<vmem>> -> memref<64x8x16xi32, #tpu.memory_space<vmem>>
      %dma_wait3A_355 = arith.constant 0 : i32
      %dma_wait3A_356 = tpu.memref_slice %arg3[%add3A_340, %shift_right_logical3A_0, %dma_wait3A_355, %mul3A_2] : memref<8192x2x8x128xi32, #tpu.memory_space<hbm>> -> memref<64x1x8x16xi32, #tpu.memory_space<hbm>>
      %dma_wait3A_357 = tpu.memref_squeeze %dma_wait3A_356 : memref<64x1x8x16xi32, #tpu.memory_space<hbm>> -> memref<64x8x16xi32, #tpu.memory_space<hbm>>
      tpu.wait_dma2 semaphore(%arg8 : memref<!tpu.dma_semaphore, #tpu.memory_space<semaphore_mem>>) src(%dma_wait3A_357 : memref<64x8x16xi32, #tpu.memory_space<hbm>>) dst(%dma_wait3A_354 : memref<64x8x16xi32, #tpu.memory_space<vmem>>)
      %dma_wait3A_358 = arith.constant 0 : i32
      %dma_wait3A_359 = arith.constant 0 : i32
      %dma_wait3A_360 = arith.constant 0 : i32
      %dma_wait3A_361 = arith.constant 0 : i32
      %dma_wait3A_362 = tpu.memref_slice %arg6[%dma_wait3A_358, %dma_wait3A_359, %dma_wait3A_360, %dma_wait3A_361] : memref<2x64x8x16xf32, #tpu.memory_space<vmem>> -> memref<1x64x8x16xf32, #tpu.memory_space<vmem>>
      %dma_wait3A_363 = tpu.memref_squeeze %dma_wait3A_362 : memref<1x64x8x16xf32, #tpu.memory_space<vmem>> -> memref<64x8x16xf32, #tpu.memory_space<vmem>>
      %dma_wait3A_364 = arith.constant 0 : i32
      %dma_wait3A_365 = tpu.memref_slice %arg2[%add3A_340, %shift_right_logical3A_0, %dma_wait3A_364, %mul3A_2] : memref<8192x2x8x128xf32, #tpu.memory_space<hbm>> -> memref<64x1x8x16xf32, #tpu.memory_space<hbm>>
      %dma_wait3A_366 = tpu.memref_squeeze %dma_wait3A_365 : memref<64x1x8x16xf32, #tpu.memory_space<hbm>> -> memref<64x8x16xf32, #tpu.memory_space<hbm>>
      %dma_wait3A_367 = arith.constant 0 : i32
      %dma_wait3A_368 = arith.constant 0 : i32
      %dma_wait3A_369 = arith.constant 0 : i32
      %dma_wait3A_370 = tpu.memref_slice %arg6[%dma_wait3A_358, %dma_wait3A_367, %dma_wait3A_368, %dma_wait3A_369] : memref<2x64x8x16xf32, #tpu.memory_space<vmem>> -> memref<1x64x8x16xf32, #tpu.memory_space<vmem>>
      %dma_wait3A_371 = tpu.memref_squeeze %dma_wait3A_370 : memref<1x64x8x16xf32, #tpu.memory_space<vmem>> -> memref<64x8x16xf32, #tpu.memory_space<vmem>>
      %dma_wait3A_372 = arith.constant 0 : i32
      %dma_wait3A_373 = tpu.memref_slice %arg2[%add3A_340, %shift_right_logical3A_0, %dma_wait3A_372, %mul3A_2] : memref<8192x2x8x128xf32, #tpu.memory_space<hbm>> -> memref<64x1x8x16xf32, #tpu.memory_space<hbm>>
      %dma_wait3A_374 = tpu.memref_squeeze %dma_wait3A_373 : memref<64x1x8x16xf32, #tpu.memory_space<hbm>> -> memref<64x8x16xf32, #tpu.memory_space<hbm>>
      tpu.wait_dma2 semaphore(%arg8 : memref<!tpu.dma_semaphore, #tpu.memory_space<semaphore_mem>>) src(%dma_wait3A_374 : memref<64x8x16xf32, #tpu.memory_space<hbm>>) dst(%dma_wait3A_371 : memref<64x8x16xf32, #tpu.memory_space<vmem>>)
      %parallel_loop3A_375 = arith.constant 0 : i32
      %parallel_loop3A_376 = arith.constant 512 : i32
      %parallel_loop3A_377 = arith.constant 1 : i32
      scf.for %parallel_loop3A_846 = %parallel_loop3A_375 to %parallel_loop3A_376 step %parallel_loop3A_377  : i32 {
        %parallel_loop3A_847 = arith.constant 3 : i32
        %parallel_loop3A_848 = arith.shrui %parallel_loop3A_846, %parallel_loop3A_847 : i32
        %parallel_loop3A_849 = arith.constant 7 : i32
        %parallel_loop3A_850 = arith.andi %parallel_loop3A_846, %parallel_loop3A_849 : i32
        %parallel_loop3A_851 = arith.constant 0 : i32
        %parallel_loop3A_852 = arith.index_cast %parallel_loop3A_851 : i32 to index
        %parallel_loop3A_853 = arith.index_cast %parallel_loop3A_848 : i32 to index
        %parallel_loop3A_854 = arith.index_cast %parallel_loop3A_850 : i32 to index
        %parallel_loop3A_855 = arith.constant 0 : index
        %parallel_loop3A_856 = tpu.vector_load %arg5[%parallel_loop3A_852, %parallel_loop3A_853, %parallel_loop3A_854, %parallel_loop3A_855] {strides = array<i32>} : memref<2x64x8x16xi32, #tpu.memory_space<vmem>>, vector<16xi32>,
        %parallel_loop3A_857 = arith.constant 0 : i32
        %parallel_loop3A_858 = arith.index_cast %parallel_loop3A_857 : i32 to index
        %parallel_loop3A_859 = arith.index_cast %parallel_loop3A_848 : i32 to index
        %parallel_loop3A_860 = arith.index_cast %parallel_loop3A_850 : i32 to index
        %parallel_loop3A_861 = arith.constant 0 : index
        %parallel_loop3A_862 = tpu.vector_load %arg6[%parallel_loop3A_858, %parallel_loop3A_859, %parallel_loop3A_860, %parallel_loop3A_861] {strides = array<i32>} : memref<2x64x8x16xf32, #tpu.memory_space<vmem>>, vector<16xf32>,
        %parallel_loop3A_863 = arith.constant 8 : i32
        %parallel_loop3A_864 = vector.broadcast %parallel_loop3A_863 : i32 to vector<16xi32>
        %parallel_loop3A_865 = arith.shrui %parallel_loop3A_856, %parallel_loop3A_864 : vector<16xi32>
        %parallel_loop3A_866 = arith.constant 12 : i32
        %parallel_loop3A_867 = vector.broadcast %parallel_loop3A_866 : i32 to vector<16xi32>
        %parallel_loop3A_868 = arith.shrui %parallel_loop3A_865, %parallel_loop3A_867 : vector<16xi32>
        %parallel_loop3A_869 = vector.broadcast %arg0 : i32 to vector<16xi32>
        %parallel_loop3A_870 = arith.cmpi eq, %parallel_loop3A_868, %parallel_loop3A_869 : vector<16xi32>
        %parallel_loop3A_871 = arith.constant 4095 : i32
        %parallel_loop3A_872 = vector.broadcast %parallel_loop3A_871 : i32 to vector<16xi32>
        %parallel_loop3A_873 = arith.andi %parallel_loop3A_865, %parallel_loop3A_872 : vector<16xi32>
        %parallel_loop3A_874 = arith.constant 3 : i32
        %parallel_loop3A_875 = vector.broadcast %parallel_loop3A_874 : i32 to vector<16xi32>
        %parallel_loop3A_876 = arith.shrui %parallel_loop3A_873, %parallel_loop3A_875 : vector<16xi32>
        %parallel_loop3A_877 = arith.constant 7 : i32
        %parallel_loop3A_878 = vector.broadcast %parallel_loop3A_877 : i32 to vector<16xi32>
        %parallel_loop3A_879 = arith.andi %parallel_loop3A_873, %parallel_loop3A_878 : vector<16xi32>
        tpu.vector_store_idx %arg7[%parallel_loop3A_876, %parallel_loop3A_879, %iota3A], %parallel_loop3A_862 masked %parallel_loop3A_870 {add = true} : memref<512x8x16xf32, #tpu.memory_space<vmem>>[vector<16xi32>, vector<16xi32>, vector<16xi32>], vector<16xf32>, vector<16xi1>
      } {sc.loop_unroll_factor = 8 : i64, sc.parallel_access}
      %add3A_378 = arith.constant 0 : i32
      %add3A_379 = arith.addi %scan3A_167, %add3A_378 : i32
      %min3A_380 = arith.constant 15 : i32
      %min3A_381 = arith.minsi %add3A_379, %min3A_380 : i32
      %mul3A_382 = arith.constant 512 : i32
      %mul3A_383 = arith.muli %min3A_381, %mul3A_382 : i32
      %add3A_384 = arith.constant 256 : i32
      %add3A_385 = arith.addi %mul3A_383, %add3A_384 : i32
      %dma_start3A_386 = arith.constant 0 : i32
      %dma_start3A_387 = arith.constant 0 : i32
      %dma_start3A_388 = arith.constant 0 : i32
      %dma_start3A_389 = arith.constant 0 : i32
      %dma_start3A_390 = tpu.memref_slice %arg5[%dma_start3A_386, %dma_start3A_387, %dma_start3A_388, %dma_start3A_389] : memref<2x64x8x16xi32, #tpu.memory_space<vmem>> -> memref<1x64x8x16xi32, #tpu.memory_space<vmem>>
      %dma_start3A_391 = tpu.memref_squeeze %dma_start3A_390 : memref<1x64x8x16xi32, #tpu.memory_space<vmem>> -> memref<64x8x16xi32, #tpu.memory_space<vmem>>
      %dma_start3A_392 = arith.constant 0 : i32
      %dma_start3A_393 = tpu.memref_slice %arg3[%add3A_385, %shift_right_logical3A_0, %dma_start3A_392, %mul3A_2] : memref<8192x2x8x128xi32, #tpu.memory_space<hbm>> -> memref<64x1x8x16xi32, #tpu.memory_space<hbm>>
      %dma_start3A_394 = tpu.memref_squeeze %dma_start3A_393 : memref<64x1x8x16xi32, #tpu.memory_space<hbm>> -> memref<64x8x16xi32, #tpu.memory_space<hbm>>
      %dma_start3A_395 = arith.constant 0 : i32
      %dma_start3A_396 = arith.constant 0 : i32
      %dma_start3A_397 = arith.constant 0 : i32
      %dma_start3A_398 = tpu.memref_slice %arg5[%dma_start3A_386, %dma_start3A_395, %dma_start3A_396, %dma_start3A_397] : memref<2x64x8x16xi32, #tpu.memory_space<vmem>> -> memref<1x64x8x16xi32, #tpu.memory_space<vmem>>
      %dma_start3A_399 = tpu.memref_squeeze %dma_start3A_398 : memref<1x64x8x16xi32, #tpu.memory_space<vmem>> -> memref<64x8x16xi32, #tpu.memory_space<vmem>>
      %dma_start3A_400 = arith.constant 0 : i32
      %dma_start3A_401 = tpu.memref_slice %arg3[%add3A_385, %shift_right_logical3A_0, %dma_start3A_400, %mul3A_2] : memref<8192x2x8x128xi32, #tpu.memory_space<hbm>> -> memref<64x1x8x16xi32, #tpu.memory_space<hbm>>
      %dma_start3A_402 = tpu.memref_squeeze %dma_start3A_401 : memref<64x1x8x16xi32, #tpu.memory_space<hbm>> -> memref<64x8x16xi32, #tpu.memory_space<hbm>>
      tpu.enqueue_dma source(%dma_start3A_402 : memref<64x8x16xi32, #tpu.memory_space<hbm>>) target(%dma_start3A_399 : memref<64x8x16xi32, #tpu.memory_space<vmem>>) target_semaphore(%arg8 : memref<!tpu.dma_semaphore, #tpu.memory_space<semaphore_mem>>)
      %dma_start3A_403 = arith.constant 0 : i32
      %dma_start3A_404 = arith.constant 0 : i32
      %dma_start3A_405 = arith.constant 0 : i32
      %dma_start3A_406 = arith.constant 0 : i32
      %dma_start3A_407 = tpu.memref_slice %arg6[%dma_start3A_403, %dma_start3A_404, %dma_start3A_405, %dma_start3A_406] : memref<2x64x8x16xf32, #tpu.memory_space<vmem>> -> memref<1x64x8x16xf32, #tpu.memory_space<vmem>>
      %dma_start3A_408 = tpu.memref_squeeze %dma_start3A_407 : memref<1x64x8x16xf32, #tpu.memory_space<vmem>> -> memref<64x8x16xf32, #tpu.memory_space<vmem>>
      %dma_start3A_409 = arith.constant 0 : i32
      %dma_start3A_410 = tpu.memref_slice %arg2[%add3A_385, %shift_right_logical3A_0, %dma_start3A_409, %mul3A_2] : memref<8192x2x8x128xf32, #tpu.memory_space<hbm>> -> memref<64x1x8x16xf32, #tpu.memory_space<hbm>>
      %dma_start3A_411 = tpu.memref_squeeze %dma_start3A_410 : memref<64x1x8x16xf32, #tpu.memory_space<hbm>> -> memref<64x8x16xf32, #tpu.memory_space<hbm>>
      %dma_start3A_412 = arith.constant 0 : i32
      %dma_start3A_413 = arith.constant 0 : i32
      %dma_start3A_414 = arith.constant 0 : i32
      %dma_start3A_415 = tpu.memref_slice %arg6[%dma_start3A_403, %dma_start3A_412, %dma_start3A_413, %dma_start3A_414] : memref<2x64x8x16xf32, #tpu.memory_space<vmem>> -> memref<1x64x8x16xf32, #tpu.memory_space<vmem>>
      %dma_start3A_416 = tpu.memref_squeeze %dma_start3A_415 : memref<1x64x8x16xf32, #tpu.memory_space<vmem>> -> memref<64x8x16xf32, #tpu.memory_space<vmem>>
      %dma_start3A_417 = arith.constant 0 : i32
      %dma_start3A_418 = tpu.memref_slice %arg2[%add3A_385, %shift_right_logical3A_0, %dma_start3A_417, %mul3A_2] : memref<8192x2x8x128xf32, #tpu.memory_space<hbm>> -> memref<64x1x8x16xf32, #tpu.memory_space<hbm>>
      %dma_start3A_419 = tpu.memref_squeeze %dma_start3A_418 : memref<64x1x8x16xf32, #tpu.memory_space<hbm>> -> memref<64x8x16xf32, #tpu.memory_space<hbm>>
      tpu.enqueue_dma source(%dma_start3A_419 : memref<64x8x16xf32, #tpu.memory_space<hbm>>) target(%dma_start3A_416 : memref<64x8x16xf32, #tpu.memory_space<vmem>>) target_semaphore(%arg8 : memref<!tpu.dma_semaphore, #tpu.memory_space<semaphore_mem>>)
      %mul3A_420 = arith.constant 512 : i32
      %mul3A_421 = arith.muli %scan3A_167, %mul3A_420 : i32
      %add3A_422 = arith.constant 192 : i32
      %add3A_423 = arith.addi %mul3A_421, %add3A_422 : i32
      %dma_wait3A_424 = arith.constant 1 : i32
      %dma_wait3A_425 = arith.constant 0 : i32
      %dma_wait3A_426 = arith.constant 0 : i32
      %dma_wait3A_427 = arith.constant 0 : i32
      %dma_wait3A_428 = tpu.memref_slice %arg5[%dma_wait3A_424, %dma_wait3A_425, %dma_wait3A_426, %dma_wait3A_427] : memref<2x64x8x16xi32, #tpu.memory_space<vmem>> -> memref<1x64x8x16xi32, #tpu.memory_space<vmem>>
      %dma_wait3A_429 = tpu.memref_squeeze %dma_wait3A_428 : memref<1x64x8x16xi32, #tpu.memory_space<vmem>> -> memref<64x8x16xi32, #tpu.memory_space<vmem>>
      %dma_wait3A_430 = arith.constant 0 : i32
      %dma_wait3A_431 = tpu.memref_slice %arg3[%add3A_423, %shift_right_logical3A_0, %dma_wait3A_430, %mul3A_2] : memref<8192x2x8x128xi32, #tpu.memory_space<hbm>> -> memref<64x1x8x16xi32, #tpu.memory_space<hbm>>
      %dma_wait3A_432 = tpu.memref_squeeze %dma_wait3A_431 : memref<64x1x8x16xi32, #tpu.memory_space<hbm>> -> memref<64x8x16xi32, #tpu.memory_space<hbm>>
      %dma_wait3A_433 = arith.constant 0 : i32
      %dma_wait3A_434 = arith.constant 0 : i32
      %dma_wait3A_435 = arith.constant 0 : i32
      %dma_wait3A_436 = tpu.memref_slice %arg5[%dma_wait3A_424, %dma_wait3A_433, %dma_wait3A_434, %dma_wait3A_435] : memref<2x64x8x16xi32, #tpu.memory_space<vmem>> -> memref<1x64x8x16xi32, #tpu.memory_space<vmem>>
      %dma_wait3A_437 = tpu.memref_squeeze %dma_wait3A_436 : memref<1x64x8x16xi32, #tpu.memory_space<vmem>> -> memref<64x8x16xi32, #tpu.memory_space<vmem>>
      %dma_wait3A_438 = arith.constant 0 : i32
      %dma_wait3A_439 = tpu.memref_slice %arg3[%add3A_423, %shift_right_logical3A_0, %dma_wait3A_438, %mul3A_2] : memref<8192x2x8x128xi32, #tpu.memory_space<hbm>> -> memref<64x1x8x16xi32, #tpu.memory_space<hbm>>
      %dma_wait3A_440 = tpu.memref_squeeze %dma_wait3A_439 : memref<64x1x8x16xi32, #tpu.memory_space<hbm>> -> memref<64x8x16xi32, #tpu.memory_space<hbm>>
      tpu.wait_dma2 semaphore(%arg8 : memref<!tpu.dma_semaphore, #tpu.memory_space<semaphore_mem>>) src(%dma_wait3A_440 : memref<64x8x16xi32, #tpu.memory_space<hbm>>) dst(%dma_wait3A_437 : memref<64x8x16xi32, #tpu.memory_space<vmem>>)
      %dma_wait3A_441 = arith.constant 1 : i32
      %dma_wait3A_442 = arith.constant 0 : i32
      %dma_wait3A_443 = arith.constant 0 : i32
      %dma_wait3A_444 = arith.constant 0 : i32
      %dma_wait3A_445 = tpu.memref_slice %arg6[%dma_wait3A_441, %dma_wait3A_442, %dma_wait3A_443, %dma_wait3A_444] : memref<2x64x8x16xf32, #tpu.memory_space<vmem>> -> memref<1x64x8x16xf32, #tpu.memory_space<vmem>>
      %dma_wait3A_446 = tpu.memref_squeeze %dma_wait3A_445 : memref<1x64x8x16xf32, #tpu.memory_space<vmem>> -> memref<64x8x16xf32, #tpu.memory_space<vmem>>
      %dma_wait3A_447 = arith.constant 0 : i32
      %dma_wait3A_448 = tpu.memref_slice %arg2[%add3A_423, %shift_right_logical3A_0, %dma_wait3A_447, %mul3A_2] : memref<8192x2x8x128xf32, #tpu.memory_space<hbm>> -> memref<64x1x8x16xf32, #tpu.memory_space<hbm>>
      %dma_wait3A_449 = tpu.memref_squeeze %dma_wait3A_448 : memref<64x1x8x16xf32, #tpu.memory_space<hbm>> -> memref<64x8x16xf32, #tpu.memory_space<hbm>>
      %dma_wait3A_450 = arith.constant 0 : i32
      %dma_wait3A_451 = arith.constant 0 : i32
      %dma_wait3A_452 = arith.constant 0 : i32
      %dma_wait3A_453 = tpu.memref_slice %arg6[%dma_wait3A_441, %dma_wait3A_450, %dma_wait3A_451, %dma_wait3A_452] : memref<2x64x8x16xf32, #tpu.memory_space<vmem>> -> memref<1x64x8x16xf32, #tpu.memory_space<vmem>>
      %dma_wait3A_454 = tpu.memref_squeeze %dma_wait3A_453 : memref<1x64x8x16xf32, #tpu.memory_space<vmem>> -> memref<64x8x16xf32, #tpu.memory_space<vmem>>
      %dma_wait3A_455 = arith.constant 0 : i32
      %dma_wait3A_456 = tpu.memref_slice %arg2[%add3A_423, %shift_right_logical3A_0, %dma_wait3A_455, %mul3A_2] : memref<8192x2x8x128xf32, #tpu.memory_space<hbm>> -> memref<64x1x8x16xf32, #tpu.memory_space<hbm>>
      %dma_wait3A_457 = tpu.memref_squeeze %dma_wait3A_456 : memref<64x1x8x16xf32, #tpu.memory_space<hbm>> -> memref<64x8x16xf32, #tpu.memory_space<hbm>>
      tpu.wait_dma2 semaphore(%arg8 : memref<!tpu.dma_semaphore, #tpu.memory_space<semaphore_mem>>) src(%dma_wait3A_457 : memref<64x8x16xf32, #tpu.memory_space<hbm>>) dst(%dma_wait3A_454 : memref<64x8x16xf32, #tpu.memory_space<vmem>>)
      %parallel_loop3A_458 = arith.constant 0 : i32
      %parallel_loop3A_459 = arith.constant 512 : i32
      %parallel_loop3A_460 = arith.constant 1 : i32
      scf.for %parallel_loop3A_846 = %parallel_loop3A_458 to %parallel_loop3A_459 step %parallel_loop3A_460  : i32 {
        %parallel_loop3A_847 = arith.constant 3 : i32
        %parallel_loop3A_848 = arith.shrui %parallel_loop3A_846, %parallel_loop3A_847 : i32
        %parallel_loop3A_849 = arith.constant 7 : i32
        %parallel_loop3A_850 = arith.andi %parallel_loop3A_846, %parallel_loop3A_849 : i32
        %parallel_loop3A_851 = arith.constant 1 : i32
        %parallel_loop3A_852 = arith.index_cast %parallel_loop3A_851 : i32 to index
        %parallel_loop3A_853 = arith.index_cast %parallel_loop3A_848 : i32 to index
        %parallel_loop3A_854 = arith.index_cast %parallel_loop3A_850 : i32 to index
        %parallel_loop3A_855 = arith.constant 0 : index
        %parallel_loop3A_856 = tpu.vector_load %arg5[%parallel_loop3A_852, %parallel_loop3A_853, %parallel_loop3A_854, %parallel_loop3A_855] {strides = array<i32>} : memref<2x64x8x16xi32, #tpu.memory_space<vmem>>, vector<16xi32>,
        %parallel_loop3A_857 = arith.constant 1 : i32
        %parallel_loop3A_858 = arith.index_cast %parallel_loop3A_857 : i32 to index
        %parallel_loop3A_859 = arith.index_cast %parallel_loop3A_848 : i32 to index
        %parallel_loop3A_860 = arith.index_cast %parallel_loop3A_850 : i32 to index
        %parallel_loop3A_861 = arith.constant 0 : index
        %parallel_loop3A_862 = tpu.vector_load %arg6[%parallel_loop3A_858, %parallel_loop3A_859, %parallel_loop3A_860, %parallel_loop3A_861] {strides = array<i32>} : memref<2x64x8x16xf32, #tpu.memory_space<vmem>>, vector<16xf32>,
        %parallel_loop3A_863 = arith.constant 8 : i32
        %parallel_loop3A_864 = vector.broadcast %parallel_loop3A_863 : i32 to vector<16xi32>
        %parallel_loop3A_865 = arith.shrui %parallel_loop3A_856, %parallel_loop3A_864 : vector<16xi32>
        %parallel_loop3A_866 = arith.constant 12 : i32
        %parallel_loop3A_867 = vector.broadcast %parallel_loop3A_866 : i32 to vector<16xi32>
        %parallel_loop3A_868 = arith.shrui %parallel_loop3A_865, %parallel_loop3A_867 : vector<16xi32>
        %parallel_loop3A_869 = vector.broadcast %arg0 : i32 to vector<16xi32>
        %parallel_loop3A_870 = arith.cmpi eq, %parallel_loop3A_868, %parallel_loop3A_869 : vector<16xi32>
        %parallel_loop3A_871 = arith.constant 4095 : i32
        %parallel_loop3A_872 = vector.broadcast %parallel_loop3A_871 : i32 to vector<16xi32>
        %parallel_loop3A_873 = arith.andi %parallel_loop3A_865, %parallel_loop3A_872 : vector<16xi32>
        %parallel_loop3A_874 = arith.constant 3 : i32
        %parallel_loop3A_875 = vector.broadcast %parallel_loop3A_874 : i32 to vector<16xi32>
        %parallel_loop3A_876 = arith.shrui %parallel_loop3A_873, %parallel_loop3A_875 : vector<16xi32>
        %parallel_loop3A_877 = arith.constant 7 : i32
        %parallel_loop3A_878 = vector.broadcast %parallel_loop3A_877 : i32 to vector<16xi32>
        %parallel_loop3A_879 = arith.andi %parallel_loop3A_873, %parallel_loop3A_878 : vector<16xi32>
        tpu.vector_store_idx %arg7[%parallel_loop3A_876, %parallel_loop3A_879, %iota3A], %parallel_loop3A_862 masked %parallel_loop3A_870 {add = true} : memref<512x8x16xf32, #tpu.memory_space<vmem>>[vector<16xi32>, vector<16xi32>, vector<16xi32>], vector<16xf32>, vector<16xi1>
      } {sc.loop_unroll_factor = 8 : i64, sc.parallel_access}
      %add3A_461 = arith.constant 0 : i32
      %add3A_462 = arith.addi %scan3A_167, %add3A_461 : i32
      %min3A_463 = arith.constant 15 : i32
      %min3A_464 = arith.minsi %add3A_462, %min3A_463 : i32
      %mul3A_465 = arith.constant 512 : i32
      %mul3A_466 = arith.muli %min3A_464, %mul3A_465 : i32
      %add3A_467 = arith.constant 320 : i32
      %add3A_468 = arith.addi %mul3A_466, %add3A_467 : i32
      %dma_start3A_469 = arith.constant 1 : i32
      %dma_start3A_470 = arith.constant 0 : i32
      %dma_start3A_471 = arith.constant 0 : i32
      %dma_start3A_472 = arith.constant 0 : i32
      %dma_start3A_473 = tpu.memref_slice %arg5[%dma_start3A_469, %dma_start3A_470, %dma_start3A_471, %dma_start3A_472] : memref<2x64x8x16xi32, #tpu.memory_space<vmem>> -> memref<1x64x8x16xi32, #tpu.memory_space<vmem>>
      %dma_start3A_474 = tpu.memref_squeeze %dma_start3A_473 : memref<1x64x8x16xi32, #tpu.memory_space<vmem>> -> memref<64x8x16xi32, #tpu.memory_space<vmem>>
      %dma_start3A_475 = arith.constant 0 : i32
      %dma_start3A_476 = tpu.memref_slice %arg3[%add3A_468, %shift_right_logical3A_0, %dma_start3A_475, %mul3A_2] : memref<8192x2x8x128xi32, #tpu.memory_space<hbm>> -> memref<64x1x8x16xi32, #tpu.memory_space<hbm>>
      %dma_start3A_477 = tpu.memref_squeeze %dma_start3A_476 : memref<64x1x8x16xi32, #tpu.memory_space<hbm>> -> memref<64x8x16xi32, #tpu.memory_space<hbm>>
      %dma_start3A_478 = arith.constant 0 : i32
      %dma_start3A_479 = arith.constant 0 : i32
      %dma_start3A_480 = arith.constant 0 : i32
      %dma_start3A_481 = tpu.memref_slice %arg5[%dma_start3A_469, %dma_start3A_478, %dma_start3A_479, %dma_start3A_480] : memref<2x64x8x16xi32, #tpu.memory_space<vmem>> -> memref<1x64x8x16xi32, #tpu.memory_space<vmem>>
      %dma_start3A_482 = tpu.memref_squeeze %dma_start3A_481 : memref<1x64x8x16xi32, #tpu.memory_space<vmem>> -> memref<64x8x16xi32, #tpu.memory_space<vmem>>
      %dma_start3A_483 = arith.constant 0 : i32
      %dma_start3A_484 = tpu.memref_slice %arg3[%add3A_468, %shift_right_logical3A_0, %dma_start3A_483, %mul3A_2] : memref<8192x2x8x128xi32, #tpu.memory_space<hbm>> -> memref<64x1x8x16xi32, #tpu.memory_space<hbm>>
      %dma_start3A_485 = tpu.memref_squeeze %dma_start3A_484 : memref<64x1x8x16xi32, #tpu.memory_space<hbm>> -> memref<64x8x16xi32, #tpu.memory_space<hbm>>
      tpu.enqueue_dma source(%dma_start3A_485 : memref<64x8x16xi32, #tpu.memory_space<hbm>>) target(%dma_start3A_482 : memref<64x8x16xi32, #tpu.memory_space<vmem>>) target_semaphore(%arg8 : memref<!tpu.dma_semaphore, #tpu.memory_space<semaphore_mem>>)
      %dma_start3A_486 = arith.constant 1 : i32
      %dma_start3A_487 = arith.constant 0 : i32
      %dma_start3A_488 = arith.constant 0 : i32
      %dma_start3A_489 = arith.constant 0 : i32
      %dma_start3A_490 = tpu.memref_slice %arg6[%dma_start3A_486, %dma_start3A_487, %dma_start3A_488, %dma_start3A_489] : memref<2x64x8x16xf32, #tpu.memory_space<vmem>> -> memref<1x64x8x16xf32, #tpu.memory_space<vmem>>
      %dma_start3A_491 = tpu.memref_squeeze %dma_start3A_490 : memref<1x64x8x16xf32, #tpu.memory_space<vmem>> -> memref<64x8x16xf32, #tpu.memory_space<vmem>>
      %dma_start3A_492 = arith.constant 0 : i32
      %dma_start3A_493 = tpu.memref_slice %arg2[%add3A_468, %shift_right_logical3A_0, %dma_start3A_492, %mul3A_2] : memref<8192x2x8x128xf32, #tpu.memory_space<hbm>> -> memref<64x1x8x16xf32, #tpu.memory_space<hbm>>
      %dma_start3A_494 = tpu.memref_squeeze %dma_start3A_493 : memref<64x1x8x16xf32, #tpu.memory_space<hbm>> -> memref<64x8x16xf32, #tpu.memory_space<hbm>>
      %dma_start3A_495 = arith.constant 0 : i32
      %dma_start3A_496 = arith.constant 0 : i32
      %dma_start3A_497 = arith.constant 0 : i32
      %dma_start3A_498 = tpu.memref_slice %arg6[%dma_start3A_486, %dma_start3A_495, %dma_start3A_496, %dma_start3A_497] : memref<2x64x8x16xf32, #tpu.memory_space<vmem>> -> memref<1x64x8x16xf32, #tpu.memory_space<vmem>>
      %dma_start3A_499 = tpu.memref_squeeze %dma_start3A_498 : memref<1x64x8x16xf32, #tpu.memory_space<vmem>> -> memref<64x8x16xf32, #tpu.memory_space<vmem>>
      %dma_start3A_500 = arith.constant 0 : i32
      %dma_start3A_501 = tpu.memref_slice %arg2[%add3A_468, %shift_right_logical3A_0, %dma_start3A_500, %mul3A_2] : memref<8192x2x8x128xf32, #tpu.memory_space<hbm>> -> memref<64x1x8x16xf32, #tpu.memory_space<hbm>>
      %dma_start3A_502 = tpu.memref_squeeze %dma_start3A_501 : memref<64x1x8x16xf32, #tpu.memory_space<hbm>> -> memref<64x8x16xf32, #tpu.memory_space<hbm>>
      tpu.enqueue_dma source(%dma_start3A_502 : memref<64x8x16xf32, #tpu.memory_space<hbm>>) target(%dma_start3A_499 : memref<64x8x16xf32, #tpu.memory_space<vmem>>) target_semaphore(%arg8 : memref<!tpu.dma_semaphore, #tpu.memory_space<semaphore_mem>>)
      %mul3A_503 = arith.constant 512 : i32
      %mul3A_504 = arith.muli %scan3A_167, %mul3A_503 : i32
      %add3A_505 = arith.constant 256 : i32
      %add3A_506 = arith.addi %mul3A_504, %add3A_505 : i32
      %dma_wait3A_507 = arith.constant 0 : i32
      %dma_wait3A_508 = arith.constant 0 : i32
      %dma_wait3A_509 = arith.constant 0 : i32
      %dma_wait3A_510 = arith.constant 0 : i32
      %dma_wait3A_511 = tpu.memref_slice %arg5[%dma_wait3A_507, %dma_wait3A_508, %dma_wait3A_509, %dma_wait3A_510] : memref<2x64x8x16xi32, #tpu.memory_space<vmem>> -> memref<1x64x8x16xi32, #tpu.memory_space<vmem>>
      %dma_wait3A_512 = tpu.memref_squeeze %dma_wait3A_511 : memref<1x64x8x16xi32, #tpu.memory_space<vmem>> -> memref<64x8x16xi32, #tpu.memory_space<vmem>>
      %dma_wait3A_513 = arith.constant 0 : i32
      %dma_wait3A_514 = tpu.memref_slice %arg3[%add3A_506, %shift_right_logical3A_0, %dma_wait3A_513, %mul3A_2] : memref<8192x2x8x128xi32, #tpu.memory_space<hbm>> -> memref<64x1x8x16xi32, #tpu.memory_space<hbm>>
      %dma_wait3A_515 = tpu.memref_squeeze %dma_wait3A_514 : memref<64x1x8x16xi32, #tpu.memory_space<hbm>> -> memref<64x8x16xi32, #tpu.memory_space<hbm>>
      %dma_wait3A_516 = arith.constant 0 : i32
      %dma_wait3A_517 = arith.constant 0 : i32
      %dma_wait3A_518 = arith.constant 0 : i32
      %dma_wait3A_519 = tpu.memref_slice %arg5[%dma_wait3A_507, %dma_wait3A_516, %dma_wait3A_517, %dma_wait3A_518] : memref<2x64x8x16xi32, #tpu.memory_space<vmem>> -> memref<1x64x8x16xi32, #tpu.memory_space<vmem>>
      %dma_wait3A_520 = tpu.memref_squeeze %dma_wait3A_519 : memref<1x64x8x16xi32, #tpu.memory_space<vmem>> -> memref<64x8x16xi32, #tpu.memory_space<vmem>>
      %dma_wait3A_521 = arith.constant 0 : i32
      %dma_wait3A_522 = tpu.memref_slice %arg3[%add3A_506, %shift_right_logical3A_0, %dma_wait3A_521, %mul3A_2] : memref<8192x2x8x128xi32, #tpu.memory_space<hbm>> -> memref<64x1x8x16xi32, #tpu.memory_space<hbm>>
      %dma_wait3A_523 = tpu.memref_squeeze %dma_wait3A_522 : memref<64x1x8x16xi32, #tpu.memory_space<hbm>> -> memref<64x8x16xi32, #tpu.memory_space<hbm>>
      tpu.wait_dma2 semaphore(%arg8 : memref<!tpu.dma_semaphore, #tpu.memory_space<semaphore_mem>>) src(%dma_wait3A_523 : memref<64x8x16xi32, #tpu.memory_space<hbm>>) dst(%dma_wait3A_520 : memref<64x8x16xi32, #tpu.memory_space<vmem>>)
      %dma_wait3A_524 = arith.constant 0 : i32
      %dma_wait3A_525 = arith.constant 0 : i32
      %dma_wait3A_526 = arith.constant 0 : i32
      %dma_wait3A_527 = arith.constant 0 : i32
      %dma_wait3A_528 = tpu.memref_slice %arg6[%dma_wait3A_524, %dma_wait3A_525, %dma_wait3A_526, %dma_wait3A_527] : memref<2x64x8x16xf32, #tpu.memory_space<vmem>> -> memref<1x64x8x16xf32, #tpu.memory_space<vmem>>
      %dma_wait3A_529 = tpu.memref_squeeze %dma_wait3A_528 : memref<1x64x8x16xf32, #tpu.memory_space<vmem>> -> memref<64x8x16xf32, #tpu.memory_space<vmem>>
      %dma_wait3A_530 = arith.constant 0 : i32
      %dma_wait3A_531 = tpu.memref_slice %arg2[%add3A_506, %shift_right_logical3A_0, %dma_wait3A_530, %mul3A_2] : memref<8192x2x8x128xf32, #tpu.memory_space<hbm>> -> memref<64x1x8x16xf32, #tpu.memory_space<hbm>>
      %dma_wait3A_532 = tpu.memref_squeeze %dma_wait3A_531 : memref<64x1x8x16xf32, #tpu.memory_space<hbm>> -> memref<64x8x16xf32, #tpu.memory_space<hbm>>
      %dma_wait3A_533 = arith.constant 0 : i32
      %dma_wait3A_534 = arith.constant 0 : i32
      %dma_wait3A_535 = arith.constant 0 : i32
      %dma_wait3A_536 = tpu.memref_slice %arg6[%dma_wait3A_524, %dma_wait3A_533, %dma_wait3A_534, %dma_wait3A_535] : memref<2x64x8x16xf32, #tpu.memory_space<vmem>> -> memref<1x64x8x16xf32, #tpu.memory_space<vmem>>
      %dma_wait3A_537 = tpu.memref_squeeze %dma_wait3A_536 : memref<1x64x8x16xf32, #tpu.memory_space<vmem>> -> memref<64x8x16xf32, #tpu.memory_space<vmem>>
      %dma_wait3A_538 = arith.constant 0 : i32
      %dma_wait3A_539 = tpu.memref_slice %arg2[%add3A_506, %shift_right_logical3A_0, %dma_wait3A_538, %mul3A_2] : memref<8192x2x8x128xf32, #tpu.memory_space<hbm>> -> memref<64x1x8x16xf32, #tpu.memory_space<hbm>>
      %dma_wait3A_540 = tpu.memref_squeeze %dma_wait3A_539 : memref<64x1x8x16xf32, #tpu.memory_space<hbm>> -> memref<64x8x16xf32, #tpu.memory_space<hbm>>
      tpu.wait_dma2 semaphore(%arg8 : memref<!tpu.dma_semaphore, #tpu.memory_space<semaphore_mem>>) src(%dma_wait3A_540 : memref<64x8x16xf32, #tpu.memory_space<hbm>>) dst(%dma_wait3A_537 : memref<64x8x16xf32, #tpu.memory_space<vmem>>)
      %parallel_loop3A_541 = arith.constant 0 : i32
      %parallel_loop3A_542 = arith.constant 512 : i32
      %parallel_loop3A_543 = arith.constant 1 : i32
      scf.for %parallel_loop3A_846 = %parallel_loop3A_541 to %parallel_loop3A_542 step %parallel_loop3A_543  : i32 {
        %parallel_loop3A_847 = arith.constant 3 : i32
        %parallel_loop3A_848 = arith.shrui %parallel_loop3A_846, %parallel_loop3A_847 : i32
        %parallel_loop3A_849 = arith.constant 7 : i32
        %parallel_loop3A_850 = arith.andi %parallel_loop3A_846, %parallel_loop3A_849 : i32
        %parallel_loop3A_851 = arith.constant 0 : i32
        %parallel_loop3A_852 = arith.index_cast %parallel_loop3A_851 : i32 to index
        %parallel_loop3A_853 = arith.index_cast %parallel_loop3A_848 : i32 to index
        %parallel_loop3A_854 = arith.index_cast %parallel_loop3A_850 : i32 to index
        %parallel_loop3A_855 = arith.constant 0 : index
        %parallel_loop3A_856 = tpu.vector_load %arg5[%parallel_loop3A_852, %parallel_loop3A_853, %parallel_loop3A_854, %parallel_loop3A_855] {strides = array<i32>} : memref<2x64x8x16xi32, #tpu.memory_space<vmem>>, vector<16xi32>,
        %parallel_loop3A_857 = arith.constant 0 : i32
        %parallel_loop3A_858 = arith.index_cast %parallel_loop3A_857 : i32 to index
        %parallel_loop3A_859 = arith.index_cast %parallel_loop3A_848 : i32 to index
        %parallel_loop3A_860 = arith.index_cast %parallel_loop3A_850 : i32 to index
        %parallel_loop3A_861 = arith.constant 0 : index
        %parallel_loop3A_862 = tpu.vector_load %arg6[%parallel_loop3A_858, %parallel_loop3A_859, %parallel_loop3A_860, %parallel_loop3A_861] {strides = array<i32>} : memref<2x64x8x16xf32, #tpu.memory_space<vmem>>, vector<16xf32>,
        %parallel_loop3A_863 = arith.constant 8 : i32
        %parallel_loop3A_864 = vector.broadcast %parallel_loop3A_863 : i32 to vector<16xi32>
        %parallel_loop3A_865 = arith.shrui %parallel_loop3A_856, %parallel_loop3A_864 : vector<16xi32>
        %parallel_loop3A_866 = arith.constant 12 : i32
        %parallel_loop3A_867 = vector.broadcast %parallel_loop3A_866 : i32 to vector<16xi32>
        %parallel_loop3A_868 = arith.shrui %parallel_loop3A_865, %parallel_loop3A_867 : vector<16xi32>
        %parallel_loop3A_869 = vector.broadcast %arg0 : i32 to vector<16xi32>
        %parallel_loop3A_870 = arith.cmpi eq, %parallel_loop3A_868, %parallel_loop3A_869 : vector<16xi32>
        %parallel_loop3A_871 = arith.constant 4095 : i32
        %parallel_loop3A_872 = vector.broadcast %parallel_loop3A_871 : i32 to vector<16xi32>
        %parallel_loop3A_873 = arith.andi %parallel_loop3A_865, %parallel_loop3A_872 : vector<16xi32>
        %parallel_loop3A_874 = arith.constant 3 : i32
        %parallel_loop3A_875 = vector.broadcast %parallel_loop3A_874 : i32 to vector<16xi32>
        %parallel_loop3A_876 = arith.shrui %parallel_loop3A_873, %parallel_loop3A_875 : vector<16xi32>
        %parallel_loop3A_877 = arith.constant 7 : i32
        %parallel_loop3A_878 = vector.broadcast %parallel_loop3A_877 : i32 to vector<16xi32>
        %parallel_loop3A_879 = arith.andi %parallel_loop3A_873, %parallel_loop3A_878 : vector<16xi32>
        tpu.vector_store_idx %arg7[%parallel_loop3A_876, %parallel_loop3A_879, %iota3A], %parallel_loop3A_862 masked %parallel_loop3A_870 {add = true} : memref<512x8x16xf32, #tpu.memory_space<vmem>>[vector<16xi32>, vector<16xi32>, vector<16xi32>], vector<16xf32>, vector<16xi1>
      } {sc.loop_unroll_factor = 8 : i64, sc.parallel_access}
      %add3A_544 = arith.constant 0 : i32
      %add3A_545 = arith.addi %scan3A_167, %add3A_544 : i32
      %min3A_546 = arith.constant 15 : i32
      %min3A_547 = arith.minsi %add3A_545, %min3A_546 : i32
      %mul3A_548 = arith.constant 512 : i32
      %mul3A_549 = arith.muli %min3A_547, %mul3A_548 : i32
      %add3A_550 = arith.constant 384 : i32
      %add3A_551 = arith.addi %mul3A_549, %add3A_550 : i32
      %dma_start3A_552 = arith.constant 0 : i32
      %dma_start3A_553 = arith.constant 0 : i32
      %dma_start3A_554 = arith.constant 0 : i32
      %dma_start3A_555 = arith.constant 0 : i32
      %dma_start3A_556 = tpu.memref_slice %arg5[%dma_start3A_552, %dma_start3A_553, %dma_start3A_554, %dma_start3A_555] : memref<2x64x8x16xi32, #tpu.memory_space<vmem>> -> memref<1x64x8x16xi32, #tpu.memory_space<vmem>>
      %dma_start3A_557 = tpu.memref_squeeze %dma_start3A_556 : memref<1x64x8x16xi32, #tpu.memory_space<vmem>> -> memref<64x8x16xi32, #tpu.memory_space<vmem>>
      %dma_start3A_558 = arith.constant 0 : i32
      %dma_start3A_559 = tpu.memref_slice %arg3[%add3A_551, %shift_right_logical3A_0, %dma_start3A_558, %mul3A_2] : memref<8192x2x8x128xi32, #tpu.memory_space<hbm>> -> memref<64x1x8x16xi32, #tpu.memory_space<hbm>>
      %dma_start3A_560 = tpu.memref_squeeze %dma_start3A_559 : memref<64x1x8x16xi32, #tpu.memory_space<hbm>> -> memref<64x8x16xi32, #tpu.memory_space<hbm>>
      %dma_start3A_561 = arith.constant 0 : i32
      %dma_start3A_562 = arith.constant 0 : i32
      %dma_start3A_563 = arith.constant 0 : i32
      %dma_start3A_564 = tpu.memref_slice %arg5[%dma_start3A_552, %dma_start3A_561, %dma_start3A_562, %dma_start3A_563] : memref<2x64x8x16xi32, #tpu.memory_space<vmem>> -> memref<1x64x8x16xi32, #tpu.memory_space<vmem>>
      %dma_start3A_565 = tpu.memref_squeeze %dma_start3A_564 : memref<1x64x8x16xi32, #tpu.memory_space<vmem>> -> memref<64x8x16xi32, #tpu.memory_space<vmem>>
      %dma_start3A_566 = arith.constant 0 : i32
      %dma_start3A_567 = tpu.memref_slice %arg3[%add3A_551, %shift_right_logical3A_0, %dma_start3A_566, %mul3A_2] : memref<8192x2x8x128xi32, #tpu.memory_space<hbm>> -> memref<64x1x8x16xi32, #tpu.memory_space<hbm>>
      %dma_start3A_568 = tpu.memref_squeeze %dma_start3A_567 : memref<64x1x8x16xi32, #tpu.memory_space<hbm>> -> memref<64x8x16xi32, #tpu.memory_space<hbm>>
      tpu.enqueue_dma source(%dma_start3A_568 : memref<64x8x16xi32, #tpu.memory_space<hbm>>) target(%dma_start3A_565 : memref<64x8x16xi32, #tpu.memory_space<vmem>>) target_semaphore(%arg8 : memref<!tpu.dma_semaphore, #tpu.memory_space<semaphore_mem>>)
      %dma_start3A_569 = arith.constant 0 : i32
      %dma_start3A_570 = arith.constant 0 : i32
      %dma_start3A_571 = arith.constant 0 : i32
      %dma_start3A_572 = arith.constant 0 : i32
      %dma_start3A_573 = tpu.memref_slice %arg6[%dma_start3A_569, %dma_start3A_570, %dma_start3A_571, %dma_start3A_572] : memref<2x64x8x16xf32, #tpu.memory_space<vmem>> -> memref<1x64x8x16xf32, #tpu.memory_space<vmem>>
      %dma_start3A_574 = tpu.memref_squeeze %dma_start3A_573 : memref<1x64x8x16xf32, #tpu.memory_space<vmem>> -> memref<64x8x16xf32, #tpu.memory_space<vmem>>
      %dma_start3A_575 = arith.constant 0 : i32
      %dma_start3A_576 = tpu.memref_slice %arg2[%add3A_551, %shift_right_logical3A_0, %dma_start3A_575, %mul3A_2] : memref<8192x2x8x128xf32, #tpu.memory_space<hbm>> -> memref<64x1x8x16xf32, #tpu.memory_space<hbm>>
      %dma_start3A_577 = tpu.memref_squeeze %dma_start3A_576 : memref<64x1x8x16xf32, #tpu.memory_space<hbm>> -> memref<64x8x16xf32, #tpu.memory_space<hbm>>
      %dma_start3A_578 = arith.constant 0 : i32
      %dma_start3A_579 = arith.constant 0 : i32
      %dma_start3A_580 = arith.constant 0 : i32
      %dma_start3A_581 = tpu.memref_slice %arg6[%dma_start3A_569, %dma_start3A_578, %dma_start3A_579, %dma_start3A_580] : memref<2x64x8x16xf32, #tpu.memory_space<vmem>> -> memref<1x64x8x16xf32, #tpu.memory_space<vmem>>
      %dma_start3A_582 = tpu.memref_squeeze %dma_start3A_581 : memref<1x64x8x16xf32, #tpu.memory_space<vmem>> -> memref<64x8x16xf32, #tpu.memory_space<vmem>>
      %dma_start3A_583 = arith.constant 0 : i32
      %dma_start3A_584 = tpu.memref_slice %arg2[%add3A_551, %shift_right_logical3A_0, %dma_start3A_583, %mul3A_2] : memref<8192x2x8x128xf32, #tpu.memory_space<hbm>> -> memref<64x1x8x16xf32, #tpu.memory_space<hbm>>
      %dma_start3A_585 = tpu.memref_squeeze %dma_start3A_584 : memref<64x1x8x16xf32, #tpu.memory_space<hbm>> -> memref<64x8x16xf32, #tpu.memory_space<hbm>>
      tpu.enqueue_dma source(%dma_start3A_585 : memref<64x8x16xf32, #tpu.memory_space<hbm>>) target(%dma_start3A_582 : memref<64x8x16xf32, #tpu.memory_space<vmem>>) target_semaphore(%arg8 : memref<!tpu.dma_semaphore, #tpu.memory_space<semaphore_mem>>)
      %mul3A_586 = arith.constant 512 : i32
      %mul3A_587 = arith.muli %scan3A_167, %mul3A_586 : i32
      %add3A_588 = arith.constant 320 : i32
      %add3A_589 = arith.addi %mul3A_587, %add3A_588 : i32
      %dma_wait3A_590 = arith.constant 1 : i32
      %dma_wait3A_591 = arith.constant 0 : i32
      %dma_wait3A_592 = arith.constant 0 : i32
      %dma_wait3A_593 = arith.constant 0 : i32
      %dma_wait3A_594 = tpu.memref_slice %arg5[%dma_wait3A_590, %dma_wait3A_591, %dma_wait3A_592, %dma_wait3A_593] : memref<2x64x8x16xi32, #tpu.memory_space<vmem>> -> memref<1x64x8x16xi32, #tpu.memory_space<vmem>>
      %dma_wait3A_595 = tpu.memref_squeeze %dma_wait3A_594 : memref<1x64x8x16xi32, #tpu.memory_space<vmem>> -> memref<64x8x16xi32, #tpu.memory_space<vmem>>
      %dma_wait3A_596 = arith.constant 0 : i32
      %dma_wait3A_597 = tpu.memref_slice %arg3[%add3A_589, %shift_right_logical3A_0, %dma_wait3A_596, %mul3A_2] : memref<8192x2x8x128xi32, #tpu.memory_space<hbm>> -> memref<64x1x8x16xi32, #tpu.memory_space<hbm>>
      %dma_wait3A_598 = tpu.memref_squeeze %dma_wait3A_597 : memref<64x1x8x16xi32, #tpu.memory_space<hbm>> -> memref<64x8x16xi32, #tpu.memory_space<hbm>>
      %dma_wait3A_599 = arith.constant 0 : i32
      %dma_wait3A_600 = arith.constant 0 : i32
      %dma_wait3A_601 = arith.constant 0 : i32
      %dma_wait3A_602 = tpu.memref_slice %arg5[%dma_wait3A_590, %dma_wait3A_599, %dma_wait3A_600, %dma_wait3A_601] : memref<2x64x8x16xi32, #tpu.memory_space<vmem>> -> memref<1x64x8x16xi32, #tpu.memory_space<vmem>>
      %dma_wait3A_603 = tpu.memref_squeeze %dma_wait3A_602 : memref<1x64x8x16xi32, #tpu.memory_space<vmem>> -> memref<64x8x16xi32, #tpu.memory_space<vmem>>
      %dma_wait3A_604 = arith.constant 0 : i32
      %dma_wait3A_605 = tpu.memref_slice %arg3[%add3A_589, %shift_right_logical3A_0, %dma_wait3A_604, %mul3A_2] : memref<8192x2x8x128xi32, #tpu.memory_space<hbm>> -> memref<64x1x8x16xi32, #tpu.memory_space<hbm>>
      %dma_wait3A_606 = tpu.memref_squeeze %dma_wait3A_605 : memref<64x1x8x16xi32, #tpu.memory_space<hbm>> -> memref<64x8x16xi32, #tpu.memory_space<hbm>>
      tpu.wait_dma2 semaphore(%arg8 : memref<!tpu.dma_semaphore, #tpu.memory_space<semaphore_mem>>) src(%dma_wait3A_606 : memref<64x8x16xi32, #tpu.memory_space<hbm>>) dst(%dma_wait3A_603 : memref<64x8x16xi32, #tpu.memory_space<vmem>>)
      %dma_wait3A_607 = arith.constant 1 : i32
      %dma_wait3A_608 = arith.constant 0 : i32
      %dma_wait3A_609 = arith.constant 0 : i32
      %dma_wait3A_610 = arith.constant 0 : i32
      %dma_wait3A_611 = tpu.memref_slice %arg6[%dma_wait3A_607, %dma_wait3A_608, %dma_wait3A_609, %dma_wait3A_610] : memref<2x64x8x16xf32, #tpu.memory_space<vmem>> -> memref<1x64x8x16xf32, #tpu.memory_space<vmem>>
      %dma_wait3A_612 = tpu.memref_squeeze %dma_wait3A_611 : memref<1x64x8x16xf32, #tpu.memory_space<vmem>> -> memref<64x8x16xf32, #tpu.memory_space<vmem>>
      %dma_wait3A_613 = arith.constant 0 : i32
      %dma_wait3A_614 = tpu.memref_slice %arg2[%add3A_589, %shift_right_logical3A_0, %dma_wait3A_613, %mul3A_2] : memref<8192x2x8x128xf32, #tpu.memory_space<hbm>> -> memref<64x1x8x16xf32, #tpu.memory_space<hbm>>
      %dma_wait3A_615 = tpu.memref_squeeze %dma_wait3A_614 : memref<64x1x8x16xf32, #tpu.memory_space<hbm>> -> memref<64x8x16xf32, #tpu.memory_space<hbm>>
      %dma_wait3A_616 = arith.constant 0 : i32
      %dma_wait3A_617 = arith.constant 0 : i32
      %dma_wait3A_618 = arith.constant 0 : i32
      %dma_wait3A_619 = tpu.memref_slice %arg6[%dma_wait3A_607, %dma_wait3A_616, %dma_wait3A_617, %dma_wait3A_618] : memref<2x64x8x16xf32, #tpu.memory_space<vmem>> -> memref<1x64x8x16xf32, #tpu.memory_space<vmem>>
      %dma_wait3A_620 = tpu.memref_squeeze %dma_wait3A_619 : memref<1x64x8x16xf32, #tpu.memory_space<vmem>> -> memref<64x8x16xf32, #tpu.memory_space<vmem>>
      %dma_wait3A_621 = arith.constant 0 : i32
      %dma_wait3A_622 = tpu.memref_slice %arg2[%add3A_589, %shift_right_logical3A_0, %dma_wait3A_621, %mul3A_2] : memref<8192x2x8x128xf32, #tpu.memory_space<hbm>> -> memref<64x1x8x16xf32, #tpu.memory_space<hbm>>
      %dma_wait3A_623 = tpu.memref_squeeze %dma_wait3A_622 : memref<64x1x8x16xf32, #tpu.memory_space<hbm>> -> memref<64x8x16xf32, #tpu.memory_space<hbm>>
      tpu.wait_dma2 semaphore(%arg8 : memref<!tpu.dma_semaphore, #tpu.memory_space<semaphore_mem>>) src(%dma_wait3A_623 : memref<64x8x16xf32, #tpu.memory_space<hbm>>) dst(%dma_wait3A_620 : memref<64x8x16xf32, #tpu.memory_space<vmem>>)
      %parallel_loop3A_624 = arith.constant 0 : i32
      %parallel_loop3A_625 = arith.constant 512 : i32
      %parallel_loop3A_626 = arith.constant 1 : i32
      scf.for %parallel_loop3A_846 = %parallel_loop3A_624 to %parallel_loop3A_625 step %parallel_loop3A_626  : i32 {
        %parallel_loop3A_847 = arith.constant 3 : i32
        %parallel_loop3A_848 = arith.shrui %parallel_loop3A_846, %parallel_loop3A_847 : i32
        %parallel_loop3A_849 = arith.constant 7 : i32
        %parallel_loop3A_850 = arith.andi %parallel_loop3A_846, %parallel_loop3A_849 : i32
        %parallel_loop3A_851 = arith.constant 1 : i32
        %parallel_loop3A_852 = arith.index_cast %parallel_loop3A_851 : i32 to index
        %parallel_loop3A_853 = arith.index_cast %parallel_loop3A_848 : i32 to index
        %parallel_loop3A_854 = arith.index_cast %parallel_loop3A_850 : i32 to index
        %parallel_loop3A_855 = arith.constant 0 : index
        %parallel_loop3A_856 = tpu.vector_load %arg5[%parallel_loop3A_852, %parallel_loop3A_853, %parallel_loop3A_854, %parallel_loop3A_855] {strides = array<i32>} : memref<2x64x8x16xi32, #tpu.memory_space<vmem>>, vector<16xi32>,
        %parallel_loop3A_857 = arith.constant 1 : i32
        %parallel_loop3A_858 = arith.index_cast %parallel_loop3A_857 : i32 to index
        %parallel_loop3A_859 = arith.index_cast %parallel_loop3A_848 : i32 to index
        %parallel_loop3A_860 = arith.index_cast %parallel_loop3A_850 : i32 to index
        %parallel_loop3A_861 = arith.constant 0 : index
        %parallel_loop3A_862 = tpu.vector_load %arg6[%parallel_loop3A_858, %parallel_loop3A_859, %parallel_loop3A_860, %parallel_loop3A_861] {strides = array<i32>} : memref<2x64x8x16xf32, #tpu.memory_space<vmem>>, vector<16xf32>,
        %parallel_loop3A_863 = arith.constant 8 : i32
        %parallel_loop3A_864 = vector.broadcast %parallel_loop3A_863 : i32 to vector<16xi32>
        %parallel_loop3A_865 = arith.shrui %parallel_loop3A_856, %parallel_loop3A_864 : vector<16xi32>
        %parallel_loop3A_866 = arith.constant 12 : i32
        %parallel_loop3A_867 = vector.broadcast %parallel_loop3A_866 : i32 to vector<16xi32>
        %parallel_loop3A_868 = arith.shrui %parallel_loop3A_865, %parallel_loop3A_867 : vector<16xi32>
        %parallel_loop3A_869 = vector.broadcast %arg0 : i32 to vector<16xi32>
        %parallel_loop3A_870 = arith.cmpi eq, %parallel_loop3A_868, %parallel_loop3A_869 : vector<16xi32>
        %parallel_loop3A_871 = arith.constant 4095 : i32
        %parallel_loop3A_872 = vector.broadcast %parallel_loop3A_871 : i32 to vector<16xi32>
        %parallel_loop3A_873 = arith.andi %parallel_loop3A_865, %parallel_loop3A_872 : vector<16xi32>
        %parallel_loop3A_874 = arith.constant 3 : i32
        %parallel_loop3A_875 = vector.broadcast %parallel_loop3A_874 : i32 to vector<16xi32>
        %parallel_loop3A_876 = arith.shrui %parallel_loop3A_873, %parallel_loop3A_875 : vector<16xi32>
        %parallel_loop3A_877 = arith.constant 7 : i32
        %parallel_loop3A_878 = vector.broadcast %parallel_loop3A_877 : i32 to vector<16xi32>
        %parallel_loop3A_879 = arith.andi %parallel_loop3A_873, %parallel_loop3A_878 : vector<16xi32>
        tpu.vector_store_idx %arg7[%parallel_loop3A_876, %parallel_loop3A_879, %iota3A], %parallel_loop3A_862 masked %parallel_loop3A_870 {add = true} : memref<512x8x16xf32, #tpu.memory_space<vmem>>[vector<16xi32>, vector<16xi32>, vector<16xi32>], vector<16xf32>, vector<16xi1>
      } {sc.loop_unroll_factor = 8 : i64, sc.parallel_access}
      %add3A_627 = arith.constant 0 : i32
      %add3A_628 = arith.addi %scan3A_167, %add3A_627 : i32
      %min3A_629 = arith.constant 15 : i32
      %min3A_630 = arith.minsi %add3A_628, %min3A_629 : i32
      %mul3A_631 = arith.constant 512 : i32
      %mul3A_632 = arith.muli %min3A_630, %mul3A_631 : i32
      %add3A_633 = arith.constant 448 : i32
      %add3A_634 = arith.addi %mul3A_632, %add3A_633 : i32
      %dma_start3A_635 = arith.constant 1 : i32
      %dma_start3A_636 = arith.constant 0 : i32
      %dma_start3A_637 = arith.constant 0 : i32
      %dma_start3A_638 = arith.constant 0 : i32
      %dma_start3A_639 = tpu.memref_slice %arg5[%dma_start3A_635, %dma_start3A_636, %dma_start3A_637, %dma_start3A_638] : memref<2x64x8x16xi32, #tpu.memory_space<vmem>> -> memref<1x64x8x16xi32, #tpu.memory_space<vmem>>
      %dma_start3A_640 = tpu.memref_squeeze %dma_start3A_639 : memref<1x64x8x16xi32, #tpu.memory_space<vmem>> -> memref<64x8x16xi32, #tpu.memory_space<vmem>>
      %dma_start3A_641 = arith.constant 0 : i32
      %dma_start3A_642 = tpu.memref_slice %arg3[%add3A_634, %shift_right_logical3A_0, %dma_start3A_641, %mul3A_2] : memref<8192x2x8x128xi32, #tpu.memory_space<hbm>> -> memref<64x1x8x16xi32, #tpu.memory_space<hbm>>
      %dma_start3A_643 = tpu.memref_squeeze %dma_start3A_642 : memref<64x1x8x16xi32, #tpu.memory_space<hbm>> -> memref<64x8x16xi32, #tpu.memory_space<hbm>>
      %dma_start3A_644 = arith.constant 0 : i32
      %dma_start3A_645 = arith.constant 0 : i32
      %dma_start3A_646 = arith.constant 0 : i32
      %dma_start3A_647 = tpu.memref_slice %arg5[%dma_start3A_635, %dma_start3A_644, %dma_start3A_645, %dma_start3A_646] : memref<2x64x8x16xi32, #tpu.memory_space<vmem>> -> memref<1x64x8x16xi32, #tpu.memory_space<vmem>>
      %dma_start3A_648 = tpu.memref_squeeze %dma_start3A_647 : memref<1x64x8x16xi32, #tpu.memory_space<vmem>> -> memref<64x8x16xi32, #tpu.memory_space<vmem>>
      %dma_start3A_649 = arith.constant 0 : i32
      %dma_start3A_650 = tpu.memref_slice %arg3[%add3A_634, %shift_right_logical3A_0, %dma_start3A_649, %mul3A_2] : memref<8192x2x8x128xi32, #tpu.memory_space<hbm>> -> memref<64x1x8x16xi32, #tpu.memory_space<hbm>>
      %dma_start3A_651 = tpu.memref_squeeze %dma_start3A_650 : memref<64x1x8x16xi32, #tpu.memory_space<hbm>> -> memref<64x8x16xi32, #tpu.memory_space<hbm>>
      tpu.enqueue_dma source(%dma_start3A_651 : memref<64x8x16xi32, #tpu.memory_space<hbm>>) target(%dma_start3A_648 : memref<64x8x16xi32, #tpu.memory_space<vmem>>) target_semaphore(%arg8 : memref<!tpu.dma_semaphore, #tpu.memory_space<semaphore_mem>>)
      %dma_start3A_652 = arith.constant 1 : i32
      %dma_start3A_653 = arith.constant 0 : i32
      %dma_start3A_654 = arith.constant 0 : i32
      %dma_start3A_655 = arith.constant 0 : i32
      %dma_start3A_656 = tpu.memref_slice %arg6[%dma_start3A_652, %dma_start3A_653, %dma_start3A_654, %dma_start3A_655] : memref<2x64x8x16xf32, #tpu.memory_space<vmem>> -> memref<1x64x8x16xf32, #tpu.memory_space<vmem>>
      %dma_start3A_657 = tpu.memref_squeeze %dma_start3A_656 : memref<1x64x8x16xf32, #tpu.memory_space<vmem>> -> memref<64x8x16xf32, #tpu.memory_space<vmem>>
      %dma_start3A_658 = arith.constant 0 : i32
      %dma_start3A_659 = tpu.memref_slice %arg2[%add3A_634, %shift_right_logical3A_0, %dma_start3A_658, %mul3A_2] : memref<8192x2x8x128xf32, #tpu.memory_space<hbm>> -> memref<64x1x8x16xf32, #tpu.memory_space<hbm>>
      %dma_start3A_660 = tpu.memref_squeeze %dma_start3A_659 : memref<64x1x8x16xf32, #tpu.memory_space<hbm>> -> memref<64x8x16xf32, #tpu.memory_space<hbm>>
      %dma_start3A_661 = arith.constant 0 : i32
      %dma_start3A_662 = arith.constant 0 : i32
      %dma_start3A_663 = arith.constant 0 : i32
      %dma_start3A_664 = tpu.memref_slice %arg6[%dma_start3A_652, %dma_start3A_661, %dma_start3A_662, %dma_start3A_663] : memref<2x64x8x16xf32, #tpu.memory_space<vmem>> -> memref<1x64x8x16xf32, #tpu.memory_space<vmem>>
      %dma_start3A_665 = tpu.memref_squeeze %dma_start3A_664 : memref<1x64x8x16xf32, #tpu.memory_space<vmem>> -> memref<64x8x16xf32, #tpu.memory_space<vmem>>
      %dma_start3A_666 = arith.constant 0 : i32
      %dma_start3A_667 = tpu.memref_slice %arg2[%add3A_634, %shift_right_logical3A_0, %dma_start3A_666, %mul3A_2] : memref<8192x2x8x128xf32, #tpu.memory_space<hbm>> -> memref<64x1x8x16xf32, #tpu.memory_space<hbm>>
      %dma_start3A_668 = tpu.memref_squeeze %dma_start3A_667 : memref<64x1x8x16xf32, #tpu.memory_space<hbm>> -> memref<64x8x16xf32, #tpu.memory_space<hbm>>
      tpu.enqueue_dma source(%dma_start3A_668 : memref<64x8x16xf32, #tpu.memory_space<hbm>>) target(%dma_start3A_665 : memref<64x8x16xf32, #tpu.memory_space<vmem>>) target_semaphore(%arg8 : memref<!tpu.dma_semaphore, #tpu.memory_space<semaphore_mem>>)
      %mul3A_669 = arith.constant 512 : i32
      %mul3A_670 = arith.muli %scan3A_167, %mul3A_669 : i32
      %add3A_671 = arith.constant 384 : i32
      %add3A_672 = arith.addi %mul3A_670, %add3A_671 : i32
      %dma_wait3A_673 = arith.constant 0 : i32
      %dma_wait3A_674 = arith.constant 0 : i32
      %dma_wait3A_675 = arith.constant 0 : i32
      %dma_wait3A_676 = arith.constant 0 : i32
      %dma_wait3A_677 = tpu.memref_slice %arg5[%dma_wait3A_673, %dma_wait3A_674, %dma_wait3A_675, %dma_wait3A_676] : memref<2x64x8x16xi32, #tpu.memory_space<vmem>> -> memref<1x64x8x16xi32, #tpu.memory_space<vmem>>
      %dma_wait3A_678 = tpu.memref_squeeze %dma_wait3A_677 : memref<1x64x8x16xi32, #tpu.memory_space<vmem>> -> memref<64x8x16xi32, #tpu.memory_space<vmem>>
      %dma_wait3A_679 = arith.constant 0 : i32
      %dma_wait3A_680 = tpu.memref_slice %arg3[%add3A_672, %shift_right_logical3A_0, %dma_wait3A_679, %mul3A_2] : memref<8192x2x8x128xi32, #tpu.memory_space<hbm>> -> memref<64x1x8x16xi32, #tpu.memory_space<hbm>>
      %dma_wait3A_681 = tpu.memref_squeeze %dma_wait3A_680 : memref<64x1x8x16xi32, #tpu.memory_space<hbm>> -> memref<64x8x16xi32, #tpu.memory_space<hbm>>
      %dma_wait3A_682 = arith.constant 0 : i32
      %dma_wait3A_683 = arith.constant 0 : i32
      %dma_wait3A_684 = arith.constant 0 : i32
      %dma_wait3A_685 = tpu.memref_slice %arg5[%dma_wait3A_673, %dma_wait3A_682, %dma_wait3A_683, %dma_wait3A_684] : memref<2x64x8x16xi32, #tpu.memory_space<vmem>> -> memref<1x64x8x16xi32, #tpu.memory_space<vmem>>
      %dma_wait3A_686 = tpu.memref_squeeze %dma_wait3A_685 : memref<1x64x8x16xi32, #tpu.memory_space<vmem>> -> memref<64x8x16xi32, #tpu.memory_space<vmem>>
      %dma_wait3A_687 = arith.constant 0 : i32
      %dma_wait3A_688 = tpu.memref_slice %arg3[%add3A_672, %shift_right_logical3A_0, %dma_wait3A_687, %mul3A_2] : memref<8192x2x8x128xi32, #tpu.memory_space<hbm>> -> memref<64x1x8x16xi32, #tpu.memory_space<hbm>>
      %dma_wait3A_689 = tpu.memref_squeeze %dma_wait3A_688 : memref<64x1x8x16xi32, #tpu.memory_space<hbm>> -> memref<64x8x16xi32, #tpu.memory_space<hbm>>
      tpu.wait_dma2 semaphore(%arg8 : memref<!tpu.dma_semaphore, #tpu.memory_space<semaphore_mem>>) src(%dma_wait3A_689 : memref<64x8x16xi32, #tpu.memory_space<hbm>>) dst(%dma_wait3A_686 : memref<64x8x16xi32, #tpu.memory_space<vmem>>)
      %dma_wait3A_690 = arith.constant 0 : i32
      %dma_wait3A_691 = arith.constant 0 : i32
      %dma_wait3A_692 = arith.constant 0 : i32
      %dma_wait3A_693 = arith.constant 0 : i32
      %dma_wait3A_694 = tpu.memref_slice %arg6[%dma_wait3A_690, %dma_wait3A_691, %dma_wait3A_692, %dma_wait3A_693] : memref<2x64x8x16xf32, #tpu.memory_space<vmem>> -> memref<1x64x8x16xf32, #tpu.memory_space<vmem>>
      %dma_wait3A_695 = tpu.memref_squeeze %dma_wait3A_694 : memref<1x64x8x16xf32, #tpu.memory_space<vmem>> -> memref<64x8x16xf32, #tpu.memory_space<vmem>>
      %dma_wait3A_696 = arith.constant 0 : i32
      %dma_wait3A_697 = tpu.memref_slice %arg2[%add3A_672, %shift_right_logical3A_0, %dma_wait3A_696, %mul3A_2] : memref<8192x2x8x128xf32, #tpu.memory_space<hbm>> -> memref<64x1x8x16xf32, #tpu.memory_space<hbm>>
      %dma_wait3A_698 = tpu.memref_squeeze %dma_wait3A_697 : memref<64x1x8x16xf32, #tpu.memory_space<hbm>> -> memref<64x8x16xf32, #tpu.memory_space<hbm>>
      %dma_wait3A_699 = arith.constant 0 : i32
      %dma_wait3A_700 = arith.constant 0 : i32
      %dma_wait3A_701 = arith.constant 0 : i32
      %dma_wait3A_702 = tpu.memref_slice %arg6[%dma_wait3A_690, %dma_wait3A_699, %dma_wait3A_700, %dma_wait3A_701] : memref<2x64x8x16xf32, #tpu.memory_space<vmem>> -> memref<1x64x8x16xf32, #tpu.memory_space<vmem>>
      %dma_wait3A_703 = tpu.memref_squeeze %dma_wait3A_702 : memref<1x64x8x16xf32, #tpu.memory_space<vmem>> -> memref<64x8x16xf32, #tpu.memory_space<vmem>>
      %dma_wait3A_704 = arith.constant 0 : i32
      %dma_wait3A_705 = tpu.memref_slice %arg2[%add3A_672, %shift_right_logical3A_0, %dma_wait3A_704, %mul3A_2] : memref<8192x2x8x128xf32, #tpu.memory_space<hbm>> -> memref<64x1x8x16xf32, #tpu.memory_space<hbm>>
      %dma_wait3A_706 = tpu.memref_squeeze %dma_wait3A_705 : memref<64x1x8x16xf32, #tpu.memory_space<hbm>> -> memref<64x8x16xf32, #tpu.memory_space<hbm>>
      tpu.wait_dma2 semaphore(%arg8 : memref<!tpu.dma_semaphore, #tpu.memory_space<semaphore_mem>>) src(%dma_wait3A_706 : memref<64x8x16xf32, #tpu.memory_space<hbm>>) dst(%dma_wait3A_703 : memref<64x8x16xf32, #tpu.memory_space<vmem>>)
      %parallel_loop3A_707 = arith.constant 0 : i32
      %parallel_loop3A_708 = arith.constant 512 : i32
      %parallel_loop3A_709 = arith.constant 1 : i32
      scf.for %parallel_loop3A_846 = %parallel_loop3A_707 to %parallel_loop3A_708 step %parallel_loop3A_709  : i32 {
        %parallel_loop3A_847 = arith.constant 3 : i32
        %parallel_loop3A_848 = arith.shrui %parallel_loop3A_846, %parallel_loop3A_847 : i32
        %parallel_loop3A_849 = arith.constant 7 : i32
        %parallel_loop3A_850 = arith.andi %parallel_loop3A_846, %parallel_loop3A_849 : i32
        %parallel_loop3A_851 = arith.constant 0 : i32
        %parallel_loop3A_852 = arith.index_cast %parallel_loop3A_851 : i32 to index
        %parallel_loop3A_853 = arith.index_cast %parallel_loop3A_848 : i32 to index
        %parallel_loop3A_854 = arith.index_cast %parallel_loop3A_850 : i32 to index
        %parallel_loop3A_855 = arith.constant 0 : index
        %parallel_loop3A_856 = tpu.vector_load %arg5[%parallel_loop3A_852, %parallel_loop3A_853, %parallel_loop3A_854, %parallel_loop3A_855] {strides = array<i32>} : memref<2x64x8x16xi32, #tpu.memory_space<vmem>>, vector<16xi32>,
        %parallel_loop3A_857 = arith.constant 0 : i32
        %parallel_loop3A_858 = arith.index_cast %parallel_loop3A_857 : i32 to index
        %parallel_loop3A_859 = arith.index_cast %parallel_loop3A_848 : i32 to index
        %parallel_loop3A_860 = arith.index_cast %parallel_loop3A_850 : i32 to index
        %parallel_loop3A_861 = arith.constant 0 : index
        %parallel_loop3A_862 = tpu.vector_load %arg6[%parallel_loop3A_858, %parallel_loop3A_859, %parallel_loop3A_860, %parallel_loop3A_861] {strides = array<i32>} : memref<2x64x8x16xf32, #tpu.memory_space<vmem>>, vector<16xf32>,
        %parallel_loop3A_863 = arith.constant 8 : i32
        %parallel_loop3A_864 = vector.broadcast %parallel_loop3A_863 : i32 to vector<16xi32>
        %parallel_loop3A_865 = arith.shrui %parallel_loop3A_856, %parallel_loop3A_864 : vector<16xi32>
        %parallel_loop3A_866 = arith.constant 12 : i32
        %parallel_loop3A_867 = vector.broadcast %parallel_loop3A_866 : i32 to vector<16xi32>
        %parallel_loop3A_868 = arith.shrui %parallel_loop3A_865, %parallel_loop3A_867 : vector<16xi32>
        %parallel_loop3A_869 = vector.broadcast %arg0 : i32 to vector<16xi32>
        %parallel_loop3A_870 = arith.cmpi eq, %parallel_loop3A_868, %parallel_loop3A_869 : vector<16xi32>
        %parallel_loop3A_871 = arith.constant 4095 : i32
        %parallel_loop3A_872 = vector.broadcast %parallel_loop3A_871 : i32 to vector<16xi32>
        %parallel_loop3A_873 = arith.andi %parallel_loop3A_865, %parallel_loop3A_872 : vector<16xi32>
        %parallel_loop3A_874 = arith.constant 3 : i32
        %parallel_loop3A_875 = vector.broadcast %parallel_loop3A_874 : i32 to vector<16xi32>
        %parallel_loop3A_876 = arith.shrui %parallel_loop3A_873, %parallel_loop3A_875 : vector<16xi32>
        %parallel_loop3A_877 = arith.constant 7 : i32
        %parallel_loop3A_878 = vector.broadcast %parallel_loop3A_877 : i32 to vector<16xi32>
        %parallel_loop3A_879 = arith.andi %parallel_loop3A_873, %parallel_loop3A_878 : vector<16xi32>
        tpu.vector_store_idx %arg7[%parallel_loop3A_876, %parallel_loop3A_879, %iota3A], %parallel_loop3A_862 masked %parallel_loop3A_870 {add = true} : memref<512x8x16xf32, #tpu.memory_space<vmem>>[vector<16xi32>, vector<16xi32>, vector<16xi32>], vector<16xf32>, vector<16xi1>
      } {sc.loop_unroll_factor = 8 : i64, sc.parallel_access}
      %add3A_710 = arith.constant 1 : i32
      %add3A_711 = arith.addi %scan3A_167, %add3A_710 : i32
      %min3A_712 = arith.constant 15 : i32
      %min3A_713 = arith.minsi %add3A_711, %min3A_712 : i32
      %mul3A_714 = arith.constant 512 : i32
      %mul3A_715 = arith.muli %min3A_713, %mul3A_714 : i32
      %add3A_716 = arith.constant 0 : i32
      %add3A_717 = arith.addi %mul3A_715, %add3A_716 : i32
      %dma_start3A_718 = arith.constant 0 : i32
      %dma_start3A_719 = arith.constant 0 : i32
      %dma_start3A_720 = arith.constant 0 : i32
      %dma_start3A_721 = arith.constant 0 : i32
      %dma_start3A_722 = tpu.memref_slice %arg5[%dma_start3A_718, %dma_start3A_719, %dma_start3A_720, %dma_start3A_721] : memref<2x64x8x16xi32, #tpu.memory_space<vmem>> -> memref<1x64x8x16xi32, #tpu.memory_space<vmem>>
      %dma_start3A_723 = tpu.memref_squeeze %dma_start3A_722 : memref<1x64x8x16xi32, #tpu.memory_space<vmem>> -> memref<64x8x16xi32, #tpu.memory_space<vmem>>
      %dma_start3A_724 = arith.constant 0 : i32
      %dma_start3A_725 = tpu.memref_slice %arg3[%add3A_717, %shift_right_logical3A_0, %dma_start3A_724, %mul3A_2] : memref<8192x2x8x128xi32, #tpu.memory_space<hbm>> -> memref<64x1x8x16xi32, #tpu.memory_space<hbm>>
      %dma_start3A_726 = tpu.memref_squeeze %dma_start3A_725 : memref<64x1x8x16xi32, #tpu.memory_space<hbm>> -> memref<64x8x16xi32, #tpu.memory_space<hbm>>
      %dma_start3A_727 = arith.constant 0 : i32
      %dma_start3A_728 = arith.constant 0 : i32
      %dma_start3A_729 = arith.constant 0 : i32
      %dma_start3A_730 = tpu.memref_slice %arg5[%dma_start3A_718, %dma_start3A_727, %dma_start3A_728, %dma_start3A_729] : memref<2x64x8x16xi32, #tpu.memory_space<vmem>> -> memref<1x64x8x16xi32, #tpu.memory_space<vmem>>
      %dma_start3A_731 = tpu.memref_squeeze %dma_start3A_730 : memref<1x64x8x16xi32, #tpu.memory_space<vmem>> -> memref<64x8x16xi32, #tpu.memory_space<vmem>>
      %dma_start3A_732 = arith.constant 0 : i32
      %dma_start3A_733 = tpu.memref_slice %arg3[%add3A_717, %shift_right_logical3A_0, %dma_start3A_732, %mul3A_2] : memref<8192x2x8x128xi32, #tpu.memory_space<hbm>> -> memref<64x1x8x16xi32, #tpu.memory_space<hbm>>
      %dma_start3A_734 = tpu.memref_squeeze %dma_start3A_733 : memref<64x1x8x16xi32, #tpu.memory_space<hbm>> -> memref<64x8x16xi32, #tpu.memory_space<hbm>>
      tpu.enqueue_dma source(%dma_start3A_734 : memref<64x8x16xi32, #tpu.memory_space<hbm>>) target(%dma_start3A_731 : memref<64x8x16xi32, #tpu.memory_space<vmem>>) target_semaphore(%arg8 : memref<!tpu.dma_semaphore, #tpu.memory_space<semaphore_mem>>)
      %dma_start3A_735 = arith.constant 0 : i32
      %dma_start3A_736 = arith.constant 0 : i32
      %dma_start3A_737 = arith.constant 0 : i32
      %dma_start3A_738 = arith.constant 0 : i32
      %dma_start3A_739 = tpu.memref_slice %arg6[%dma_start3A_735, %dma_start3A_736, %dma_start3A_737, %dma_start3A_738] : memref<2x64x8x16xf32, #tpu.memory_space<vmem>> -> memref<1x64x8x16xf32, #tpu.memory_space<vmem>>
      %dma_start3A_740 = tpu.memref_squeeze %dma_start3A_739 : memref<1x64x8x16xf32, #tpu.memory_space<vmem>> -> memref<64x8x16xf32, #tpu.memory_space<vmem>>
      %dma_start3A_741 = arith.constant 0 : i32
      %dma_start3A_742 = tpu.memref_slice %arg2[%add3A_717, %shift_right_logical3A_0, %dma_start3A_741, %mul3A_2] : memref<8192x2x8x128xf32, #tpu.memory_space<hbm>> -> memref<64x1x8x16xf32, #tpu.memory_space<hbm>>
      %dma_start3A_743 = tpu.memref_squeeze %dma_start3A_742 : memref<64x1x8x16xf32, #tpu.memory_space<hbm>> -> memref<64x8x16xf32, #tpu.memory_space<hbm>>
      %dma_start3A_744 = arith.constant 0 : i32
      %dma_start3A_745 = arith.constant 0 : i32
      %dma_start3A_746 = arith.constant 0 : i32
      %dma_start3A_747 = tpu.memref_slice %arg6[%dma_start3A_735, %dma_start3A_744, %dma_start3A_745, %dma_start3A_746] : memref<2x64x8x16xf32, #tpu.memory_space<vmem>> -> memref<1x64x8x16xf32, #tpu.memory_space<vmem>>
      %dma_start3A_748 = tpu.memref_squeeze %dma_start3A_747 : memref<1x64x8x16xf32, #tpu.memory_space<vmem>> -> memref<64x8x16xf32, #tpu.memory_space<vmem>>
      %dma_start3A_749 = arith.constant 0 : i32
      %dma_start3A_750 = tpu.memref_slice %arg2[%add3A_717, %shift_right_logical3A_0, %dma_start3A_749, %mul3A_2] : memref<8192x2x8x128xf32, #tpu.memory_space<hbm>> -> memref<64x1x8x16xf32, #tpu.memory_space<hbm>>
      %dma_start3A_751 = tpu.memref_squeeze %dma_start3A_750 : memref<64x1x8x16xf32, #tpu.memory_space<hbm>> -> memref<64x8x16xf32, #tpu.memory_space<hbm>>
      tpu.enqueue_dma source(%dma_start3A_751 : memref<64x8x16xf32, #tpu.memory_space<hbm>>) target(%dma_start3A_748 : memref<64x8x16xf32, #tpu.memory_space<vmem>>) target_semaphore(%arg8 : memref<!tpu.dma_semaphore, #tpu.memory_space<semaphore_mem>>)
      %mul3A_752 = arith.constant 512 : i32
      %mul3A_753 = arith.muli %scan3A_167, %mul3A_752 : i32
      %add3A_754 = arith.constant 448 : i32
      %add3A_755 = arith.addi %mul3A_753, %add3A_754 : i32
      %dma_wait3A_756 = arith.constant 1 : i32
      %dma_wait3A_757 = arith.constant 0 : i32
      %dma_wait3A_758 = arith.constant 0 : i32
      %dma_wait3A_759 = arith.constant 0 : i32
      %dma_wait3A_760 = tpu.memref_slice %arg5[%dma_wait3A_756, %dma_wait3A_757, %dma_wait3A_758, %dma_wait3A_759] : memref<2x64x8x16xi32, #tpu.memory_space<vmem>> -> memref<1x64x8x16xi32, #tpu.memory_space<vmem>>
      %dma_wait3A_761 = tpu.memref_squeeze %dma_wait3A_760 : memref<1x64x8x16xi32, #tpu.memory_space<vmem>> -> memref<64x8x16xi32, #tpu.memory_space<vmem>>
      %dma_wait3A_762 = arith.constant 0 : i32
      %dma_wait3A_763 = tpu.memref_slice %arg3[%add3A_755, %shift_right_logical3A_0, %dma_wait3A_762, %mul3A_2] : memref<8192x2x8x128xi32, #tpu.memory_space<hbm>> -> memref<64x1x8x16xi32, #tpu.memory_space<hbm>>
      %dma_wait3A_764 = tpu.memref_squeeze %dma_wait3A_763 : memref<64x1x8x16xi32, #tpu.memory_space<hbm>> -> memref<64x8x16xi32, #tpu.memory_space<hbm>>
      %dma_wait3A_765 = arith.constant 0 : i32
      %dma_wait3A_766 = arith.constant 0 : i32
      %dma_wait3A_767 = arith.constant 0 : i32
      %dma_wait3A_768 = tpu.memref_slice %arg5[%dma_wait3A_756, %dma_wait3A_765, %dma_wait3A_766, %dma_wait3A_767] : memref<2x64x8x16xi32, #tpu.memory_space<vmem>> -> memref<1x64x8x16xi32, #tpu.memory_space<vmem>>
      %dma_wait3A_769 = tpu.memref_squeeze %dma_wait3A_768 : memref<1x64x8x16xi32, #tpu.memory_space<vmem>> -> memref<64x8x16xi32, #tpu.memory_space<vmem>>
      %dma_wait3A_770 = arith.constant 0 : i32
      %dma_wait3A_771 = tpu.memref_slice %arg3[%add3A_755, %shift_right_logical3A_0, %dma_wait3A_770, %mul3A_2] : memref<8192x2x8x128xi32, #tpu.memory_space<hbm>> -> memref<64x1x8x16xi32, #tpu.memory_space<hbm>>
      %dma_wait3A_772 = tpu.memref_squeeze %dma_wait3A_771 : memref<64x1x8x16xi32, #tpu.memory_space<hbm>> -> memref<64x8x16xi32, #tpu.memory_space<hbm>>
      tpu.wait_dma2 semaphore(%arg8 : memref<!tpu.dma_semaphore, #tpu.memory_space<semaphore_mem>>) src(%dma_wait3A_772 : memref<64x8x16xi32, #tpu.memory_space<hbm>>) dst(%dma_wait3A_769 : memref<64x8x16xi32, #tpu.memory_space<vmem>>)
      %dma_wait3A_773 = arith.constant 1 : i32
      %dma_wait3A_774 = arith.constant 0 : i32
      %dma_wait3A_775 = arith.constant 0 : i32
      %dma_wait3A_776 = arith.constant 0 : i32
      %dma_wait3A_777 = tpu.memref_slice %arg6[%dma_wait3A_773, %dma_wait3A_774, %dma_wait3A_775, %dma_wait3A_776] : memref<2x64x8x16xf32, #tpu.memory_space<vmem>> -> memref<1x64x8x16xf32, #tpu.memory_space<vmem>>
      %dma_wait3A_778 = tpu.memref_squeeze %dma_wait3A_777 : memref<1x64x8x16xf32, #tpu.memory_space<vmem>> -> memref<64x8x16xf32, #tpu.memory_space<vmem>>
      %dma_wait3A_779 = arith.constant 0 : i32
      %dma_wait3A_780 = tpu.memref_slice %arg2[%add3A_755, %shift_right_logical3A_0, %dma_wait3A_779, %mul3A_2] : memref<8192x2x8x128xf32, #tpu.memory_space<hbm>> -> memref<64x1x8x16xf32, #tpu.memory_space<hbm>>
      %dma_wait3A_781 = tpu.memref_squeeze %dma_wait3A_780 : memref<64x1x8x16xf32, #tpu.memory_space<hbm>> -> memref<64x8x16xf32, #tpu.memory_space<hbm>>
      %dma_wait3A_782 = arith.constant 0 : i32
      %dma_wait3A_783 = arith.constant 0 : i32
      %dma_wait3A_784 = arith.constant 0 : i32
      %dma_wait3A_785 = tpu.memref_slice %arg6[%dma_wait3A_773, %dma_wait3A_782, %dma_wait3A_783, %dma_wait3A_784] : memref<2x64x8x16xf32, #tpu.memory_space<vmem>> -> memref<1x64x8x16xf32, #tpu.memory_space<vmem>>
      %dma_wait3A_786 = tpu.memref_squeeze %dma_wait3A_785 : memref<1x64x8x16xf32, #tpu.memory_space<vmem>> -> memref<64x8x16xf32, #tpu.memory_space<vmem>>
      %dma_wait3A_787 = arith.constant 0 : i32
      %dma_wait3A_788 = tpu.memref_slice %arg2[%add3A_755, %shift_right_logical3A_0, %dma_wait3A_787, %mul3A_2] : memref<8192x2x8x128xf32, #tpu.memory_space<hbm>> -> memref<64x1x8x16xf32, #tpu.memory_space<hbm>>
      %dma_wait3A_789 = tpu.memref_squeeze %dma_wait3A_788 : memref<64x1x8x16xf32, #tpu.memory_space<hbm>> -> memref<64x8x16xf32, #tpu.memory_space<hbm>>
      tpu.wait_dma2 semaphore(%arg8 : memref<!tpu.dma_semaphore, #tpu.memory_space<semaphore_mem>>) src(%dma_wait3A_789 : memref<64x8x16xf32, #tpu.memory_space<hbm>>) dst(%dma_wait3A_786 : memref<64x8x16xf32, #tpu.memory_space<vmem>>)
      %parallel_loop3A_790 = arith.constant 0 : i32
      %parallel_loop3A_791 = arith.constant 512 : i32
      %parallel_loop3A_792 = arith.constant 1 : i32
      scf.for %parallel_loop3A_846 = %parallel_loop3A_790 to %parallel_loop3A_791 step %parallel_loop3A_792  : i32 {
        %parallel_loop3A_847 = arith.constant 3 : i32
        %parallel_loop3A_848 = arith.shrui %parallel_loop3A_846, %parallel_loop3A_847 : i32
        %parallel_loop3A_849 = arith.constant 7 : i32
        %parallel_loop3A_850 = arith.andi %parallel_loop3A_846, %parallel_loop3A_849 : i32
        %parallel_loop3A_851 = arith.constant 1 : i32
        %parallel_loop3A_852 = arith.index_cast %parallel_loop3A_851 : i32 to index
        %parallel_loop3A_853 = arith.index_cast %parallel_loop3A_848 : i32 to index
        %parallel_loop3A_854 = arith.index_cast %parallel_loop3A_850 : i32 to index
        %parallel_loop3A_855 = arith.constant 0 : index
        %parallel_loop3A_856 = tpu.vector_load %arg5[%parallel_loop3A_852, %parallel_loop3A_853, %parallel_loop3A_854, %parallel_loop3A_855] {strides = array<i32>} : memref<2x64x8x16xi32, #tpu.memory_space<vmem>>, vector<16xi32>,
        %parallel_loop3A_857 = arith.constant 1 : i32
        %parallel_loop3A_858 = arith.index_cast %parallel_loop3A_857 : i32 to index
        %parallel_loop3A_859 = arith.index_cast %parallel_loop3A_848 : i32 to index
        %parallel_loop3A_860 = arith.index_cast %parallel_loop3A_850 : i32 to index
        %parallel_loop3A_861 = arith.constant 0 : index
        %parallel_loop3A_862 = tpu.vector_load %arg6[%parallel_loop3A_858, %parallel_loop3A_859, %parallel_loop3A_860, %parallel_loop3A_861] {strides = array<i32>} : memref<2x64x8x16xf32, #tpu.memory_space<vmem>>, vector<16xf32>,
        %parallel_loop3A_863 = arith.constant 8 : i32
        %parallel_loop3A_864 = vector.broadcast %parallel_loop3A_863 : i32 to vector<16xi32>
        %parallel_loop3A_865 = arith.shrui %parallel_loop3A_856, %parallel_loop3A_864 : vector<16xi32>
        %parallel_loop3A_866 = arith.constant 12 : i32
        %parallel_loop3A_867 = vector.broadcast %parallel_loop3A_866 : i32 to vector<16xi32>
        %parallel_loop3A_868 = arith.shrui %parallel_loop3A_865, %parallel_loop3A_867 : vector<16xi32>
        %parallel_loop3A_869 = vector.broadcast %arg0 : i32 to vector<16xi32>
        %parallel_loop3A_870 = arith.cmpi eq, %parallel_loop3A_868, %parallel_loop3A_869 : vector<16xi32>
        %parallel_loop3A_871 = arith.constant 4095 : i32
        %parallel_loop3A_872 = vector.broadcast %parallel_loop3A_871 : i32 to vector<16xi32>
        %parallel_loop3A_873 = arith.andi %parallel_loop3A_865, %parallel_loop3A_872 : vector<16xi32>
        %parallel_loop3A_874 = arith.constant 3 : i32
        %parallel_loop3A_875 = vector.broadcast %parallel_loop3A_874 : i32 to vector<16xi32>
        %parallel_loop3A_876 = arith.shrui %parallel_loop3A_873, %parallel_loop3A_875 : vector<16xi32>
        %parallel_loop3A_877 = arith.constant 7 : i32
        %parallel_loop3A_878 = vector.broadcast %parallel_loop3A_877 : i32 to vector<16xi32>
        %parallel_loop3A_879 = arith.andi %parallel_loop3A_873, %parallel_loop3A_878 : vector<16xi32>
        tpu.vector_store_idx %arg7[%parallel_loop3A_876, %parallel_loop3A_879, %iota3A], %parallel_loop3A_862 masked %parallel_loop3A_870 {add = true} : memref<512x8x16xf32, #tpu.memory_space<vmem>>[vector<16xi32>, vector<16xi32>, vector<16xi32>], vector<16xf32>, vector<16xi1>
      } {sc.loop_unroll_factor = 8 : i64, sc.parallel_access}
      %add3A_793 = arith.constant 1 : i32
      %add3A_794 = arith.addi %scan3A_167, %add3A_793 : i32
      %min3A_795 = arith.constant 15 : i32
      %min3A_796 = arith.minsi %add3A_794, %min3A_795 : i32
      %mul3A_797 = arith.constant 512 : i32
      %mul3A_798 = arith.muli %min3A_796, %mul3A_797 : i32
      %add3A_799 = arith.constant 64 : i32
      %add3A_800 = arith.addi %mul3A_798, %add3A_799 : i32
      %dma_start3A_801 = arith.constant 1 : i32
      %dma_start3A_802 = arith.constant 0 : i32
      %dma_start3A_803 = arith.constant 0 : i32
      %dma_start3A_804 = arith.constant 0 : i32
      %dma_start3A_805 = tpu.memref_slice %arg5[%dma_start3A_801, %dma_start3A_802, %dma_start3A_803, %dma_start3A_804] : memref<2x64x8x16xi32, #tpu.memory_space<vmem>> -> memref<1x64x8x16xi32, #tpu.memory_space<vmem>>
      %dma_start3A_806 = tpu.memref_squeeze %dma_start3A_805 : memref<1x64x8x16xi32, #tpu.memory_space<vmem>> -> memref<64x8x16xi32, #tpu.memory_space<vmem>>
      %dma_start3A_807 = arith.constant 0 : i32
      %dma_start3A_808 = tpu.memref_slice %arg3[%add3A_800, %shift_right_logical3A_0, %dma_start3A_807, %mul3A_2] : memref<8192x2x8x128xi32, #tpu.memory_space<hbm>> -> memref<64x1x8x16xi32, #tpu.memory_space<hbm>>
      %dma_start3A_809 = tpu.memref_squeeze %dma_start3A_808 : memref<64x1x8x16xi32, #tpu.memory_space<hbm>> -> memref<64x8x16xi32, #tpu.memory_space<hbm>>
      %dma_start3A_810 = arith.constant 0 : i32
      %dma_start3A_811 = arith.constant 0 : i32
      %dma_start3A_812 = arith.constant 0 : i32
      %dma_start3A_813 = tpu.memref_slice %arg5[%dma_start3A_801, %dma_start3A_810, %dma_start3A_811, %dma_start3A_812] : memref<2x64x8x16xi32, #tpu.memory_space<vmem>> -> memref<1x64x8x16xi32, #tpu.memory_space<vmem>>
      %dma_start3A_814 = tpu.memref_squeeze %dma_start3A_813 : memref<1x64x8x16xi32, #tpu.memory_space<vmem>> -> memref<64x8x16xi32, #tpu.memory_space<vmem>>
      %dma_start3A_815 = arith.constant 0 : i32
      %dma_start3A_816 = tpu.memref_slice %arg3[%add3A_800, %shift_right_logical3A_0, %dma_start3A_815, %mul3A_2] : memref<8192x2x8x128xi32, #tpu.memory_space<hbm>> -> memref<64x1x8x16xi32, #tpu.memory_space<hbm>>
      %dma_start3A_817 = tpu.memref_squeeze %dma_start3A_816 : memref<64x1x8x16xi32, #tpu.memory_space<hbm>> -> memref<64x8x16xi32, #tpu.memory_space<hbm>>
      tpu.enqueue_dma source(%dma_start3A_817 : memref<64x8x16xi32, #tpu.memory_space<hbm>>) target(%dma_start3A_814 : memref<64x8x16xi32, #tpu.memory_space<vmem>>) target_semaphore(%arg8 : memref<!tpu.dma_semaphore, #tpu.memory_space<semaphore_mem>>)
      %dma_start3A_818 = arith.constant 1 : i32
      %dma_start3A_819 = arith.constant 0 : i32
      %dma_start3A_820 = arith.constant 0 : i32
      %dma_start3A_821 = arith.constant 0 : i32
      %dma_start3A_822 = tpu.memref_slice %arg6[%dma_start3A_818, %dma_start3A_819, %dma_start3A_820, %dma_start3A_821] : memref<2x64x8x16xf32, #tpu.memory_space<vmem>> -> memref<1x64x8x16xf32, #tpu.memory_space<vmem>>
      %dma_start3A_823 = tpu.memref_squeeze %dma_start3A_822 : memref<1x64x8x16xf32, #tpu.memory_space<vmem>> -> memref<64x8x16xf32, #tpu.memory_space<vmem>>
      %dma_start3A_824 = arith.constant 0 : i32
      %dma_start3A_825 = tpu.memref_slice %arg2[%add3A_800, %shift_right_logical3A_0, %dma_start3A_824, %mul3A_2] : memref<8192x2x8x128xf32, #tpu.memory_space<hbm>> -> memref<64x1x8x16xf32, #tpu.memory_space<hbm>>
      %dma_start3A_826 = tpu.memref_squeeze %dma_start3A_825 : memref<64x1x8x16xf32, #tpu.memory_space<hbm>> -> memref<64x8x16xf32, #tpu.memory_space<hbm>>
      %dma_start3A_827 = arith.constant 0 : i32
      %dma_start3A_828 = arith.constant 0 : i32
      %dma_start3A_829 = arith.constant 0 : i32
      %dma_start3A_830 = tpu.memref_slice %arg6[%dma_start3A_818, %dma_start3A_827, %dma_start3A_828, %dma_start3A_829] : memref<2x64x8x16xf32, #tpu.memory_space<vmem>> -> memref<1x64x8x16xf32, #tpu.memory_space<vmem>>
      %dma_start3A_831 = tpu.memref_squeeze %dma_start3A_830 : memref<1x64x8x16xf32, #tpu.memory_space<vmem>> -> memref<64x8x16xf32, #tpu.memory_space<vmem>>
      %dma_start3A_832 = arith.constant 0 : i32
      %dma_start3A_833 = tpu.memref_slice %arg2[%add3A_800, %shift_right_logical3A_0, %dma_start3A_832, %mul3A_2] : memref<8192x2x8x128xf32, #tpu.memory_space<hbm>> -> memref<64x1x8x16xf32, #tpu.memory_space<hbm>>
      %dma_start3A_834 = tpu.memref_squeeze %dma_start3A_833 : memref<64x1x8x16xf32, #tpu.memory_space<hbm>> -> memref<64x8x16xf32, #tpu.memory_space<hbm>>
      tpu.enqueue_dma source(%dma_start3A_834 : memref<64x8x16xf32, #tpu.memory_space<hbm>>) target(%dma_start3A_831 : memref<64x8x16xf32, #tpu.memory_space<vmem>>) target_semaphore(%arg8 : memref<!tpu.dma_semaphore, #tpu.memory_space<semaphore_mem>>)
      %mul3A_835 = arith.constant 1024 : i32
      %mul3A_836 = arith.muli %scan3A_167, %mul3A_835 : i32
      %mul3A_837 = arith.constant 512 : i32
      %mul3A_838 = arith.muli %arg0, %mul3A_837 : i32
      %add3A_839 = arith.addi %mul3A_836, %mul3A_838 : i32
      %dma_start3A_840 = arith.constant 0 : i32
      %dma_start3A_841 = tpu.memref_slice %arg4[%add3A_839, %shift_right_logical3A_0, %dma_start3A_840, %mul3A_2] : memref<16384x2x8x128xf32, #tpu.memory_space<hbm>> -> memref<512x1x8x16xf32, #tpu.memory_space<hbm>>
      %dma_start3A_842 = tpu.memref_squeeze %dma_start3A_841 : memref<512x1x8x16xf32, #tpu.memory_space<hbm>> -> memref<512x8x16xf32, #tpu.memory_space<hbm>>
      %dma_start3A_843 = arith.constant 0 : i32
      %dma_start3A_844 = tpu.memref_slice %arg4[%add3A_839, %shift_right_logical3A_0, %dma_start3A_843, %mul3A_2] : memref<16384x2x8x128xf32, #tpu.memory_space<hbm>> -> memref<512x1x8x16xf32, #tpu.memory_space<hbm>>
      %dma_start3A_845 = tpu.memref_squeeze %dma_start3A_844 : memref<512x1x8x16xf32, #tpu.memory_space<hbm>> -> memref<512x8x16xf32, #tpu.memory_space<hbm>>
      tpu.enqueue_dma source(%arg7 : memref<512x8x16xf32, #tpu.memory_space<vmem>>) target(%dma_start3A_845 : memref<512x8x16xf32, #tpu.memory_space<hbm>>) target_semaphore(%arg9 : memref<!tpu.dma_semaphore, #tpu.memory_space<semaphore_mem>>)
    }
    %scan3A_82 = arith.constant 16 : i32
    %mul3A_83 = arith.constant 512 : i32
    %mul3A_84 = arith.muli %arg0, %mul3A_83 : i32
    %add3A = arith.constant 15360 : i32
    %add3A_85 = arith.addi %add3A, %mul3A_84 : i32
    %dma_wait3A = arith.constant 0 : i32
    %dma_wait3A_86 = tpu.memref_slice %arg4[%add3A_85, %shift_right_logical3A_0, %dma_wait3A, %mul3A_2] : memref<16384x2x8x128xf32, #tpu.memory_space<hbm>> -> memref<512x1x8x16xf32, #tpu.memory_space<hbm>>
    %dma_wait3A_87 = tpu.memref_squeeze %dma_wait3A_86 : memref<512x1x8x16xf32, #tpu.memory_space<hbm>> -> memref<512x8x16xf32, #tpu.memory_space<hbm>>
    %dma_wait3A_88 = arith.constant 0 : i32
    %dma_wait3A_89 = tpu.memref_slice %arg4[%add3A_85, %shift_right_logical3A_0, %dma_wait3A_88, %mul3A_2] : memref<16384x2x8x128xf32, #tpu.memory_space<hbm>> -> memref<512x1x8x16xf32, #tpu.memory_space<hbm>>
    %dma_wait3A_90 = tpu.memref_squeeze %dma_wait3A_89 : memref<512x1x8x16xf32, #tpu.memory_space<hbm>> -> memref<512x8x16xf32, #tpu.memory_space<hbm>>
    tpu.wait_dma2 semaphore(%arg9 : memref<!tpu.dma_semaphore, #tpu.memory_space<semaphore_mem>>) src(%arg7 : memref<512x8x16xf32, #tpu.memory_space<vmem>>) dst(%dma_wait3A_90 : memref<512x8x16xf32, #tpu.memory_space<hbm>>)
    %dma_wait3A_91 = arith.constant 0 : i32
    %dma_wait3A_92 = arith.constant 0 : i32
    %dma_wait3A_93 = arith.constant 0 : i32
    %dma_wait3A_94 = arith.constant 0 : i32
    %dma_wait3A_95 = tpu.memref_slice %arg5[%dma_wait3A_91, %dma_wait3A_92, %dma_wait3A_93, %dma_wait3A_94] : memref<2x64x8x16xi32, #tpu.memory_space<vmem>> -> memref<1x64x8x16xi32, #tpu.memory_space<vmem>>
    %dma_wait3A_96 = tpu.memref_squeeze %dma_wait3A_95 : memref<1x64x8x16xi32, #tpu.memory_space<vmem>> -> memref<64x8x16xi32, #tpu.memory_space<vmem>>
    %dma_wait3A_97 = arith.constant 7680 : i32
    %dma_wait3A_98 = arith.constant 0 : i32
    %dma_wait3A_99 = tpu.memref_slice %arg3[%dma_wait3A_97, %shift_right_logical3A_0, %dma_wait3A_98, %mul3A_2] : memref<8192x2x8x128xi32, #tpu.memory_space<hbm>> -> memref<64x1x8x16xi32, #tpu.memory_space<hbm>>
    %dma_wait3A_100 = tpu.memref_squeeze %dma_wait3A_99 : memref<64x1x8x16xi32, #tpu.memory_space<hbm>> -> memref<64x8x16xi32, #tpu.memory_space<hbm>>
    %dma_wait3A_101 = arith.constant 0 : i32
    %dma_wait3A_102 = arith.constant 0 : i32
    %dma_wait3A_103 = arith.constant 0 : i32
    %dma_wait3A_104 = tpu.memref_slice %arg5[%dma_wait3A_91, %dma_wait3A_101, %dma_wait3A_102, %dma_wait3A_103] : memref<2x64x8x16xi32, #tpu.memory_space<vmem>> -> memref<1x64x8x16xi32, #tpu.memory_space<vmem>>
    %dma_wait3A_105 = tpu.memref_squeeze %dma_wait3A_104 : memref<1x64x8x16xi32, #tpu.memory_space<vmem>> -> memref<64x8x16xi32, #tpu.memory_space<vmem>>
    %dma_wait3A_106 = arith.constant 7680 : i32
    %dma_wait3A_107 = arith.constant 0 : i32
    %dma_wait3A_108 = tpu.memref_slice %arg3[%dma_wait3A_106, %shift_right_logical3A_0, %dma_wait3A_107, %mul3A_2] : memref<8192x2x8x128xi32, #tpu.memory_space<hbm>> -> memref<64x1x8x16xi32, #tpu.memory_space<hbm>>
    %dma_wait3A_109 = tpu.memref_squeeze %dma_wait3A_108 : memref<64x1x8x16xi32, #tpu.memory_space<hbm>> -> memref<64x8x16xi32, #tpu.memory_space<hbm>>
    tpu.wait_dma2 semaphore(%arg8 : memref<!tpu.dma_semaphore, #tpu.memory_space<semaphore_mem>>) src(%dma_wait3A_109 : memref<64x8x16xi32, #tpu.memory_space<hbm>>) dst(%dma_wait3A_105 : memref<64x8x16xi32, #tpu.memory_space<vmem>>)
    %dma_wait3A_110 = arith.constant 0 : i32
    %dma_wait3A_111 = arith.constant 0 : i32
    %dma_wait3A_112 = arith.constant 0 : i32
    %dma_wait3A_113 = arith.constant 0 : i32
    %dma_wait3A_114 = tpu.memref_slice %arg6[%dma_wait3A_110, %dma_wait3A_111, %dma_wait3A_112, %dma_wait3A_113] : memref<2x64x8x16xf32, #tpu.memory_space<vmem>> -> memref<1x64x8x16xf32, #tpu.memory_space<vmem>>
    %dma_wait3A_115 = tpu.memref_squeeze %dma_wait3A_114 : memref<1x64x8x16xf32, #tpu.memory_space<vmem>> -> memref<64x8x16xf32, #tpu.memory_space<vmem>>
    %dma_wait3A_116 = arith.constant 7680 : i32
    %dma_wait3A_117 = arith.constant 0 : i32
    %dma_wait3A_118 = tpu.memref_slice %arg2[%dma_wait3A_116, %shift_right_logical3A_0, %dma_wait3A_117, %mul3A_2] : memref<8192x2x8x128xf32, #tpu.memory_space<hbm>> -> memref<64x1x8x16xf32, #tpu.memory_space<hbm>>
    %dma_wait3A_119 = tpu.memref_squeeze %dma_wait3A_118 : memref<64x1x8x16xf32, #tpu.memory_space<hbm>> -> memref<64x8x16xf32, #tpu.memory_space<hbm>>
    %dma_wait3A_120 = arith.constant 0 : i32
    %dma_wait3A_121 = arith.constant 0 : i32
    %dma_wait3A_122 = arith.constant 0 : i32
    %dma_wait3A_123 = tpu.memref_slice %arg6[%dma_wait3A_110, %dma_wait3A_120, %dma_wait3A_121, %dma_wait3A_122] : memref<2x64x8x16xf32, #tpu.memory_space<vmem>> -> memref<1x64x8x16xf32, #tpu.memory_space<vmem>>
    %dma_wait3A_124 = tpu.memref_squeeze %dma_wait3A_123 : memref<1x64x8x16xf32, #tpu.memory_space<vmem>> -> memref<64x8x16xf32, #tpu.memory_space<vmem>>
    %dma_wait3A_125 = arith.constant 7680 : i32
    %dma_wait3A_126 = arith.constant 0 : i32
    %dma_wait3A_127 = tpu.memref_slice %arg2[%dma_wait3A_125, %shift_right_logical3A_0, %dma_wait3A_126, %mul3A_2] : memref<8192x2x8x128xf32, #tpu.memory_space<hbm>> -> memref<64x1x8x16xf32, #tpu.memory_space<hbm>>
    %dma_wait3A_128 = tpu.memref_squeeze %dma_wait3A_127 : memref<64x1x8x16xf32, #tpu.memory_space<hbm>> -> memref<64x8x16xf32, #tpu.memory_space<hbm>>
    tpu.wait_dma2 semaphore(%arg8 : memref<!tpu.dma_semaphore, #tpu.memory_space<semaphore_mem>>) src(%dma_wait3A_128 : memref<64x8x16xf32, #tpu.memory_space<hbm>>) dst(%dma_wait3A_124 : memref<64x8x16xf32, #tpu.memory_space<vmem>>)
    %dma_wait3A_129 = arith.constant 1 : i32
    %dma_wait3A_130 = arith.constant 0 : i32
    %dma_wait3A_131 = arith.constant 0 : i32
    %dma_wait3A_132 = arith.constant 0 : i32
    %dma_wait3A_133 = tpu.memref_slice %arg5[%dma_wait3A_129, %dma_wait3A_130, %dma_wait3A_131, %dma_wait3A_132] : memref<2x64x8x16xi32, #tpu.memory_space<vmem>> -> memref<1x64x8x16xi32, #tpu.memory_space<vmem>>
    %dma_wait3A_134 = tpu.memref_squeeze %dma_wait3A_133 : memref<1x64x8x16xi32, #tpu.memory_space<vmem>> -> memref<64x8x16xi32, #tpu.memory_space<vmem>>
    %dma_wait3A_135 = arith.constant 7744 : i32
    %dma_wait3A_136 = arith.constant 0 : i32
    %dma_wait3A_137 = tpu.memref_slice %arg3[%dma_wait3A_135, %shift_right_logical3A_0, %dma_wait3A_136, %mul3A_2] : memref<8192x2x8x128xi32, #tpu.memory_space<hbm>> -> memref<64x1x8x16xi32, #tpu.memory_space<hbm>>
    %dma_wait3A_138 = tpu.memref_squeeze %dma_wait3A_137 : memref<64x1x8x16xi32, #tpu.memory_space<hbm>> -> memref<64x8x16xi32, #tpu.memory_space<hbm>>
    %dma_wait3A_139 = arith.constant 0 : i32
    %dma_wait3A_140 = arith.constant 0 : i32
    %dma_wait3A_141 = arith.constant 0 : i32
    %dma_wait3A_142 = tpu.memref_slice %arg5[%dma_wait3A_129, %dma_wait3A_139, %dma_wait3A_140, %dma_wait3A_141] : memref<2x64x8x16xi32, #tpu.memory_space<vmem>> -> memref<1x64x8x16xi32, #tpu.memory_space<vmem>>
    %dma_wait3A_143 = tpu.memref_squeeze %dma_wait3A_142 : memref<1x64x8x16xi32, #tpu.memory_space<vmem>> -> memref<64x8x16xi32, #tpu.memory_space<vmem>>
    %dma_wait3A_144 = arith.constant 7744 : i32
    %dma_wait3A_145 = arith.constant 0 : i32
    %dma_wait3A_146 = tpu.memref_slice %arg3[%dma_wait3A_144, %shift_right_logical3A_0, %dma_wait3A_145, %mul3A_2] : memref<8192x2x8x128xi32, #tpu.memory_space<hbm>> -> memref<64x1x8x16xi32, #tpu.memory_space<hbm>>
    %dma_wait3A_147 = tpu.memref_squeeze %dma_wait3A_146 : memref<64x1x8x16xi32, #tpu.memory_space<hbm>> -> memref<64x8x16xi32, #tpu.memory_space<hbm>>
    tpu.wait_dma2 semaphore(%arg8 : memref<!tpu.dma_semaphore, #tpu.memory_space<semaphore_mem>>) src(%dma_wait3A_147 : memref<64x8x16xi32, #tpu.memory_space<hbm>>) dst(%dma_wait3A_143 : memref<64x8x16xi32, #tpu.memory_space<vmem>>)
    %dma_wait3A_148 = arith.constant 1 : i32
    %dma_wait3A_149 = arith.constant 0 : i32
    %dma_wait3A_150 = arith.constant 0 : i32
    %dma_wait3A_151 = arith.constant 0 : i32
    %dma_wait3A_152 = tpu.memref_slice %arg6[%dma_wait3A_148, %dma_wait3A_149, %dma_wait3A_150, %dma_wait3A_151] : memref<2x64x8x16xf32, #tpu.memory_space<vmem>> -> memref<1x64x8x16xf32, #tpu.memory_space<vmem>>
    %dma_wait3A_153 = tpu.memref_squeeze %dma_wait3A_152 : memref<1x64x8x16xf32, #tpu.memory_space<vmem>> -> memref<64x8x16xf32, #tpu.memory_space<vmem>>
    %dma_wait3A_154 = arith.constant 7744 : i32
    %dma_wait3A_155 = arith.constant 0 : i32
    %dma_wait3A_156 = tpu.memref_slice %arg2[%dma_wait3A_154, %shift_right_logical3A_0, %dma_wait3A_155, %mul3A_2] : memref<8192x2x8x128xf32, #tpu.memory_space<hbm>> -> memref<64x1x8x16xf32, #tpu.memory_space<hbm>>
    %dma_wait3A_157 = tpu.memref_squeeze %dma_wait3A_156 : memref<64x1x8x16xf32, #tpu.memory_space<hbm>> -> memref<64x8x16xf32, #tpu.memory_space<hbm>>
    %dma_wait3A_158 = arith.constant 0 : i32
    %dma_wait3A_159 = arith.constant 0 : i32
    %dma_wait3A_160 = arith.constant 0 : i32
    %dma_wait3A_161 = tpu.memref_slice %arg6[%dma_wait3A_148, %dma_wait3A_158, %dma_wait3A_159, %dma_wait3A_160] : memref<2x64x8x16xf32, #tpu.memory_space<vmem>> -> memref<1x64x8x16xf32, #tpu.memory_space<vmem>>
    %dma_wait3A_162 = tpu.memref_squeeze %dma_wait3A_161 : memref<1x64x8x16xf32, #tpu.memory_space<vmem>> -> memref<64x8x16xf32, #tpu.memory_space<vmem>>
    %dma_wait3A_163 = arith.constant 7744 : i32
    %dma_wait3A_164 = arith.constant 0 : i32
    %dma_wait3A_165 = tpu.memref_slice %arg2[%dma_wait3A_163, %shift_right_logical3A_0, %dma_wait3A_164, %mul3A_2] : memref<8192x2x8x128xf32, #tpu.memory_space<hbm>> -> memref<64x1x8x16xf32, #tpu.memory_space<hbm>>
    %dma_wait3A_166 = tpu.memref_squeeze %dma_wait3A_165 : memref<64x1x8x16xf32, #tpu.memory_space<hbm>> -> memref<64x8x16xf32, #tpu.memory_space<hbm>>
    tpu.wait_dma2 semaphore(%arg8 : memref<!tpu.dma_semaphore, #tpu.memory_space<semaphore_mem>>) src(%dma_wait3A_166 : memref<64x8x16xf32, #tpu.memory_space<hbm>>) dst(%dma_wait3A_162 : memref<64x8x16xf32, #tpu.memory_space<vmem>>)
    return
  }
}

</mosaic_0001>

<sc_bundles>
// kernel: kernel.3.cloned.1.call-start
scs
__scs_entry_jumppad:
0x0: {  	(pc) =	sbr.rel $0x88, $3  }
0x1: {  	(tag) =	ssettag $0x0;
	lr =	simm.s32 $0x1  }
0x2: {  	[smem:$0x3F9F] =	sst lr;
	_ =	strace $0xD0000000  }
0x3: {  	_ = 	snop  }
0x4: {  	_ = 	snop  }
0x5: {  	_ = 	snop  }
0x6: {  	_ = 	snop  }
0x7: {  	_ = 	snop  }
__scs_overlays_trampoline_lowered:
0x8: {  	[smem:$0x3FAE] =	sst s0  }
0x9: {  	[smem:$0x3FAF] =	sst s1  }
0xa: {  	[smem:$0x3FB0] =	sst s2  }
0xb: {  	[smem:$0x3FB1] =	sst s3  }
0xc: {  	[smem:$0x3FB2] =	sst s4  }
0xd: {  	[smem:$0x3FB3] =	sst s5  }
0xe: {  	[smem:$0x3FB4] =	sst s6  }
0xf: {  	[smem:$0x3FB5] =	sst s7  }
0x10: {  	[smem:$0x3FB6] =	sst s8  }
0x11: {  	[smem:$0x3FB7] =	sst s9;
	s0 =	simm.s32 @!p0 $0x0  }
0x12: {  	s1 =	sld [smem:$0x3F9D];
	s0 =	simm.s32 @p0 $0x1  }
0x13: {  	[smem:$0x3FB8] =	sst s0;
	s0 =	simm.s32 @!p1 $0x0  }
0x14: {  	s2 =	sld [smem:$0x3F9C];
	s0 =	simm.s32 @p1 $0x1  }
0x15: {  	[smem:$0x3FB9] =	sst s0;
	s0 =	simm.s32 @!p2 $0x0  }
0x16: {  	s3 =	sld [smem:$0x3FDB];
	s0 =	simm.s32 @p2 $0x1  }
0x17: {  	s4 =	simm.s32 $0x1BF5;
	[smem:$0x3FBB] =	sst s0  }
0x18: {  	s0 =	sld [smem:$0x3F9E];
	_ =	swait.ge [sflag:s4], $0x0  }
0x19: {  	s7 =	sld [smem:$0x3F9F]  }
0x1a: {  	s8 =	sadd.s32 $0xFFFFE003, lr  }
0x1b: {  	s9 =	sadd.s32 $0xFFFFFEF7, lr;
	s5 =	simm.s32 $0xFFFFFFFF;
	p2 =	slt.u32 s8, $0xFFFFF086  }
0x1c: {  	p1 =	slt.u32 s9, $0xF7A;
	s5 =	simm.s32 @!p2 $0x0  }
0x1d: {  	s5 =	simm.s32 @p1 $0x1;
	p0 =	seq.s32 s7, s2  }
0x1e: {  	s7 =	smul.u32 @!p0 $0xF7A, s2;
	p2 =	seq.s32 @!p0 s5, $0x0  }
0x1f: {  	s9 =	smul.u32 $0xF7A, s1;
	s8 =	simm.s32 @!p0 $0x1BF5;
	p2 =	por !p2, p0  }
0x20: {  	[sflag:s8] =	ssyncset.s32 @!p0 $0xFFFFF086;
	s6 =	sadd.s32 @!p0 s3, s7;
	s7 =	simm.s32 @!p0 $0x108  }
0x21: {  	s3 =	sadd.s32 s3, s9;
	s6 =	sadd.s32 @!p0 $0x88, s6;
	s7 =	simm.s32 @p2 $0x1082  }
0x22: {  	[simem:s7], [sflag:s8] =	dma.local @!p0 [hbm:s6], $0xF7A  }
0x23: {  	s9 =	sor.u32 $0xD0000000, s2;
	s6 =	simm.s32 $0x108;
	_ =	swait.ge @!p0 [sflag:s8], $0x0  }
0x24: {  	s3 =	sadd.s32 $0x88, s3;
	s6 =	simm.s32 @!p1 $0x1082;
	[sflag:s4] =	ssyncset.s32 $0xFFFFF086  }
0x25: {  	[simem:s6], [sflag:s4] =	dma.local [hbm:s3], $0xF7A  }
0x26: {  	[smem:$0x3F9F] =	sst s1;
	(tag) =	ssettag s2;
	_ =	strace s9  }
0x27: {  	s1 =	sld [smem:$0x3FAF]  }
0x28: {  	s2 =	sld [smem:$0x3FB0]  }
0x29: {  	s4 =	sld [smem:$0x3FB2]  }
0x2a: {  	p0 =	seq.s32 s5, $0x0;
	s5 =	sld [smem:$0x3FB3]  }
0x2b: {  	s6 =	sld [smem:$0x3FB4]  }
0x2c: {  	s7 =	sld [smem:$0x3FB5]  }
0x2d: {  	s3 =	simm.s32 $0x108;
	s8 =	sld [smem:$0x3FB6]  }
0x2e: {  	s3 =	simm.s32 @!p0 $0x1082;
	s9 =	sld [smem:$0x3FB7]  }
0x2f: {  	lr =	sadd.s32 s0, s3;
	s0 =	sld [smem:$0x3FAE]  }
0x30: {  	s3 =	sld [smem:$0x3FB1]  }
0x31: {  	[smem:$0x3FBA] =	sst s10  }
0x32: {  	s10 =	sld [smem:$0x3FB8];
	_ =	sdelay $0x3  }
0x33: {  	p0 =	seq.s32 s10, $0x1;
	s10 =	sld [smem:$0x3FBA];
	_ =	sdelay $0x3  }
0x34: {  	[smem:$0x3FBA] =	sst s10  }
0x35: {  	s10 =	sld [smem:$0x3FB9];
	_ =	sdelay $0x3  }
0x36: {  	p1 =	seq.s32 s10, $0x1;
	s10 =	sld [smem:$0x3FBA];
	_ =	sdelay $0x3  }
0x37: {  	[smem:$0x3FBA] =	sst s10  }
0x38: {  	s10 =	sld [smem:$0x3FBB]  }
0x39: {  	_ = 	snop;
	(pc) =	sbr.ind lr, $3  }
0x3a: {  	_ = 	snop  }
0x3b: {  	_ = 	snop  }
0x3c: {  	p2 =	seq.s32 s10, $0x1;
	s10 =	sld [smem:$0x3FBA]  }
0x3d: {  	_ =	shalt  }
0x3e: {  	_ =	shalt  }
0x3f: {  	_ =	shalt  }
0x40: {  	_ =	shalt  }
0x41: {  	_ =	shalt  }
0x42: {  	_ =	shalt  }
0x43: {  	_ =	shalt  }
0x44: {  	_ =	shalt  }
0x45: {  	_ =	shalt  }
0x46: {  	_ =	shalt  }
0x47: {  	_ =	shalt  }
0x48: {  	_ =	shalt  }
0x49: {  	_ =	shalt  }
0x4a: {  	_ =	shalt  }
0x4b: {  	_ =	shalt  }
0x4c: {  	_ =	shalt  }
0x4d: {  	_ =	shalt  }
0x4e: {  	_ =	shalt  }
0x4f: {  	_ =	shalt  }
0x50: {  	_ =	shalt  }
0x51: {  	_ =	shalt  }
0x52: {  	_ =	shalt  }
0x53: {  	_ =	shalt  }
0x54: {  	_ =	shalt  }
0x55: {  	_ =	shalt  }
0x56: {  	_ =	shalt  }
0x57: {  	_ =	shalt  }
0x58: {  	_ =	shalt  }
0x59: {  	_ =	shalt  }
0x5a: {  	_ =	shalt  }
0x5b: {  	_ =	shalt  }
0x5c: {  	_ =	shalt  }
0x5d: {  	_ =	shalt  }
0x5e: {  	_ =	shalt  }
0x5f: {  	_ =	shalt  }
0x60: {  	_ =	shalt  }
0x61: {  	_ =	shalt  }
0x62: {  	_ =	shalt  }
0x63: {  	_ =	shalt  }
0x64: {  	_ =	shalt  }
0x65: {  	_ =	shalt  }
0x66: {  	_ =	shalt  }
0x67: {  	_ =	shalt  }
0x68: {  	_ =	shalt  }
0x69: {  	_ =	shalt  }
0x6a: {  	_ =	shalt  }
0x6b: {  	_ =	shalt  }
0x6c: {  	_ =	shalt  }
0x6d: {  	_ =	shalt  }
0x6e: {  	_ =	shalt  }
0x6f: {  	_ =	shalt  }
0x70: {  	_ =	shalt  }
0x71: {  	_ =	shalt  }
0x72: {  	_ =	shalt  }
0x73: {  	_ =	shalt  }
0x74: {  	_ =	shalt  }
0x75: {  	_ =	shalt  }
0x76: {  	_ =	shalt  }
0x77: {  	_ =	shalt  }
0x78: {  	_ =	shalt  }
0x79: {  	_ =	shalt  }
0x7a: {  	_ =	shalt  }
0x7b: {  	_ =	shalt  }
0x7c: {  	_ =	shalt  }
0x7d: {  	_ =	shalt  }
0x7e: {  	_ =	shalt  }
0x7f: {  	_ =	shalt  }
0x80: {  	_ =	shalt  }
0x81: {  	_ =	shalt  }
0x82: {  	_ =	shalt  }
0x83: {  	_ =	shalt  }
0x84: {  	_ =	shalt  }
0x85: {  	_ =	shalt  }
0x86: {  	_ =	shalt  }
0x87: {  	_ =	shalt  }
.Lfunc_end0:
.L_simem_size_0:
called_computation_lowered:
.L_overlay_start_0:
0x88: {  	s2 =	sld [smem:$0x3FD9]  }
0x89: {  	s3 =	sld [smem:$0x3FFE];
	_ =	sdelay $0x1  }
0x8a: {  	s1 =	srdreg.scid  }
0x8b: {  	s0 =	sand.u32 $0x1, s1  }
0x8c: {  	s18 =	sshll.u32 s0, $0xA;
	s2 =	sadd.s32 s3, s2  }
0x8d: {  	s2 =	sadd.s32 s2, s18  }
0x8e: {  	[smem:$0x3FC6] =	sst s2  }
0x8f: {  	_ = 	snop  }
0x90: {  	s2 =	sld [smem:$0x3FC9]  }
0x91: {  	s19 =	sld [smem:$0x3FC8]  }
0x92: {  	s4 =	sld [smem:$0x3FD0];
	(tm) =	ssettm $0x1  }
0x93: {  	s5 =	sld [smem:$0x3FFB];
	_ =	sdelay $0x3  }
0x94: {  	_ =	strace s5  }
0x95: {  	s5 =	sld [smem:$0x3FFC];
	_ =	sdelay $0x3  }
0x96: {  	_ =	strace s5  }
0x97: {  	s5 =	sld [smem:$0x3FFD];
	_ =	sdelay $0x3  }
0x98: {  	_ =	strace s5  }
0x99: {  	_ =	strace $0x8FFFFFFF  }
0x9a: {  	s20 =	sld [smem:$0x3FDB];
	_ =	sdelay $0x1  }
0x9b: {  	s6 =	simm.s32 $_scs_section_size  }
0x9c: {  	s7 =	simm.s32 $_size__tile_overlayer_lowered;
	s8 =	simm.s32 $_tile_overlayer_lowered  }
0x9d: {  	s23 =	simm.s32 $0x1BFF;
	s22 =	sshll.u32 s8, $0x1;
	s5 =	sadd.s32 s6, s20  }
0x9e: {  	s9 =	simm.s32 $0x0;
	s21 =	sshll.u32 s7, $0x1;
	s7 =	sadd.s32 s22, s5  }
0x9f: {  	[timem:s9], [sflag:s23] =	dma.local [hbm:s7], s21  }
0xa0: {  	_ =	swait.ge [sflag:s23], s21  }
0xa1: {  	s6 =	ssub.s32 $0x0, s21;
	[sflag:s23] =	ssyncset.done $0x0  }
0xa2: {  	[sflag:s23] =	ssyncadd.s32 s6;
	_ =	sdelay $0x1  }
0xa3: {  	s24 =	simm.s32 $0x1B8B  }
0xa4: {  	_ =	swait.ge [sflag:s24], $0x1  }
0xa5: {  	[sflag:s24] =	ssyncset.done $0x0  }
0xa6: {  	s25 =	simm.s32 $0x1B8E;
	[sflag:s24] =	ssyncadd.s32 $0xFFFFFFFF  }
0xa7: {  	s26 =	simm.s32 $execute0_lowered;
	[smem:$0x3FD2] =	sst s25  }
0xa8: {  	s6 =	sshll.u32 s26, $0x1;
	_ =	strace $0x80000046;
	[dreg:$0x1] =	wrdreg $0xFFFFFFFF  }
0xa9: {  	s28 =	simm.s32 $_size_execute0_lowered;
	s5 =	sadd.s32 s5, s6;
	[dreg:$0x0] =	wrdreg $0x0  }
0xaa: {  	s6 =	sshll.u32 s28, $0x1;
	[dreg:$0x2] =	wrdreg s5  }
0xab: {  	[dreg:$0x3] =	wrdreg s6  }
0xac: {  	[dreg:$0x4] =	wrdreg $0xC0  }
0xad: {  	_ =	task [dreg:s9], $0x5FFFF  }
0xae: {  	[dreg:$0x1] =	wrdreg $0xFFFFFFFF  }
0xaf: {  	[dreg:$0x0] =	wrdreg $0x60  }
0xb0: {  	[dreg:$0x2] =	wrdreg s2  }
0xb1: {  	[dreg:$0x3] =	wrdreg s19  }
0xb2: {  	[dreg:$0x4] =	wrdreg s4  }
0xb3: {  	[dreg:$0x5] =	wrdreg $0x9  }
0xb4: {  	_ =	task.clear_ibuf [dreg:s9], $0x6FFFF;
	_ =	strace $0x90000046  }
0xb5: {  	s29 =	simm.s32 $0x9;
	_ =	strace $0x80000048  }
0xb6: {  	_ =	swait.ge [sflag:s29], $0x1  }
0xb7: {  	[sflag:s29] =	ssyncadd.s32 $0xFFFFFFFF  }
0xb8: {  	_ =	strace $0x90000048  }
0xb9: {  	_ =	sfence  }
0xba: {  	s30 =	sld [smem:$0x0];
	_ =	sdelay $0x2  }
0xbb: {  	s31 =	sshll.u32 s1, $0xD;
	s1 =	sshrl.u32 s1, $0x2  }
0xbc: {  	s3 =	sand.u32 $0x4000, s31;
	s1 =	sadd.s32 s1, s30  }
0xbd: {  	s0 =	sor.u32 s3, s0;
	s1 =	sshll.u32 s1, $0x11  }
0xbe: {  	s0 =	sor.u32 s1, s0  }
0xbf: {  	s0 =	sadd.s32 $0x8F2B, s0  }
0xc0: {  	[sflag:s0] =	ssyncadd.remote.s32 $0x1  }
0xc1: {  	_ =	sfence.sel $0xFFFF  }
0xc2: {  	[dreg:$0x0] =	wrdreg $0xFFFFFFFF;
	(pc) =	sbr.abs _section_cstart, $3  }
0xc3: {  	[dreg:$0x1] =	wrdreg $0xFFFFFFFF  }
0xc4: {  	_ =	task.clear_ibuf [dreg:s9], $0x2FFFF;
	_ =	strace $0x9FFFFFFF  }
0xc5: {  	(tm) =	ssettm $0x7FFFFFFF  }
tec
execute0_lowered:
.L_overlay_start_1:
0x0: {  	(tag) =	ssettag $0x1  }
0x1: {  	s1 =	rddreg [dreg:$0x0]  }
0x2: {  	s2 =	rddreg [dreg:$0x1]  }
0x3: {  	s4 =	rddreg [dreg:$0x2]  }
0x4: {  	s0 =	rddreg [dreg:$0x3]  }
0x5: {  	s5 =	simm.s32 $0x0;
	s6 =	srdreg.scid;
	s3 =	stileid.u32  }
0x6: {  	s15 =	simm.s32 $0x10;
	s16 =	simm.s32 $0x80;
	s18 =	simm.s32 $0x8000  }
0x7: {  	s19 =	simm.s32 $0x2;
	s17 =	sand.u32 $0x1, s6;
	s31 =	sshll.u32 s3, $0x4  }
0x8: {  	s7 =	sshll.u32 s3, $0x7;
	[smem:$0x7FF] =	sst s5;
	s9 =	ssub.s32 $0x2, s17  }
0x9: {  	s6 =	sand.u32 $0x70, s31;
	s7 =	sand.u32 $0x400, s7;
	_ =	strace $0x80000047  }
0xa: {  	s13 =	sshll.u32 s17, $0x14;
	s10 =	sshrl.u32 s9, $0x1;
	s8 =	sor.u32 s6, s7  }
0xb: {  	v0 =	vmov s17;
	s17 =	simm.s32 $0x1;
	s14 =	ssub.s32 s9, s10;
	s11 =	sshrl.u32 s8, $0x3  }
0xc: {  	s9 =	sadd.s32 s2, s11;
	s10 =	sadd.s32 s1, s11;
	s12 =	sor.u32 $0x4000, s11  }
0xd: {  	v1 =	vimm.f32 $0.0e+00;
	v2 =	vlaneseq.u32;
	s14 =	smax.u32 s14, $0x1;
	s11 =	sadd.s32 s2, s12;
	s12 =	sadd.s32 s1, s12  }
.LBB2_1:
0xe: {  	s20 =	simm.s32 $0x100  }
0xf: {  	s23 =	sadd.s32 $0x0, s9;
	s21 =	simm.s32 $0x80;
	s22 =	simm.s32 $0x0  }
.LBB2_2:
0x10: {  	[tilespmem:s22], [sflag:$0x1] =	stream.strided.gather [hbm4b:s23+s15], $0x80, s16, s15, $0x38;
	[tilespmem:$0x18000] =	vst v63  }
0x11: {  	s23 =	smov.u32 s20;
	s22 =	smov.u32 s21;
	p0 =	sne.s32 s20, $0x3F00  }
.Ltmp0:
0x12: {  	s20 =	sadd.s32 $0x100, s20;
	(pc) =	sbr.rel @p0 .LBB2_2-.Ltmp0, $2  }
0x13: {  	_ =	sdelay $0x2  }
0x14: {  	s21 =	sadd.s32 $0x80, s21;
	s23 =	sadd.s32 s23, s9  }
0x15: {  	[tilespmem:s22], [sflag:$0x1] =	stream.strided.gather [hbm4b:s23+s15], $0x80, s16, s15, $0x38;
	[tilespmem:$0x18000] =	vst v63  }
0x16: {  	s20 =	simm.s32 $0x4000  }
0x17: {  	s21 =	simm.s32 $0x100;
	s23 =	sadd.s32 $0x0, s10;
	s22 =	simm.s32 $0x4080  }
.LBB2_4:
0x18: {  	[tilespmem:s20], [sflag:$0x1] =	stream.strided.gather [hbm4b:s23+s15], $0x80, s16, s15, $0x38;
	[tilespmem:$0x18000] =	vst v63  }
0x19: {  	s23 =	smov.u32 s21;
	s20 =	smov.u32 s22;
	p0 =	sne.s32 s21, $0x3F00  }
.Ltmp1:
0x1a: {  	s21 =	sadd.s32 $0x100, s21;
	(pc) =	sbr.rel @p0 .LBB2_4-.Ltmp1, $2  }
0x1b: {  	_ =	sdelay $0x2  }
0x1c: {  	s22 =	sadd.s32 $0x80, s22;
	s23 =	sadd.s32 s23, s10  }
0x1d: {  	[tilespmem:s20], [sflag:$0x1] =	stream.strided.gather [hbm4b:s23+s15], $0x80, s16, s15, $0x38;
	[tilespmem:$0x18000] =	vst v63  }
0x1e: {  	s20 =	simm.s32 $0x2000  }
0x1f: {  	s21 =	simm.s32 $0x100;
	s23 =	sadd.s32 $0x0, s11;
	s22 =	simm.s32 $0x2080  }
.LBB2_6:
0x20: {  	[tilespmem:s20], [sflag:$0x1] =	stream.strided.gather [hbm4b:s23+s15], $0x80, s16, s15, $0x38;
	[tilespmem:$0x18000] =	vst v63  }
0x21: {  	s23 =	smov.u32 s21;
	s20 =	smov.u32 s22;
	p0 =	sne.s32 s21, $0x3F00  }
.Ltmp2:
0x22: {  	s21 =	sadd.s32 $0x100, s21;
	(pc) =	sbr.rel @p0 .LBB2_6-.Ltmp2, $2  }
0x23: {  	_ =	sdelay $0x2  }
0x24: {  	s22 =	sadd.s32 $0x80, s22;
	s23 =	sadd.s32 s23, s11  }
0x25: {  	[tilespmem:s20], [sflag:$0x1] =	stream.strided.gather [hbm4b:s23+s15], $0x80, s16, s15, $0x38;
	[tilespmem:$0x18000] =	vst v63  }
0x26: {  	s21 =	simm.s32 $0x0;
	s20 =	simm.s32 $0x6000  }
0x27: {  	s22 =	simm.s32 $0x100;
	s24 =	sadd.s32 $0x0, s12;
	s23 =	simm.s32 $0x6080  }
.LBB2_8:
0x28: {  	[tilespmem:s20], [sflag:$0x1] =	stream.strided.gather [hbm4b:s24+s15], $0x80, s16, s15, $0x38;
	[tilespmem:$0x18000] =	vst v63  }
0x29: {  	s24 =	smov.u32 s22;
	s20 =	smov.u32 s23;
	p0 =	seq.s32 s22, $0x3F00  }
.Ltmp3:
0x2a: {  	s22 =	sadd.s32 $0x100, s22;
	(pc) =	sbr.rel @!p0 .LBB2_8-.Ltmp3, $2  }
0x2b: {  	_ =	sdelay $0x2  }
0x2c: {  	s23 =	sadd.s32 $0x80, s23;
	s24 =	sadd.s32 s24, s12  }
0x2d: {  	[tilespmem:s20], [sflag:$0x1] =	stream.strided.gather [hbm4b:s24+s15], $0x80, s16, s15, $0x38;
	[tilespmem:$0x18000] =	vst v63  }
.LBB2_11:
0x2e: {  	p0 =	seq.s32 s21, $0x0  }
0x2f: {  	s20 =	smov.u32 s21;
	s21 =	simm.s32 @!p0 $0x2  }
0x30: {  	_ =	swait.ge @!p0 [sflag:s21], $0x10000  }
0x31: {  	[sflag:s21] =	ssyncset.done @!p0 $0x0  }
0x32: {  	[sflag:s21] =	ssyncadd.s32 @!p0 $0xFFFF0000;
	s21 =	simm.s32 $0x8040  }
0x33: {  	[tilespmem:s21+$0xFFFFFFC0] =	vst v1  }
0x34: {  	[tilespmem:s21+$0x30] =	vst v1  }
0x35: {  	[tilespmem:s21+$0x20] =	vst v1  }
0x36: {  	[tilespmem:s21+$0x10] =	vst v1  }
0x37: {  	[tilespmem:s21+$0x0] =	vst v1  }
0x38: {  	[tilespmem:s21+$0xFFFFFFF0] =	vst v1  }
0x39: {  	s22 =	simm.s32 $0x0;
	[tilespmem:s21+$0xFFFFFFE0] =	vst v1  }
.LBB2_12:
0x3a: {  	s22 =	sadd.s32 $0x8, s22;
	[tilespmem:s21+$0xFFFFFFD0] =	vst v1;
	s21 =	sadd.s32 $0x80, s21  }
0x3b: {  	[tilespmem:s21+$0xFFFFFFC0] =	vst v1;
	p0 =	slt.u32 s22, $0xFF8  }
0x3c: {  	[tilespmem:s21+$0x30] =	vst v1  }
.Ltmp4:
0x3d: {  	[tilespmem:s21+$0x20] =	vst v1;
	(pc) =	sbr.rel @p0 .LBB2_12-.Ltmp4, $4  }
0x3e: {  	[tilespmem:s21+$0x10] =	vst v1  }
0x3f: {  	[tilespmem:s21+$0x0] =	vst v1  }
0x40: {  	[tilespmem:s21+$0xFFFFFFF0] =	vst v1  }
0x41: {  	[tilespmem:s21+$0xFFFFFFE0] =	vst v1  }
0x42: {  	[tilespmem:s21+$0xFFFFFFD0] =	vst v1  }
0x43: {  	_ =	swait.ge [sflag:s17], $0x2000  }
0x44: {  	[sflag:s17] =	ssyncset.done $0x0  }
0x45: {  	[sflag:s17] =	ssyncadd.s32 $0xFFFFE000  }
0x46: {  	_ =	swait.ge [sflag:s17], $0x2000  }
0x47: {  	[sflag:s17] =	ssyncset.done $0x0  }
0x48: {  	s31 =	simm.s32 $0x40;
	[sflag:s17] =	ssyncadd.s32 $0xFFFFE000  }
0x49: {  	v5 =	vld [tilespmem:s31+$0xFFFFFFF0]  }
0x4a: {  	v3 =	vld [tilespmem:s31+$0x0]  }
0x4b: {  	v7 =	vld [tilespmem:s31+$0x10]  }
0x4c: {  	v8 =	vld [tilespmem:s31+$0x30]  }
0x4d: {  	v11 =	vld [tilespmem:s31+$0xFFFFFFC0]  }
0x4e: {  	v12 =	vld [tilespmem:s31+$0xFFFFFFD0]  }
0x4f: {  	v6 =	vld [tilespmem:s31+$0x20]  }
0x50: {  	v14 =	vld [tilespmem:s31+$0xFFFFFFE0]  }
0x51: {  	v9 =	vshrl.u32 v3, $0x4  }
0x52: {  	v4 =	vshrl.u32 v3, $0x14;
	v18 =	vshrl.u32 v7, $0x14;
	v16 =	vshrl.u32 v8, $0x4  }
0x53: {  	v19 =	vshrl.u32 v11, $0x14;
	v17 =	vshrl.u32 v5, $0x4;
	v20 =	vshrl.u32 v5, $0x14  }
0x54: {  	s21 =	simm.s32 $0x4040;
	v21 =	vshrl.u32 v8, $0x14;
	v22 =	vshrl.u32 v12, $0x14;
	v15 =	vshrl.u32 v6, $0x14  }
0x55: {  	v10 =	vld [tilespmem:s21+$0x30];
	v23 =	vshrl.u32 v11, $0x4;
	v24 =	vshrl.u32 v14, $0x14;
	v3 =	vand.u32 $0xFFF0, v9  }
0x56: {  	v13 =	vld [tilespmem:s21+$0x10];
	v9 =	vshrl.u32 v7, $0x4;
	vm0 =	veq.s32 v22, v0;
	v16 =	vand.u32 $0xFFF0, v16  }
0x57: {  	v8 =	vld [tilespmem:s21+$0xFFFFFFF0];
	v22 =	vand.u32 $0xFFF0, v17;
	vm3 =	veq.s32 v19, v0;
	vm4 =	veq.s32 v18, v0  }
0x58: {  	v11 =	vld [tilespmem:s21+$0xFFFFFFD0];
	v23 =	vand.u32 $0xFFF0, v23;
	vm1 =	veq.s32 v20, v0;
	v7 =	vand.u32 $0xFFF0, v9  }
0x59: {  	v18 =	vld [tilespmem:s21+$0x20];
	vm2 =	veq.s32 v24, v0;
	v9 =	vor.u32 v2, v7;
	v7 =	vshrl.u32 v14, $0x4  }
0x5a: {  	v19 =	vld [tilespmem:s21+$0xFFFFFFC0];
	vm5 =	veq.s32 v21, v0;
	v5 =	vand.u32 $0xFFF0, v7;
	v7 =	vshrl.u32 v12, $0x4  }
0x5b: {  	v17 =	vor.u32 v2, v16;
	v16 =	vld [tilespmem:s21+$0x0];
	v20 =	vor.u32 v2, v23;
	v12 =	vand.u32 $0xFFF0, v7  }
0x5c: {  	s22 =	simm.s32 $0x0;
	s23 =	simm.s32 $0xC0;
	v14 =	vor.u32 v2, v22;
	v5 =	vor.u32 v2, v5;
	v7 =	vld [tilespmem:s21+$0xFFFFFFE0];
	v12 =	vor.u32 v2, v12  }
.LBB2_14:
0x5d: {  	v21 =	vld [tilespmem:s23+$0xFFFFFFF0];
	s22 =	sadd.s32 $0x8, s22;
	v6 =	vshrl.u32 v6, $0x4;
	s21 =	sadd.s32 $0x80, s21  }
0x5e: {  	v22 =	vld [tilespmem:s23+$0xFFFFFFE0];
	p0 =	slt.u32 s22, $0x1F8  }
0x5f: {  	v23 =	vld [tilespmem:s23+$0xFFFFFFD0]  }
0x60: {  	v24 =	vld [tilespmem:s23+$0x30]  }
0x61: {  	[tilespmem:v20+s18+$0x0] =	vst.idx.add.f32.msk vm3, v19  }
0x62: {  	v6 =	vand.u32 $0xFFF0, v6;
	vm3 =	veq.s32 v15, v0;
	[tilespmem:v9+s18+$0x0] =	vst.idx.add.f32.msk vm4, v13  }
0x63: {  	vm4 =	veq.s32 v4, v0;
	v4 =	vor.u32 v2, v6;
	[tilespmem:v17+s18+$0x0] =	vst.idx.add.f32.msk vm5, v10  }
0x64: {  	v3 =	vor.u32 v2, v3;
	v9 =	vld [tilespmem:s23+$0x0]  }
0x65: {  	v10 =	vld [tilespmem:s23+$0x10]  }
0x66: {  	v6 =	vld [tilespmem:s23+$0x20]  }
0x67: {  	v17 =	vld [tilespmem:s23+$0xFFFFFFC0]  }
0x68: {  	[tilespmem:v4+s18+$0x0] =	vst.idx.add.f32.msk vm3, v18  }
0x69: {  	v4 =	vshrl.u32 v9, $0x14;
	v9 =	vshrl.u32 v9, $0x4;
	[tilespmem:v3+s18+$0x0] =	vst.idx.add.f32.msk vm4, v16  }
0x6a: {  	v3 =	vand.u32 $0xFFF0, v9;
	v9 =	vshrl.u32 v10, $0x4;
	[tilespmem:v12+s18+$0x0] =	vst.idx.add.f32.msk vm0, v11  }
0x6b: {  	v18 =	vshrl.u32 v10, $0x14;
	v11 =	vshrl.u32 v24, $0x4;
	v9 =	vand.u32 $0xFFF0, v9;
	[tilespmem:v14+s18+$0x0] =	vst.idx.add.f32.msk vm1, v8  }
0x6c: {  	v16 =	vshrl.u32 v21, $0x4;
	v14 =	vshrl.u32 v17, $0x14;
	v9 =	vor.u32 v2, v9;
	[tilespmem:v5+s18+$0x0] =	vst.idx.add.f32.msk vm2, v7  }
0x6d: {  	v19 =	vshrl.u32 v21, $0x14;
	v21 =	vshrl.u32 v24, $0x14;
	v5 =	vshrl.u32 v22, $0x4;
	v10 =	vld [tilespmem:s21+$0x30]  }
0x6e: {  	v15 =	vshrl.u32 v6, $0x14;
	v7 =	vshrl.u32 v23, $0x14;
	v5 =	vand.u32 $0xFFF0, v5;
	v13 =	vld [tilespmem:s21+$0x10]  }
0x6f: {  	v12 =	vshrl.u32 v23, $0x4;
	v20 =	vshrl.u32 v17, $0x4;
	v5 =	vor.u32 v2, v5;
	v8 =	vld [tilespmem:s21+$0xFFFFFFF0]  }
.Ltmp5:
0x70: {  	v12 =	vand.u32 $0xFFF0, v12;
	v17 =	vand.u32 $0xFFF0, v11;
	vm0 =	veq.s32 v7, v0;
	v7 =	vld [tilespmem:s21+$0xFFFFFFE0];
	(pc) =	sbr.rel @p0 .LBB2_14-.Ltmp5, $4  }
0x71: {  	v12 =	vor.u32 v2, v12;
	v23 =	vand.u32 $0xFFF0, v16;
	v17 =	vor.u32 v2, v17;
	v11 =	vld [tilespmem:s21+$0xFFFFFFD0]  }
0x72: {  	vm4 =	veq.s32 v18, v0;
	v22 =	vshrl.u32 v22, $0x14;
	vm3 =	veq.s32 v14, v0;
	v16 =	vld [tilespmem:s21+$0x0]  }
0x73: {  	vm1 =	veq.s32 v19, v0;
	v20 =	vand.u32 $0xFFF0, v20;
	v14 =	vor.u32 v2, v23;
	v18 =	vld [tilespmem:s21+$0x20]  }
0x74: {  	s23 =	sadd.s32 $0x80, s23;
	vm5 =	veq.s32 v21, v0;
	vm2 =	veq.s32 v22, v0;
	v20 =	vor.u32 v2, v20;
	v19 =	vld [tilespmem:s21+$0xFFFFFFC0]  }
0x75: {  	_ =	sdelay $0x4  }
0x76: {  	v6 =	vshrl.u32 v6, $0x4;
	vm7 =	veq.s32 v4, v0;
	[tilespmem:v9+s18+$0x0] =	vst.idx.add.f32.msk vm4, v13  }
0x77: {  	vm6 =	veq.s32 v15, v0;
	v3 =	vor.u32 v2, v3;
	[tilespmem:v17+s18+$0x0] =	vst.idx.add.f32.msk vm5, v10;
	v6 =	vand.u32 $0xFFF0, v6  }
0x78: {  	s21 =	sshll.u32 s20, $0x14;
	[tilespmem:v14+s18+$0x0] =	vst.idx.add.f32.msk vm1, v8;
	v63 =	vor.u32 v2, v6  }
0x79: {  	[tilespmem:v5+s18+$0x0] =	vst.idx.add.f32.msk vm2, v7;
	s21 =	sor.u32 s8, s21  }
0x7a: {  	[tilespmem:v12+s18+$0x0] =	vst.idx.add.f32.msk vm0, v11;
	s21 =	sshrl.u32 s21, $0x3  }
0x7b: {  	s22 =	sor.u32 $0x8000, s21;
	[tilespmem:v20+s18+$0x0] =	vst.idx.add.f32.msk vm3, v19  }
0x7c: {  	s24 =	simm.s32 $0x0;
	s23 =	sadd.s32 s2, s22;
	[tilespmem:v3+s18+$0x0] =	vst.idx.add.f32.msk vm7, v16  }
0x7d: {  	s25 =	simm.s32 $0x100;
	s26 =	simm.s32 $0x80;
	s28 =	sadd.s32 $0x0, s23;
	[tilespmem:v63+s18+$0x0] =	vst.idx.add.f32.msk vm6, v18  }
.LBB2_16:
0x7e: {  	[tilespmem:s24], [sflag:$0x1] =	stream.strided.gather [hbm4b:s28+s15], $0x80, s16, s15, $0x38;
	[tilespmem:$0x18000] =	vst v63  }
0x7f: {  	s28 =	smov.u32 s25;
	s24 =	smov.u32 s26;
	p0 =	sne.s32 s25, $0x3F00  }
.Ltmp6:
0x80: {  	s25 =	sadd.s32 $0x100, s25;
	(pc) =	sbr.rel @p0 .LBB2_16-.Ltmp6, $2  }
0x81: {  	_ =	sdelay $0x2  }
0x82: {  	s26 =	sadd.s32 $0x80, s26;
	s28 =	sadd.s32 s28, s23  }
0x83: {  	[tilespmem:s24], [sflag:$0x1] =	stream.strided.gather [hbm4b:s28+s15], $0x80, s16, s15, $0x38;
	[tilespmem:$0x18000] =	vst v63  }
0x84: {  	s22 =	sadd.s32 s1, s22;
	s23 =	simm.s32 $0x4000  }
0x85: {  	s24 =	simm.s32 $0x100;
	s25 =	simm.s32 $0x4080;
	s26 =	sadd.s32 $0x0, s22  }
.LBB2_18:
0x86: {  	[tilespmem:s23], [sflag:$0x1] =	stream.strided.gather [hbm4b:s26+s15], $0x80, s16, s15, $0x38;
	[tilespmem:$0x18000] =	vst v63  }
0x87: {  	s26 =	smov.u32 s24;
	s23 =	smov.u32 s25;
	p0 =	sne.s32 s24, $0x3F00  }
.Ltmp7:
0x88: {  	s24 =	sadd.s32 $0x100, s24;
	(pc) =	sbr.rel @p0 .LBB2_18-.Ltmp7, $2  }
0x89: {  	_ =	sdelay $0x2  }
0x8a: {  	s25 =	sadd.s32 $0x80, s25;
	s26 =	sadd.s32 s26, s22  }
0x8b: {  	[tilespmem:s23], [sflag:$0x1] =	stream.strided.gather [hbm4b:s26+s15], $0x80, s16, s15, $0x38;
	[tilespmem:$0x18000] =	vst v63  }
0x8c: {  	_ =	swait.ge [sflag:s17], $0x2000  }
0x8d: {  	[sflag:s17] =	ssyncset.done $0x0  }
0x8e: {  	[sflag:s17] =	ssyncadd.s32 $0xFFFFE000  }
0x8f: {  	_ =	swait.ge [sflag:s17], $0x2000  }
0x90: {  	[sflag:s17] =	ssyncset.done $0x0  }
0x91: {  	s22 =	simm.s32 $0x2070;
	[sflag:s17] =	ssyncadd.s32 $0xFFFFE000  }
0x92: {  	v5 =	vld [tilespmem:s22+$0xFFFFFFC0]  }
0x93: {  	v3 =	vld [tilespmem:s22+$0xFFFFFFD0]  }
0x94: {  	v7 =	vld [tilespmem:s22+$0xFFFFFFE0]  }
0x95: {  	v8 =	vld [tilespmem:s22+$0x0]  }
0x96: {  	v11 =	vld [tilespmem:s22+$0xFFFFFF90]  }
0x97: {  	v12 =	vld [tilespmem:s22+$0xFFFFFFA0]  }
0x98: {  	v6 =	vld [tilespmem:s22+$0xFFFFFFF0]  }
0x99: {  	v15 =	vld [tilespmem:s22+$0xFFFFFFB0]  }
0x9a: {  	v9 =	vshrl.u32 v3, $0x4  }
0x9b: {  	v4 =	vshrl.u32 v3, $0x14;
	v18 =	vshrl.u32 v7, $0x14;
	v16 =	vshrl.u32 v8, $0x4  }
0x9c: {  	v19 =	vshrl.u32 v11, $0x14;
	v17 =	vshrl.u32 v5, $0x4;
	v20 =	vshrl.u32 v5, $0x14  }
0x9d: {  	s22 =	simm.s32 $0x6070;
	v21 =	vshrl.u32 v8, $0x14;
	v22 =	vshrl.u32 v12, $0x14;
	v14 =	vshrl.u32 v6, $0x14  }
0x9e: {  	v10 =	vld [tilespmem:s22+$0x0];
	v23 =	vshrl.u32 v11, $0x4;
	v24 =	vshrl.u32 v15, $0x14;
	v3 =	vand.u32 $0xFFF0, v9  }
0x9f: {  	v13 =	vld [tilespmem:s22+$0xFFFFFFE0];
	v9 =	vshrl.u32 v7, $0x4;
	vm0 =	veq.s32 v22, v0;
	v16 =	vand.u32 $0xFFF0, v16  }
0xa0: {  	v8 =	vld [tilespmem:s22+$0xFFFFFFC0];
	v22 =	vand.u32 $0xFFF0, v17;
	vm3 =	veq.s32 v19, v0;
	vm4 =	veq.s32 v18, v0  }
0xa1: {  	v11 =	vld [tilespmem:s22+$0xFFFFFFA0];
	v23 =	vand.u32 $0xFFF0, v23;
	vm1 =	veq.s32 v20, v0;
	v7 =	vand.u32 $0xFFF0, v9  }
0xa2: {  	v18 =	vld [tilespmem:s22+$0xFFFFFFF0];
	vm2 =	veq.s32 v24, v0;
	v9 =	vor.u32 v2, v7;
	v7 =	vshrl.u32 v15, $0x4  }
0xa3: {  	v19 =	vld [tilespmem:s22+$0xFFFFFF90];
	vm5 =	veq.s32 v21, v0;
	v5 =	vand.u32 $0xFFF0, v7;
	v7 =	vshrl.u32 v12, $0x4  }
0xa4: {  	v17 =	vor.u32 v2, v16;
	v16 =	vld [tilespmem:s22+$0xFFFFFFD0];
	v20 =	vor.u32 v2, v23;
	v12 =	vand.u32 $0xFFF0, v7  }
0xa5: {  	s23 =	simm.s32 $0x0;
	s24 =	simm.s32 $0x20F0;
	v15 =	vor.u32 v2, v22;
	v5 =	vor.u32 v2, v5;
	v7 =	vld [tilespmem:s22+$0xFFFFFFB0];
	v12 =	vor.u32 v2, v12  }
.LBB2_20:
0xa6: {  	v21 =	vld [tilespmem:s24+$0xFFFFFFC0];
	s23 =	sadd.s32 $0x8, s23;
	v6 =	vshrl.u32 v6, $0x4;
	s22 =	sadd.s32 $0x80, s22  }
0xa7: {  	v22 =	vld [tilespmem:s24+$0xFFFFFFB0];
	p0 =	slt.u32 s23, $0x1F8  }
0xa8: {  	v23 =	vld [tilespmem:s24+$0xFFFFFFA0]  }
0xa9: {  	v24 =	vld [tilespmem:s24+$0x0]  }
0xaa: {  	[tilespmem:v20+s18+$0x0] =	vst.idx.add.f32.msk vm3, v19  }
0xab: {  	v6 =	vand.u32 $0xFFF0, v6;
	vm3 =	veq.s32 v14, v0;
	[tilespmem:v9+s18+$0x0] =	vst.idx.add.f32.msk vm4, v13  }
0xac: {  	vm4 =	veq.s32 v4, v0;
	v4 =	vor.u32 v2, v6;
	[tilespmem:v17+s18+$0x0] =	vst.idx.add.f32.msk vm5, v10  }
0xad: {  	v3 =	vor.u32 v2, v3;
	v9 =	vld [tilespmem:s24+$0xFFFFFFD0]  }
0xae: {  	v10 =	vld [tilespmem:s24+$0xFFFFFFE0]  }
0xaf: {  	v6 =	vld [tilespmem:s24+$0xFFFFFFF0]  }
0xb0: {  	v17 =	vld [tilespmem:s24+$0xFFFFFF90]  }
0xb1: {  	[tilespmem:v4+s18+$0x0] =	vst.idx.add.f32.msk vm3, v18  }
0xb2: {  	v4 =	vshrl.u32 v9, $0x14;
	v9 =	vshrl.u32 v9, $0x4;
	[tilespmem:v3+s18+$0x0] =	vst.idx.add.f32.msk vm4, v16  }
0xb3: {  	v3 =	vand.u32 $0xFFF0, v9;
	v9 =	vshrl.u32 v10, $0x4;
	[tilespmem:v12+s18+$0x0] =	vst.idx.add.f32.msk vm0, v11  }
0xb4: {  	v18 =	vshrl.u32 v10, $0x14;
	v11 =	vshrl.u32 v24, $0x4;
	v9 =	vand.u32 $0xFFF0, v9;
	[tilespmem:v15+s18+$0x0] =	vst.idx.add.f32.msk vm1, v8  }
0xb5: {  	v16 =	vshrl.u32 v21, $0x4;
	v15 =	vshrl.u32 v17, $0x14;
	v9 =	vor.u32 v2, v9;
	[tilespmem:v5+s18+$0x0] =	vst.idx.add.f32.msk vm2, v7  }
0xb6: {  	v19 =	vshrl.u32 v21, $0x14;
	v21 =	vshrl.u32 v24, $0x14;
	v5 =	vshrl.u32 v22, $0x4;
	v10 =	vld [tilespmem:s22+$0x0]  }
0xb7: {  	v14 =	vshrl.u32 v6, $0x14;
	v7 =	vshrl.u32 v23, $0x14;
	v5 =	vand.u32 $0xFFF0, v5;
	v13 =	vld [tilespmem:s22+$0xFFFFFFE0]  }
0xb8: {  	v12 =	vshrl.u32 v23, $0x4;
	v20 =	vshrl.u32 v17, $0x4;
	v5 =	vor.u32 v2, v5;
	v8 =	vld [tilespmem:s22+$0xFFFFFFC0]  }
.Ltmp8:
0xb9: {  	v12 =	vand.u32 $0xFFF0, v12;
	v17 =	vand.u32 $0xFFF0, v11;
	vm0 =	veq.s32 v7, v0;
	v7 =	vld [tilespmem:s22+$0xFFFFFFB0];
	(pc) =	sbr.rel @p0 .LBB2_20-.Ltmp8, $4  }
0xba: {  	v12 =	vor.u32 v2, v12;
	v23 =	vand.u32 $0xFFF0, v16;
	v17 =	vor.u32 v2, v17;
	v11 =	vld [tilespmem:s22+$0xFFFFFFA0]  }
0xbb: {  	vm4 =	veq.s32 v18, v0;
	v22 =	vshrl.u32 v22, $0x14;
	vm3 =	veq.s32 v15, v0;
	v16 =	vld [tilespmem:s22+$0xFFFFFFD0]  }
0xbc: {  	vm1 =	veq.s32 v19, v0;
	v20 =	vand.u32 $0xFFF0, v20;
	v15 =	vor.u32 v2, v23;
	v18 =	vld [tilespmem:s22+$0xFFFFFFF0]  }
0xbd: {  	s24 =	sadd.s32 $0x80, s24;
	vm5 =	veq.s32 v21, v0;
	vm2 =	veq.s32 v22, v0;
	v20 =	vor.u32 v2, v20;
	v19 =	vld [tilespmem:s22+$0xFFFFFF90]  }
0xbe: {  	_ =	sdelay $0x4  }
0xbf: {  	v6 =	vshrl.u32 v6, $0x4;
	vm7 =	veq.s32 v4, v0;
	[tilespmem:v9+s18+$0x0] =	vst.idx.add.f32.msk vm4, v13  }
0xc0: {  	vm6 =	veq.s32 v14, v0;
	v3 =	vor.u32 v2, v3;
	[tilespmem:v17+s18+$0x0] =	vst.idx.add.f32.msk vm5, v10;
	v6 =	vand.u32 $0xFFF0, v6  }
0xc1: {  	[tilespmem:v15+s18+$0x0] =	vst.idx.add.f32.msk vm1, v8;
	v63 =	vor.u32 v2, v6  }
0xc2: {  	[tilespmem:v5+s18+$0x0] =	vst.idx.add.f32.msk vm2, v7  }
0xc3: {  	[tilespmem:v12+s18+$0x0] =	vst.idx.add.f32.msk vm0, v11  }
0xc4: {  	s22 =	sor.u32 $0xC000, s21;
	[tilespmem:v20+s18+$0x0] =	vst.idx.add.f32.msk vm3, v19  }
0xc5: {  	s24 =	simm.s32 $0x2000;
	s23 =	sadd.s32 s2, s22;
	[tilespmem:v3+s18+$0x0] =	vst.idx.add.f32.msk vm7, v16  }
0xc6: {  	s25 =	simm.s32 $0x100;
	s26 =	simm.s32 $0x2080;
	s28 =	sadd.s32 $0x0, s23;
	[tilespmem:v63+s18+$0x0] =	vst.idx.add.f32.msk vm6, v18  }
.LBB2_22:
0xc7: {  	[tilespmem:s24], [sflag:$0x1] =	stream.strided.gather [hbm4b:s28+s15], $0x80, s16, s15, $0x38;
	[tilespmem:$0x18000] =	vst v63  }
0xc8: {  	s28 =	smov.u32 s25;
	s24 =	smov.u32 s26;
	p0 =	sne.s32 s25, $0x3F00  }
.Ltmp9:
0xc9: {  	s25 =	sadd.s32 $0x100, s25;
	(pc) =	sbr.rel @p0 .LBB2_22-.Ltmp9, $2  }
0xca: {  	_ =	sdelay $0x2  }
0xcb: {  	s26 =	sadd.s32 $0x80, s26;
	s28 =	sadd.s32 s28, s23  }
0xcc: {  	[tilespmem:s24], [sflag:$0x1] =	stream.strided.gather [hbm4b:s28+s15], $0x80, s16, s15, $0x38;
	[tilespmem:$0x18000] =	vst v63  }
0xcd: {  	s22 =	sadd.s32 s1, s22;
	s23 =	simm.s32 $0x6000  }
0xce: {  	s24 =	simm.s32 $0x100;
	s25 =	simm.s32 $0x6080;
	s26 =	sadd.s32 $0x0, s22  }
.LBB2_24:
0xcf: {  	[tilespmem:s23], [sflag:$0x1] =	stream.strided.gather [hbm4b:s26+s15], $0x80, s16, s15, $0x38;
	[tilespmem:$0x18000] =	vst v63  }
0xd0: {  	s26 =	smov.u32 s24;
	s23 =	smov.u32 s25;
	p0 =	sne.s32 s24, $0x3F00  }
.Ltmp10:
0xd1: {  	s24 =	sadd.s32 $0x100, s24;
	(pc) =	sbr.rel @p0 .LBB2_24-.Ltmp10, $2  }
0xd2: {  	_ =	sdelay $0x2  }
0xd3: {  	s25 =	sadd.s32 $0x80, s25;
	s26 =	sadd.s32 s26, s22  }
0xd4: {  	[tilespmem:s23], [sflag:$0x1] =	stream.strided.gather [hbm4b:s26+s15], $0x80, s16, s15, $0x38;
	[tilespmem:$0x18000] =	vst v63  }
0xd5: {  	_ =	swait.ge [sflag:s17], $0x2000  }
0xd6: {  	[sflag:s17] =	ssyncset.done $0x0  }
0xd7: {  	[sflag:s17] =	ssyncadd.s32 $0xFFFFE000  }
0xd8: {  	_ =	swait.ge [sflag:s17], $0x2000  }
0xd9: {  	[sflag:s17] =	ssyncset.done $0x0  }
0xda: {  	s22 =	simm.s32 $0x40;
	[sflag:s17] =	ssyncadd.s32 $0xFFFFE000  }
0xdb: {  	v5 =	vld [tilespmem:s22+$0xFFFFFFF0]  }
0xdc: {  	v3 =	vld [tilespmem:s22+$0x0]  }
0xdd: {  	v7 =	vld [tilespmem:s22+$0x10]  }
0xde: {  	v8 =	vld [tilespmem:s22+$0x30]  }
0xdf: {  	v11 =	vld [tilespmem:s22+$0xFFFFFFC0]  }
0xe0: {  	v12 =	vld [tilespmem:s22+$0xFFFFFFD0]  }
0xe1: {  	v6 =	vld [tilespmem:s22+$0x20]  }
0xe2: {  	v15 =	vld [tilespmem:s22+$0xFFFFFFE0]  }
0xe3: {  	v9 =	vshrl.u32 v3, $0x4  }
0xe4: {  	v4 =	vshrl.u32 v3, $0x14;
	v18 =	vshrl.u32 v7, $0x14;
	v16 =	vshrl.u32 v8, $0x4  }
0xe5: {  	v19 =	vshrl.u32 v11, $0x14;
	v17 =	vshrl.u32 v5, $0x4;
	v20 =	vshrl.u32 v5, $0x14  }
0xe6: {  	s22 =	simm.s32 $0x4040;
	v21 =	vshrl.u32 v8, $0x14;
	v22 =	vshrl.u32 v12, $0x14;
	v14 =	vshrl.u32 v6, $0x14  }
0xe7: {  	v10 =	vld [tilespmem:s22+$0x30];
	v23 =	vshrl.u32 v11, $0x4;
	v24 =	vshrl.u32 v15, $0x14;
	v3 =	vand.u32 $0xFFF0, v9  }
0xe8: {  	v13 =	vld [tilespmem:s22+$0x10];
	v9 =	vshrl.u32 v7, $0x4;
	vm0 =	veq.s32 v22, v0;
	v16 =	vand.u32 $0xFFF0, v16  }
0xe9: {  	v8 =	vld [tilespmem:s22+$0xFFFFFFF0];
	v22 =	vand.u32 $0xFFF0, v17;
	vm3 =	veq.s32 v19, v0;
	vm4 =	veq.s32 v18, v0  }
0xea: {  	v11 =	vld [tilespmem:s22+$0xFFFFFFD0];
	v23 =	vand.u32 $0xFFF0, v23;
	vm1 =	veq.s32 v20, v0;
	v7 =	vand.u32 $0xFFF0, v9  }
0xeb: {  	v18 =	vld [tilespmem:s22+$0x20];
	vm2 =	veq.s32 v24, v0;
	v9 =	vor.u32 v2, v7;
	v7 =	vshrl.u32 v15, $0x4  }
0xec: {  	v19 =	vld [tilespmem:s22+$0xFFFFFFC0];
	vm5 =	veq.s32 v21, v0;
	v5 =	vand.u32 $0xFFF0, v7;
	v7 =	vshrl.u32 v12, $0x4  }
0xed: {  	v17 =	vor.u32 v2, v16;
	v16 =	vld [tilespmem:s22+$0x0];
	v20 =	vor.u32 v2, v23;
	v12 =	vand.u32 $0xFFF0, v7  }
0xee: {  	s23 =	simm.s32 $0x0;
	s24 =	simm.s32 $0xC0;
	v15 =	vor.u32 v2, v22;
	v5 =	vor.u32 v2, v5;
	v7 =	vld [tilespmem:s22+$0xFFFFFFE0];
	v12 =	vor.u32 v2, v12  }
.LBB2_26:
0xef: {  	v21 =	vld [tilespmem:s24+$0xFFFFFFF0];
	s23 =	sadd.s32 $0x8, s23;
	v6 =	vshrl.u32 v6, $0x4;
	s22 =	sadd.s32 $0x80, s22  }
0xf0: {  	v22 =	vld [tilespmem:s24+$0xFFFFFFE0];
	p0 =	slt.u32 s23, $0x1F8  }
0xf1: {  	v23 =	vld [tilespmem:s24+$0xFFFFFFD0]  }
0xf2: {  	v24 =	vld [tilespmem:s24+$0x30]  }
0xf3: {  	[tilespmem:v20+s18+$0x0] =	vst.idx.add.f32.msk vm3, v19  }
0xf4: {  	v6 =	vand.u32 $0xFFF0, v6;
	vm3 =	veq.s32 v14, v0;
	[tilespmem:v9+s18+$0x0] =	vst.idx.add.f32.msk vm4, v13  }
0xf5: {  	vm4 =	veq.s32 v4, v0;
	v4 =	vor.u32 v2, v6;
	[tilespmem:v17+s18+$0x0] =	vst.idx.add.f32.msk vm5, v10  }
0xf6: {  	v3 =	vor.u32 v2, v3;
	v9 =	vld [tilespmem:s24+$0x0]  }
0xf7: {  	v10 =	vld [tilespmem:s24+$0x10]  }
0xf8: {  	v6 =	vld [tilespmem:s24+$0x20]  }
0xf9: {  	v17 =	vld [tilespmem:s24+$0xFFFFFFC0]  }
0xfa: {  	[tilespmem:v4+s18+$0x0] =	vst.idx.add.f32.msk vm3, v18  }
0xfb: {  	v4 =	vshrl.u32 v9, $0x14;
	v9 =	vshrl.u32 v9, $0x4;
	[tilespmem:v3+s18+$0x0] =	vst.idx.add.f32.msk vm4, v16  }
0xfc: {  	v3 =	vand.u32 $0xFFF0, v9;
	v9 =	vshrl.u32 v10, $0x4;
	[tilespmem:v12+s18+$0x0] =	vst.idx.add.f32.msk vm0, v11  }
0xfd: {  	v18 =	vshrl.u32 v10, $0x14;
	v11 =	vshrl.u32 v24, $0x4;
	v9 =	vand.u32 $0xFFF0, v9;
	[tilespmem:v15+s18+$0x0] =	vst.idx.add.f32.msk vm1, v8  }
0xfe: {  	v16 =	vshrl.u32 v21, $0x4;
	v15 =	vshrl.u32 v17, $0x14;
	v9 =	vor.u32 v2, v9;
	[tilespmem:v5+s18+$0x0] =	vst.idx.add.f32.msk vm2, v7  }
0xff: {  	v19 =	vshrl.u32 v21, $0x14;
	v21 =	vshrl.u32 v24, $0x14;
	v5 =	vshrl.u32 v22, $0x4;
	v10 =	vld [tilespmem:s22+$0x30]  }
0x100: {  	v14 =	vshrl.u32 v6, $0x14;
	v7 =	vshrl.u32 v23, $0x14;
	v5 =	vand.u32 $0xFFF0, v5;
	v13 =	vld [tilespmem:s22+$0x10]  }
0x101: {  	v12 =	vshrl.u32 v23, $0x4;
	v20 =	vshrl.u32 v17, $0x4;
	v5 =	vor.u32 v2, v5;
	v8 =	vld [tilespmem:s22+$0xFFFFFFF0]  }
.Ltmp11:
0x102: {  	v12 =	vand.u32 $0xFFF0, v12;
	v17 =	vand.u32 $0xFFF0, v11;
	vm0 =	veq.s32 v7, v0;
	v7 =	vld [tilespmem:s22+$0xFFFFFFE0];
	(pc) =	sbr.rel @p0 .LBB2_26-.Ltmp11, $4  }
0x103: {  	v12 =	vor.u32 v2, v12;
	v23 =	vand.u32 $0xFFF0, v16;
	v17 =	vor.u32 v2, v17;
	v11 =	vld [tilespmem:s22+$0xFFFFFFD0]  }
0x104: {  	vm4 =	veq.s32 v18, v0;
	v22 =	vshrl.u32 v22, $0x14;
	vm3 =	veq.s32 v15, v0;
	v16 =	vld [tilespmem:s22+$0x0]  }
0x105: {  	vm1 =	veq.s32 v19, v0;
	v20 =	vand.u32 $0xFFF0, v20;
	v15 =	vor.u32 v2, v23;
	v18 =	vld [tilespmem:s22+$0x20]  }
0x106: {  	s24 =	sadd.s32 $0x80, s24;
	vm5 =	veq.s32 v21, v0;
	vm2 =	veq.s32 v22, v0;
	v20 =	vor.u32 v2, v20;
	v19 =	vld [tilespmem:s22+$0xFFFFFFC0]  }
0x107: {  	_ =	sdelay $0x4  }
0x108: {  	v6 =	vshrl.u32 v6, $0x4;
	vm7 =	veq.s32 v4, v0;
	[tilespmem:v9+s18+$0x0] =	vst.idx.add.f32.msk vm4, v13  }
0x109: {  	vm6 =	veq.s32 v14, v0;
	v3 =	vor.u32 v2, v3;
	[tilespmem:v17+s18+$0x0] =	vst.idx.add.f32.msk vm5, v10;
	v6 =	vand.u32 $0xFFF0, v6  }
0x10a: {  	[tilespmem:v15+s18+$0x0] =	vst.idx.add.f32.msk vm1, v8;
	v63 =	vor.u32 v2, v6  }
0x10b: {  	[tilespmem:v5+s18+$0x0] =	vst.idx.add.f32.msk vm2, v7  }
0x10c: {  	[tilespmem:v12+s18+$0x0] =	vst.idx.add.f32.msk vm0, v11  }
0x10d: {  	s22 =	sor.u32 $0x10000, s21;
	[tilespmem:v20+s18+$0x0] =	vst.idx.add.f32.msk vm3, v19  }
0x10e: {  	s24 =	simm.s32 $0x0;
	s23 =	sadd.s32 s2, s22;
	[tilespmem:v3+s18+$0x0] =	vst.idx.add.f32.msk vm7, v16  }
0x10f: {  	s25 =	simm.s32 $0x100;
	s26 =	simm.s32 $0x80;
	s28 =	sadd.s32 $0x0, s23;
	[tilespmem:v63+s18+$0x0] =	vst.idx.add.f32.msk vm6, v18  }
.LBB2_28:
0x110: {  	[tilespmem:s24], [sflag:$0x1] =	stream.strided.gather [hbm4b:s28+s15], $0x80, s16, s15, $0x38;
	[tilespmem:$0x18000] =	vst v63  }
0x111: {  	s28 =	smov.u32 s25;
	s24 =	smov.u32 s26;
	p0 =	sne.s32 s25, $0x3F00  }
.Ltmp12:
0x112: {  	s25 =	sadd.s32 $0x100, s25;
	(pc) =	sbr.rel @p0 .LBB2_28-.Ltmp12, $2  }
0x113: {  	_ =	sdelay $0x2  }
0x114: {  	s26 =	sadd.s32 $0x80, s26;
	s28 =	sadd.s32 s28, s23  }
0x115: {  	[tilespmem:s24], [sflag:$0x1] =	stream.strided.gather [hbm4b:s28+s15], $0x80, s16, s15, $0x38;
	[tilespmem:$0x18000] =	vst v63  }
0x116: {  	s22 =	sadd.s32 s1, s22;
	s23 =	simm.s32 $0x4000  }
0x117: {  	s24 =	simm.s32 $0x100;
	s25 =	simm.s32 $0x4080;
	s26 =	sadd.s32 $0x0, s22  }
.LBB2_30:
0x118: {  	[tilespmem:s23], [sflag:$0x1] =	stream.strided.gather [hbm4b:s26+s15], $0x80, s16, s15, $0x38;
	[tilespmem:$0x18000] =	vst v63  }
0x119: {  	s26 =	smov.u32 s24;
	s23 =	smov.u32 s25;
	p0 =	sne.s32 s24, $0x3F00  }
.Ltmp13:
0x11a: {  	s24 =	sadd.s32 $0x100, s24;
	(pc) =	sbr.rel @p0 .LBB2_30-.Ltmp13, $2  }
0x11b: {  	_ =	sdelay $0x2  }
0x11c: {  	s25 =	sadd.s32 $0x80, s25;
	s26 =	sadd.s32 s26, s22  }
0x11d: {  	[tilespmem:s23], [sflag:$0x1] =	stream.strided.gather [hbm4b:s26+s15], $0x80, s16, s15, $0x38;
	[tilespmem:$0x18000] =	vst v63  }
0x11e: {  	_ =	swait.ge [sflag:s17], $0x2000  }
0x11f: {  	[sflag:s17] =	ssyncset.done $0x0  }
0x120: {  	[sflag:s17] =	ssyncadd.s32 $0xFFFFE000  }
0x121: {  	_ =	swait.ge [sflag:s17], $0x2000  }
0x122: {  	[sflag:s17] =	ssyncset.done $0x0  }
0x123: {  	s22 =	simm.s32 $0x2070;
	[sflag:s17] =	ssyncadd.s32 $0xFFFFE000  }
0x124: {  	v5 =	vld [tilespmem:s22+$0xFFFFFFC0]  }
0x125: {  	v3 =	vld [tilespmem:s22+$0xFFFFFFD0]  }
0x126: {  	v7 =	vld [tilespmem:s22+$0xFFFFFFE0]  }
0x127: {  	v8 =	vld [tilespmem:s22+$0x0]  }
0x128: {  	v11 =	vld [tilespmem:s22+$0xFFFFFF90]  }
0x129: {  	v12 =	vld [tilespmem:s22+$0xFFFFFFA0]  }
0x12a: {  	v6 =	vld [tilespmem:s22+$0xFFFFFFF0]  }
0x12b: {  	v15 =	vld [tilespmem:s22+$0xFFFFFFB0]  }
0x12c: {  	v9 =	vshrl.u32 v3, $0x4  }
0x12d: {  	v4 =	vshrl.u32 v3, $0x14;
	v18 =	vshrl.u32 v7, $0x14;
	v16 =	vshrl.u32 v8, $0x4  }
0x12e: {  	v19 =	vshrl.u32 v11, $0x14;
	v17 =	vshrl.u32 v5, $0x4;
	v20 =	vshrl.u32 v5, $0x14  }
0x12f: {  	s22 =	simm.s32 $0x6070;
	v21 =	vshrl.u32 v8, $0x14;
	v22 =	vshrl.u32 v12, $0x14;
	v14 =	vshrl.u32 v6, $0x14  }
0x130: {  	v10 =	vld [tilespmem:s22+$0x0];
	v23 =	vshrl.u32 v11, $0x4;
	v24 =	vshrl.u32 v15, $0x14;
	v3 =	vand.u32 $0xFFF0, v9  }
0x131: {  	v13 =	vld [tilespmem:s22+$0xFFFFFFE0];
	v9 =	vshrl.u32 v7, $0x4;
	vm0 =	veq.s32 v22, v0;
	v16 =	vand.u32 $0xFFF0, v16  }
0x132: {  	v8 =	vld [tilespmem:s22+$0xFFFFFFC0];
	v22 =	vand.u32 $0xFFF0, v17;
	vm3 =	veq.s32 v19, v0;
	vm4 =	veq.s32 v18, v0  }
0x133: {  	v11 =	vld [tilespmem:s22+$0xFFFFFFA0];
	v23 =	vand.u32 $0xFFF0, v23;
	vm1 =	veq.s32 v20, v0;
	v7 =	vand.u32 $0xFFF0, v9  }
0x134: {  	v18 =	vld [tilespmem:s22+$0xFFFFFFF0];
	vm2 =	veq.s32 v24, v0;
	v9 =	vor.u32 v2, v7;
	v7 =	vshrl.u32 v15, $0x4  }
0x135: {  	v19 =	vld [tilespmem:s22+$0xFFFFFF90];
	vm5 =	veq.s32 v21, v0;
	v5 =	vand.u32 $0xFFF0, v7;
	v7 =	vshrl.u32 v12, $0x4  }
0x136: {  	v17 =	vor.u32 v2, v16;
	v16 =	vld [tilespmem:s22+$0xFFFFFFD0];
	v20 =	vor.u32 v2, v23;
	v12 =	vand.u32 $0xFFF0, v7  }
0x137: {  	s23 =	simm.s32 $0x0;
	s24 =	simm.s32 $0x20F0;
	v15 =	vor.u32 v2, v22;
	v5 =	vor.u32 v2, v5;
	v7 =	vld [tilespmem:s22+$0xFFFFFFB0];
	v12 =	vor.u32 v2, v12  }
.LBB2_32:
0x138: {  	v21 =	vld [tilespmem:s24+$0xFFFFFFC0];
	s23 =	sadd.s32 $0x8, s23;
	v6 =	vshrl.u32 v6, $0x4;
	s22 =	sadd.s32 $0x80, s22  }
0x139: {  	v22 =	vld [tilespmem:s24+$0xFFFFFFB0];
	p0 =	slt.u32 s23, $0x1F8  }
0x13a: {  	v23 =	vld [tilespmem:s24+$0xFFFFFFA0]  }
0x13b: {  	v24 =	vld [tilespmem:s24+$0x0]  }
0x13c: {  	[tilespmem:v20+s18+$0x0] =	vst.idx.add.f32.msk vm3, v19  }
0x13d: {  	v6 =	vand.u32 $0xFFF0, v6;
	vm3 =	veq.s32 v14, v0;
	[tilespmem:v9+s18+$0x0] =	vst.idx.add.f32.msk vm4, v13  }
0x13e: {  	vm4 =	veq.s32 v4, v0;
	v4 =	vor.u32 v2, v6;
	[tilespmem:v17+s18+$0x0] =	vst.idx.add.f32.msk vm5, v10  }
0x13f: {  	v3 =	vor.u32 v2, v3;
	v9 =	vld [tilespmem:s24+$0xFFFFFFD0]  }
0x140: {  	v10 =	vld [tilespmem:s24+$0xFFFFFFE0]  }
0x141: {  	v6 =	vld [tilespmem:s24+$0xFFFFFFF0]  }
0x142: {  	v17 =	vld [tilespmem:s24+$0xFFFFFF90]  }
0x143: {  	[tilespmem:v4+s18+$0x0] =	vst.idx.add.f32.msk vm3, v18  }
0x144: {  	v4 =	vshrl.u32 v9, $0x14;
	v9 =	vshrl.u32 v9, $0x4;
	[tilespmem:v3+s18+$0x0] =	vst.idx.add.f32.msk vm4, v16  }
0x145: {  	v3 =	vand.u32 $0xFFF0, v9;
	v9 =	vshrl.u32 v10, $0x4;
	[tilespmem:v12+s18+$0x0] =	vst.idx.add.f32.msk vm0, v11  }
0x146: {  	v18 =	vshrl.u32 v10, $0x14;
	v11 =	vshrl.u32 v24, $0x4;
	v9 =	vand.u32 $0xFFF0, v9;
	[tilespmem:v15+s18+$0x0] =	vst.idx.add.f32.msk vm1, v8  }
0x147: {  	v16 =	vshrl.u32 v21, $0x4;
	v15 =	vshrl.u32 v17, $0x14;
	v9 =	vor.u32 v2, v9;
	[tilespmem:v5+s18+$0x0] =	vst.idx.add.f32.msk vm2, v7  }
0x148: {  	v19 =	vshrl.u32 v21, $0x14;
	v21 =	vshrl.u32 v24, $0x14;
	v5 =	vshrl.u32 v22, $0x4;
	v10 =	vld [tilespmem:s22+$0x0]  }
0x149: {  	v14 =	vshrl.u32 v6, $0x14;
	v7 =	vshrl.u32 v23, $0x14;
	v5 =	vand.u32 $0xFFF0, v5;
	v13 =	vld [tilespmem:s22+$0xFFFFFFE0]  }
0x14a: {  	v12 =	vshrl.u32 v23, $0x4;
	v20 =	vshrl.u32 v17, $0x4;
	v5 =	vor.u32 v2, v5;
	v8 =	vld [tilespmem:s22+$0xFFFFFFC0]  }
.Ltmp14:
0x14b: {  	v12 =	vand.u32 $0xFFF0, v12;
	v17 =	vand.u32 $0xFFF0, v11;
	vm0 =	veq.s32 v7, v0;
	v7 =	vld [tilespmem:s22+$0xFFFFFFB0];
	(pc) =	sbr.rel @p0 .LBB2_32-.Ltmp14, $4  }
0x14c: {  	v12 =	vor.u32 v2, v12;
	v23 =	vand.u32 $0xFFF0, v16;
	v17 =	vor.u32 v2, v17;
	v11 =	vld [tilespmem:s22+$0xFFFFFFA0]  }
0x14d: {  	vm4 =	veq.s32 v18, v0;
	v22 =	vshrl.u32 v22, $0x14;
	vm3 =	veq.s32 v15, v0;
	v16 =	vld [tilespmem:s22+$0xFFFFFFD0]  }
0x14e: {  	vm1 =	veq.s32 v19, v0;
	v20 =	vand.u32 $0xFFF0, v20;
	v15 =	vor.u32 v2, v23;
	v18 =	vld [tilespmem:s22+$0xFFFFFFF0]  }
0x14f: {  	s24 =	sadd.s32 $0x80, s24;
	vm5 =	veq.s32 v21, v0;
	vm2 =	veq.s32 v22, v0;
	v20 =	vor.u32 v2, v20;
	v19 =	vld [tilespmem:s22+$0xFFFFFF90]  }
0x150: {  	_ =	sdelay $0x4  }
0x151: {  	v6 =	vshrl.u32 v6, $0x4;
	vm7 =	veq.s32 v4, v0;
	[tilespmem:v9+s18+$0x0] =	vst.idx.add.f32.msk vm4, v13  }
0x152: {  	vm6 =	veq.s32 v14, v0;
	v3 =	vor.u32 v2, v3;
	[tilespmem:v17+s18+$0x0] =	vst.idx.add.f32.msk vm5, v10;
	v6 =	vand.u32 $0xFFF0, v6  }
0x153: {  	[tilespmem:v15+s18+$0x0] =	vst.idx.add.f32.msk vm1, v8;
	v63 =	vor.u32 v2, v6  }
0x154: {  	[tilespmem:v5+s18+$0x0] =	vst.idx.add.f32.msk vm2, v7  }
0x155: {  	[tilespmem:v12+s18+$0x0] =	vst.idx.add.f32.msk vm0, v11  }
0x156: {  	s22 =	sor.u32 $0x14000, s21;
	[tilespmem:v20+s18+$0x0] =	vst.idx.add.f32.msk vm3, v19  }
0x157: {  	s24 =	simm.s32 $0x2000;
	s23 =	sadd.s32 s2, s22;
	[tilespmem:v3+s18+$0x0] =	vst.idx.add.f32.msk vm7, v16  }
0x158: {  	s25 =	simm.s32 $0x100;
	s26 =	simm.s32 $0x2080;
	s28 =	sadd.s32 $0x0, s23;
	[tilespmem:v63+s18+$0x0] =	vst.idx.add.f32.msk vm6, v18  }
.LBB2_34:
0x159: {  	[tilespmem:s24], [sflag:$0x1] =	stream.strided.gather [hbm4b:s28+s15], $0x80, s16, s15, $0x38;
	[tilespmem:$0x18000] =	vst v63  }
0x15a: {  	s28 =	smov.u32 s25;
	s24 =	smov.u32 s26;
	p0 =	sne.s32 s25, $0x3F00  }
.Ltmp15:
0x15b: {  	s25 =	sadd.s32 $0x100, s25;
	(pc) =	sbr.rel @p0 .LBB2_34-.Ltmp15, $2  }
0x15c: {  	_ =	sdelay $0x2  }
0x15d: {  	s26 =	sadd.s32 $0x80, s26;
	s28 =	sadd.s32 s28, s23  }
0x15e: {  	[tilespmem:s24], [sflag:$0x1] =	stream.strided.gather [hbm4b:s28+s15], $0x80, s16, s15, $0x38;
	[tilespmem:$0x18000] =	vst v63  }
0x15f: {  	s22 =	sadd.s32 s1, s22;
	s23 =	simm.s32 $0x6000  }
0x160: {  	s24 =	simm.s32 $0x100;
	s25 =	simm.s32 $0x6080;
	s26 =	sadd.s32 $0x0, s22  }
.LBB2_36:
0x161: {  	[tilespmem:s23], [sflag:$0x1] =	stream.strided.gather [hbm4b:s26+s15], $0x80, s16, s15, $0x38;
	[tilespmem:$0x18000] =	vst v63  }
0x162: {  	s26 =	smov.u32 s24;
	s23 =	smov.u32 s25;
	p0 =	sne.s32 s24, $0x3F00  }
.Ltmp16:
0x163: {  	s24 =	sadd.s32 $0x100, s24;
	(pc) =	sbr.rel @p0 .LBB2_36-.Ltmp16, $2  }
0x164: {  	_ =	sdelay $0x2  }
0x165: {  	s25 =	sadd.s32 $0x80, s25;
	s26 =	sadd.s32 s26, s22  }
0x166: {  	[tilespmem:s23], [sflag:$0x1] =	stream.strided.gather [hbm4b:s26+s15], $0x80, s16, s15, $0x38;
	[tilespmem:$0x18000] =	vst v63  }
0x167: {  	_ =	swait.ge [sflag:s17], $0x2000  }
0x168: {  	[sflag:s17] =	ssyncset.done $0x0  }
0x169: {  	[sflag:s17] =	ssyncadd.s32 $0xFFFFE000  }
0x16a: {  	_ =	swait.ge [sflag:s17], $0x2000  }
0x16b: {  	[sflag:s17] =	ssyncset.done $0x0  }
0x16c: {  	s22 =	simm.s32 $0x40;
	[sflag:s17] =	ssyncadd.s32 $0xFFFFE000  }
0x16d: {  	v5 =	vld [tilespmem:s22+$0xFFFFFFF0]  }
0x16e: {  	v3 =	vld [tilespmem:s22+$0x0]  }
0x16f: {  	v7 =	vld [tilespmem:s22+$0x10]  }
0x170: {  	v8 =	vld [tilespmem:s22+$0x30]  }
0x171: {  	v11 =	vld [tilespmem:s22+$0xFFFFFFC0]  }
0x172: {  	v12 =	vld [tilespmem:s22+$0xFFFFFFD0]  }
0x173: {  	v6 =	vld [tilespmem:s22+$0x20]  }
0x174: {  	v15 =	vld [tilespmem:s22+$0xFFFFFFE0]  }
0x175: {  	v9 =	vshrl.u32 v3, $0x4  }
0x176: {  	v4 =	vshrl.u32 v3, $0x14;
	v18 =	vshrl.u32 v7, $0x14;
	v16 =	vshrl.u32 v8, $0x4  }
0x177: {  	v19 =	vshrl.u32 v11, $0x14;
	v17 =	vshrl.u32 v5, $0x4;
	v20 =	vshrl.u32 v5, $0x14  }
0x178: {  	s22 =	simm.s32 $0x4040;
	v21 =	vshrl.u32 v8, $0x14;
	v22 =	vshrl.u32 v12, $0x14;
	v14 =	vshrl.u32 v6, $0x14  }
0x179: {  	v10 =	vld [tilespmem:s22+$0x30];
	v23 =	vshrl.u32 v11, $0x4;
	v24 =	vshrl.u32 v15, $0x14;
	v3 =	vand.u32 $0xFFF0, v9  }
0x17a: {  	v13 =	vld [tilespmem:s22+$0x10];
	v9 =	vshrl.u32 v7, $0x4;
	vm0 =	veq.s32 v22, v0;
	v16 =	vand.u32 $0xFFF0, v16  }
0x17b: {  	v8 =	vld [tilespmem:s22+$0xFFFFFFF0];
	v22 =	vand.u32 $0xFFF0, v17;
	vm3 =	veq.s32 v19, v0;
	vm4 =	veq.s32 v18, v0  }
0x17c: {  	v11 =	vld [tilespmem:s22+$0xFFFFFFD0];
	v23 =	vand.u32 $0xFFF0, v23;
	vm1 =	veq.s32 v20, v0;
	v7 =	vand.u32 $0xFFF0, v9  }
0x17d: {  	v18 =	vld [tilespmem:s22+$0x20];
	vm2 =	veq.s32 v24, v0;
	v9 =	vor.u32 v2, v7;
	v7 =	vshrl.u32 v15, $0x4  }
0x17e: {  	v19 =	vld [tilespmem:s22+$0xFFFFFFC0];
	vm5 =	veq.s32 v21, v0;
	v5 =	vand.u32 $0xFFF0, v7;
	v7 =	vshrl.u32 v12, $0x4  }
0x17f: {  	v17 =	vor.u32 v2, v16;
	v16 =	vld [tilespmem:s22+$0x0];
	v20 =	vor.u32 v2, v23;
	v12 =	vand.u32 $0xFFF0, v7  }
0x180: {  	s23 =	simm.s32 $0x0;
	s24 =	simm.s32 $0xC0;
	v15 =	vor.u32 v2, v22;
	v5 =	vor.u32 v2, v5;
	v7 =	vld [tilespmem:s22+$0xFFFFFFE0];
	v12 =	vor.u32 v2, v12  }
.LBB2_38:
0x181: {  	v21 =	vld [tilespmem:s24+$0xFFFFFFF0];
	s23 =	sadd.s32 $0x8, s23;
	v6 =	vshrl.u32 v6, $0x4;
	s22 =	sadd.s32 $0x80, s22  }
0x182: {  	v22 =	vld [tilespmem:s24+$0xFFFFFFE0];
	p0 =	slt.u32 s23, $0x1F8  }
0x183: {  	v23 =	vld [tilespmem:s24+$0xFFFFFFD0]  }
0x184: {  	v24 =	vld [tilespmem:s24+$0x30]  }
0x185: {  	[tilespmem:v20+s18+$0x0] =	vst.idx.add.f32.msk vm3, v19  }
0x186: {  	v6 =	vand.u32 $0xFFF0, v6;
	vm3 =	veq.s32 v14, v0;
	[tilespmem:v9+s18+$0x0] =	vst.idx.add.f32.msk vm4, v13  }
0x187: {  	vm4 =	veq.s32 v4, v0;
	v4 =	vor.u32 v2, v6;
	[tilespmem:v17+s18+$0x0] =	vst.idx.add.f32.msk vm5, v10  }
0x188: {  	v3 =	vor.u32 v2, v3;
	v9 =	vld [tilespmem:s24+$0x0]  }
0x189: {  	v10 =	vld [tilespmem:s24+$0x10]  }
0x18a: {  	v6 =	vld [tilespmem:s24+$0x20]  }
0x18b: {  	v17 =	vld [tilespmem:s24+$0xFFFFFFC0]  }
0x18c: {  	[tilespmem:v4+s18+$0x0] =	vst.idx.add.f32.msk vm3, v18  }
0x18d: {  	v4 =	vshrl.u32 v9, $0x14;
	v9 =	vshrl.u32 v9, $0x4;
	[tilespmem:v3+s18+$0x0] =	vst.idx.add.f32.msk vm4, v16  }
0x18e: {  	v3 =	vand.u32 $0xFFF0, v9;
	v9 =	vshrl.u32 v10, $0x4;
	[tilespmem:v12+s18+$0x0] =	vst.idx.add.f32.msk vm0, v11  }
0x18f: {  	v18 =	vshrl.u32 v10, $0x14;
	v11 =	vshrl.u32 v24, $0x4;
	v9 =	vand.u32 $0xFFF0, v9;
	[tilespmem:v15+s18+$0x0] =	vst.idx.add.f32.msk vm1, v8  }
0x190: {  	v16 =	vshrl.u32 v21, $0x4;
	v15 =	vshrl.u32 v17, $0x14;
	v9 =	vor.u32 v2, v9;
	[tilespmem:v5+s18+$0x0] =	vst.idx.add.f32.msk vm2, v7  }
0x191: {  	v19 =	vshrl.u32 v21, $0x14;
	v21 =	vshrl.u32 v24, $0x14;
	v5 =	vshrl.u32 v22, $0x4;
	v10 =	vld [tilespmem:s22+$0x30]  }
0x192: {  	v14 =	vshrl.u32 v6, $0x14;
	v7 =	vshrl.u32 v23, $0x14;
	v5 =	vand.u32 $0xFFF0, v5;
	v13 =	vld [tilespmem:s22+$0x10]  }
0x193: {  	v12 =	vshrl.u32 v23, $0x4;
	v20 =	vshrl.u32 v17, $0x4;
	v5 =	vor.u32 v2, v5;
	v8 =	vld [tilespmem:s22+$0xFFFFFFF0]  }
.Ltmp17:
0x194: {  	v12 =	vand.u32 $0xFFF0, v12;
	v17 =	vand.u32 $0xFFF0, v11;
	vm0 =	veq.s32 v7, v0;
	v7 =	vld [tilespmem:s22+$0xFFFFFFE0];
	(pc) =	sbr.rel @p0 .LBB2_38-.Ltmp17, $4  }
0x195: {  	v12 =	vor.u32 v2, v12;
	v23 =	vand.u32 $0xFFF0, v16;
	v17 =	vor.u32 v2, v17;
	v11 =	vld [tilespmem:s22+$0xFFFFFFD0]  }
0x196: {  	vm4 =	veq.s32 v18, v0;
	v22 =	vshrl.u32 v22, $0x14;
	vm3 =	veq.s32 v15, v0;
	v16 =	vld [tilespmem:s22+$0x0]  }
0x197: {  	vm1 =	veq.s32 v19, v0;
	v20 =	vand.u32 $0xFFF0, v20;
	v15 =	vor.u32 v2, v23;
	v18 =	vld [tilespmem:s22+$0x20]  }
0x198: {  	s24 =	sadd.s32 $0x80, s24;
	vm5 =	veq.s32 v21, v0;
	vm2 =	veq.s32 v22, v0;
	v20 =	vor.u32 v2, v20;
	v19 =	vld [tilespmem:s22+$0xFFFFFFC0]  }
0x199: {  	_ =	sdelay $0x4  }
0x19a: {  	v6 =	vshrl.u32 v6, $0x4;
	vm7 =	veq.s32 v4, v0;
	[tilespmem:v9+s18+$0x0] =	vst.idx.add.f32.msk vm4, v13  }
0x19b: {  	vm6 =	veq.s32 v14, v0;
	v3 =	vor.u32 v2, v3;
	[tilespmem:v17+s18+$0x0] =	vst.idx.add.f32.msk vm5, v10;
	v6 =	vand.u32 $0xFFF0, v6  }
0x19c: {  	[tilespmem:v15+s18+$0x0] =	vst.idx.add.f32.msk vm1, v8;
	v63 =	vor.u32 v2, v6  }
0x19d: {  	[tilespmem:v5+s18+$0x0] =	vst.idx.add.f32.msk vm2, v7  }
0x19e: {  	[tilespmem:v12+s18+$0x0] =	vst.idx.add.f32.msk vm0, v11  }
0x19f: {  	s22 =	sor.u32 $0x18000, s21;
	[tilespmem:v20+s18+$0x0] =	vst.idx.add.f32.msk vm3, v19  }
0x1a0: {  	s24 =	simm.s32 $0x0;
	s23 =	sadd.s32 s2, s22;
	[tilespmem:v3+s18+$0x0] =	vst.idx.add.f32.msk vm7, v16  }
0x1a1: {  	s25 =	simm.s32 $0x100;
	s26 =	simm.s32 $0x80;
	s28 =	sadd.s32 $0x0, s23;
	[tilespmem:v63+s18+$0x0] =	vst.idx.add.f32.msk vm6, v18  }
.LBB2_40:
0x1a2: {  	[tilespmem:s24], [sflag:$0x1] =	stream.strided.gather [hbm4b:s28+s15], $0x80, s16, s15, $0x38;
	[tilespmem:$0x18000] =	vst v63  }
0x1a3: {  	s28 =	smov.u32 s25;
	s24 =	smov.u32 s26;
	p0 =	sne.s32 s25, $0x3F00  }
.Ltmp18:
0x1a4: {  	s25 =	sadd.s32 $0x100, s25;
	(pc) =	sbr.rel @p0 .LBB2_40-.Ltmp18, $2  }
0x1a5: {  	_ =	sdelay $0x2  }
0x1a6: {  	s26 =	sadd.s32 $0x80, s26;
	s28 =	sadd.s32 s28, s23  }
0x1a7: {  	[tilespmem:s24], [sflag:$0x1] =	stream.strided.gather [hbm4b:s28+s15], $0x80, s16, s15, $0x38;
	[tilespmem:$0x18000] =	vst v63  }
0x1a8: {  	s22 =	sadd.s32 s1, s22;
	s23 =	simm.s32 $0x4000  }
0x1a9: {  	s24 =	simm.s32 $0x100;
	s25 =	simm.s32 $0x4080;
	s26 =	sadd.s32 $0x0, s22  }
.LBB2_42:
0x1aa: {  	[tilespmem:s23], [sflag:$0x1] =	stream.strided.gather [hbm4b:s26+s15], $0x80, s16, s15, $0x38;
	[tilespmem:$0x18000] =	vst v63  }
0x1ab: {  	s26 =	smov.u32 s24;
	s23 =	smov.u32 s25;
	p0 =	sne.s32 s24, $0x3F00  }
.Ltmp19:
0x1ac: {  	s24 =	sadd.s32 $0x100, s24;
	(pc) =	sbr.rel @p0 .LBB2_42-.Ltmp19, $2  }
0x1ad: {  	_ =	sdelay $0x2  }
0x1ae: {  	s25 =	sadd.s32 $0x80, s25;
	s26 =	sadd.s32 s26, s22  }
0x1af: {  	[tilespmem:s23], [sflag:$0x1] =	stream.strided.gather [hbm4b:s26+s15], $0x80, s16, s15, $0x38;
	[tilespmem:$0x18000] =	vst v63  }
0x1b0: {  	_ =	swait.ge [sflag:s17], $0x2000  }
0x1b1: {  	[sflag:s17] =	ssyncset.done $0x0  }
0x1b2: {  	[sflag:s17] =	ssyncadd.s32 $0xFFFFE000  }
0x1b3: {  	_ =	swait.ge [sflag:s17], $0x2000  }
0x1b4: {  	[sflag:s17] =	ssyncset.done $0x0  }
0x1b5: {  	s22 =	simm.s32 $0x2070;
	[sflag:s17] =	ssyncadd.s32 $0xFFFFE000  }
0x1b6: {  	v5 =	vld [tilespmem:s22+$0xFFFFFFC0]  }
0x1b7: {  	v3 =	vld [tilespmem:s22+$0xFFFFFFD0]  }
0x1b8: {  	v7 =	vld [tilespmem:s22+$0xFFFFFFE0]  }
0x1b9: {  	v8 =	vld [tilespmem:s22+$0x0]  }
0x1ba: {  	v11 =	vld [tilespmem:s22+$0xFFFFFF90]  }
0x1bb: {  	v12 =	vld [tilespmem:s22+$0xFFFFFFA0]  }
0x1bc: {  	v6 =	vld [tilespmem:s22+$0xFFFFFFF0]  }
0x1bd: {  	v15 =	vld [tilespmem:s22+$0xFFFFFFB0]  }
0x1be: {  	v9 =	vshrl.u32 v3, $0x4  }
0x1bf: {  	v4 =	vshrl.u32 v3, $0x14;
	v18 =	vshrl.u32 v7, $0x14;
	v16 =	vshrl.u32 v8, $0x4  }
0x1c0: {  	v19 =	vshrl.u32 v11, $0x14;
	v17 =	vshrl.u32 v5, $0x4;
	v20 =	vshrl.u32 v5, $0x14  }
0x1c1: {  	s22 =	simm.s32 $0x6070;
	v21 =	vshrl.u32 v8, $0x14;
	v22 =	vshrl.u32 v12, $0x14;
	v14 =	vshrl.u32 v6, $0x14  }
0x1c2: {  	v10 =	vld [tilespmem:s22+$0x0];
	v23 =	vshrl.u32 v11, $0x4;
	v24 =	vshrl.u32 v15, $0x14;
	v3 =	vand.u32 $0xFFF0, v9  }
0x1c3: {  	v13 =	vld [tilespmem:s22+$0xFFFFFFE0];
	v9 =	vshrl.u32 v7, $0x4;
	vm0 =	veq.s32 v22, v0;
	v16 =	vand.u32 $0xFFF0, v16  }
0x1c4: {  	v8 =	vld [tilespmem:s22+$0xFFFFFFC0];
	v22 =	vand.u32 $0xFFF0, v17;
	vm3 =	veq.s32 v19, v0;
	vm4 =	veq.s32 v18, v0  }
0x1c5: {  	v11 =	vld [tilespmem:s22+$0xFFFFFFA0];
	v23 =	vand.u32 $0xFFF0, v23;
	vm1 =	veq.s32 v20, v0;
	v7 =	vand.u32 $0xFFF0, v9  }
0x1c6: {  	v18 =	vld [tilespmem:s22+$0xFFFFFFF0];
	vm2 =	veq.s32 v24, v0;
	v9 =	vor.u32 v2, v7;
	v7 =	vshrl.u32 v15, $0x4  }
0x1c7: {  	v19 =	vld [tilespmem:s22+$0xFFFFFF90];
	vm5 =	veq.s32 v21, v0;
	v5 =	vand.u32 $0xFFF0, v7;
	v7 =	vshrl.u32 v12, $0x4  }
0x1c8: {  	v17 =	vor.u32 v2, v16;
	v16 =	vld [tilespmem:s22+$0xFFFFFFD0];
	v20 =	vor.u32 v2, v23;
	v12 =	vand.u32 $0xFFF0, v7  }
0x1c9: {  	s23 =	simm.s32 $0x0;
	s24 =	simm.s32 $0x20F0;
	v15 =	vor.u32 v2, v22;
	v5 =	vor.u32 v2, v5;
	v7 =	vld [tilespmem:s22+$0xFFFFFFB0];
	v12 =	vor.u32 v2, v12  }
.LBB2_44:
0x1ca: {  	v21 =	vld [tilespmem:s24+$0xFFFFFFC0];
	s23 =	sadd.s32 $0x8, s23;
	v6 =	vshrl.u32 v6, $0x4;
	s22 =	sadd.s32 $0x80, s22  }
0x1cb: {  	v22 =	vld [tilespmem:s24+$0xFFFFFFB0];
	p0 =	slt.u32 s23, $0x1F8  }
0x1cc: {  	v23 =	vld [tilespmem:s24+$0xFFFFFFA0]  }
0x1cd: {  	v24 =	vld [tilespmem:s24+$0x0]  }
0x1ce: {  	[tilespmem:v20+s18+$0x0] =	vst.idx.add.f32.msk vm3, v19  }
0x1cf: {  	v6 =	vand.u32 $0xFFF0, v6;
	vm3 =	veq.s32 v14, v0;
	[tilespmem:v9+s18+$0x0] =	vst.idx.add.f32.msk vm4, v13  }
0x1d0: {  	vm4 =	veq.s32 v4, v0;
	v4 =	vor.u32 v2, v6;
	[tilespmem:v17+s18+$0x0] =	vst.idx.add.f32.msk vm5, v10  }
0x1d1: {  	v3 =	vor.u32 v2, v3;
	v9 =	vld [tilespmem:s24+$0xFFFFFFD0]  }
0x1d2: {  	v10 =	vld [tilespmem:s24+$0xFFFFFFE0]  }
0x1d3: {  	v6 =	vld [tilespmem:s24+$0xFFFFFFF0]  }
0x1d4: {  	v17 =	vld [tilespmem:s24+$0xFFFFFF90]  }
0x1d5: {  	[tilespmem:v4+s18+$0x0] =	vst.idx.add.f32.msk vm3, v18  }
0x1d6: {  	v4 =	vshrl.u32 v9, $0x14;
	v9 =	vshrl.u32 v9, $0x4;
	[tilespmem:v3+s18+$0x0] =	vst.idx.add.f32.msk vm4, v16  }
0x1d7: {  	v3 =	vand.u32 $0xFFF0, v9;
	v9 =	vshrl.u32 v10, $0x4;
	[tilespmem:v12+s18+$0x0] =	vst.idx.add.f32.msk vm0, v11  }
0x1d8: {  	v18 =	vshrl.u32 v10, $0x14;
	v11 =	vshrl.u32 v24, $0x4;
	v9 =	vand.u32 $0xFFF0, v9;
	[tilespmem:v15+s18+$0x0] =	vst.idx.add.f32.msk vm1, v8  }
0x1d9: {  	v16 =	vshrl.u32 v21, $0x4;
	v15 =	vshrl.u32 v17, $0x14;
	v9 =	vor.u32 v2, v9;
	[tilespmem:v5+s18+$0x0] =	vst.idx.add.f32.msk vm2, v7  }
0x1da: {  	v19 =	vshrl.u32 v21, $0x14;
	v21 =	vshrl.u32 v24, $0x14;
	v5 =	vshrl.u32 v22, $0x4;
	v10 =	vld [tilespmem:s22+$0x0]  }
0x1db: {  	v14 =	vshrl.u32 v6, $0x14;
	v7 =	vshrl.u32 v23, $0x14;
	v5 =	vand.u32 $0xFFF0, v5;
	v13 =	vld [tilespmem:s22+$0xFFFFFFE0]  }
0x1dc: {  	v12 =	vshrl.u32 v23, $0x4;
	v20 =	vshrl.u32 v17, $0x4;
	v5 =	vor.u32 v2, v5;
	v8 =	vld [tilespmem:s22+$0xFFFFFFC0]  }
.Ltmp20:
0x1dd: {  	v12 =	vand.u32 $0xFFF0, v12;
	v17 =	vand.u32 $0xFFF0, v11;
	vm0 =	veq.s32 v7, v0;
	v7 =	vld [tilespmem:s22+$0xFFFFFFB0];
	(pc) =	sbr.rel @p0 .LBB2_44-.Ltmp20, $4  }
0x1de: {  	v12 =	vor.u32 v2, v12;
	v23 =	vand.u32 $0xFFF0, v16;
	v17 =	vor.u32 v2, v17;
	v11 =	vld [tilespmem:s22+$0xFFFFFFA0]  }
0x1df: {  	vm4 =	veq.s32 v18, v0;
	v22 =	vshrl.u32 v22, $0x14;
	vm3 =	veq.s32 v15, v0;
	v16 =	vld [tilespmem:s22+$0xFFFFFFD0]  }
0x1e0: {  	vm1 =	veq.s32 v19, v0;
	v20 =	vand.u32 $0xFFF0, v20;
	v15 =	vor.u32 v2, v23;
	v18 =	vld [tilespmem:s22+$0xFFFFFFF0]  }
0x1e1: {  	s24 =	sadd.s32 $0x80, s24;
	vm5 =	veq.s32 v21, v0;
	vm2 =	veq.s32 v22, v0;
	v20 =	vor.u32 v2, v20;
	v19 =	vld [tilespmem:s22+$0xFFFFFF90]  }
0x1e2: {  	_ =	sdelay $0x4  }
0x1e3: {  	v6 =	vshrl.u32 v6, $0x4;
	vm7 =	veq.s32 v4, v0;
	[tilespmem:v9+s18+$0x0] =	vst.idx.add.f32.msk vm4, v13  }
0x1e4: {  	vm6 =	veq.s32 v14, v0;
	v3 =	vor.u32 v2, v3;
	[tilespmem:v17+s18+$0x0] =	vst.idx.add.f32.msk vm5, v10;
	v6 =	vand.u32 $0xFFF0, v6  }
0x1e5: {  	[tilespmem:v15+s18+$0x0] =	vst.idx.add.f32.msk vm1, v8;
	v63 =	vor.u32 v2, v6  }
0x1e6: {  	[tilespmem:v5+s18+$0x0] =	vst.idx.add.f32.msk vm2, v7  }
0x1e7: {  	[tilespmem:v12+s18+$0x0] =	vst.idx.add.f32.msk vm0, v11  }
0x1e8: {  	s21 =	sor.u32 $0x1C000, s21;
	[tilespmem:v20+s18+$0x0] =	vst.idx.add.f32.msk vm3, v19  }
0x1e9: {  	s23 =	simm.s32 $0x2000;
	s22 =	sadd.s32 s2, s21;
	[tilespmem:v3+s18+$0x0] =	vst.idx.add.f32.msk vm7, v16  }
0x1ea: {  	s24 =	simm.s32 $0x100;
	s25 =	simm.s32 $0x2080;
	s26 =	sadd.s32 $0x0, s22;
	[tilespmem:v63+s18+$0x0] =	vst.idx.add.f32.msk vm6, v18  }
.LBB2_46:
0x1eb: {  	[tilespmem:s23], [sflag:$0x1] =	stream.strided.gather [hbm4b:s26+s15], $0x80, s16, s15, $0x38;
	[tilespmem:$0x18000] =	vst v63  }
0x1ec: {  	s26 =	smov.u32 s24;
	s23 =	smov.u32 s25;
	p0 =	sne.s32 s24, $0x3F00  }
.Ltmp21:
0x1ed: {  	s24 =	sadd.s32 $0x100, s24;
	(pc) =	sbr.rel @p0 .LBB2_46-.Ltmp21, $2  }
0x1ee: {  	_ =	sdelay $0x2  }
0x1ef: {  	s25 =	sadd.s32 $0x80, s25;
	s26 =	sadd.s32 s26, s22  }
0x1f0: {  	[tilespmem:s23], [sflag:$0x1] =	stream.strided.gather [hbm4b:s26+s15], $0x80, s16, s15, $0x38;
	[tilespmem:$0x18000] =	vst v63  }
0x1f1: {  	s21 =	sadd.s32 s1, s21;
	s22 =	simm.s32 $0x6000  }
0x1f2: {  	s23 =	simm.s32 $0x100;
	s24 =	simm.s32 $0x6080;
	s25 =	sadd.s32 $0x0, s21  }
.LBB2_48:
0x1f3: {  	[tilespmem:s22], [sflag:$0x1] =	stream.strided.gather [hbm4b:s25+s15], $0x80, s16, s15, $0x38;
	[tilespmem:$0x18000] =	vst v63  }
0x1f4: {  	s25 =	smov.u32 s23;
	s22 =	smov.u32 s24;
	p0 =	sne.s32 s23, $0x3F00  }
.Ltmp22:
0x1f5: {  	s23 =	sadd.s32 $0x100, s23;
	(pc) =	sbr.rel @p0 .LBB2_48-.Ltmp22, $2  }
0x1f6: {  	_ =	sdelay $0x2  }
0x1f7: {  	s24 =	sadd.s32 $0x80, s24;
	s25 =	sadd.s32 s25, s21  }
0x1f8: {  	[tilespmem:s22], [sflag:$0x1] =	stream.strided.gather [hbm4b:s25+s15], $0x80, s16, s15, $0x38;
	[tilespmem:$0x18000] =	vst v63  }
0x1f9: {  	_ =	swait.ge [sflag:s17], $0x2000  }
0x1fa: {  	[sflag:s17] =	ssyncset.done $0x0  }
0x1fb: {  	[sflag:s17] =	ssyncadd.s32 $0xFFFFE000  }
0x1fc: {  	_ =	swait.ge [sflag:s17], $0x2000  }
0x1fd: {  	[sflag:s17] =	ssyncset.done $0x0  }
0x1fe: {  	s21 =	simm.s32 $0x40;
	[sflag:s17] =	ssyncadd.s32 $0xFFFFE000  }
0x1ff: {  	v5 =	vld [tilespmem:s21+$0xFFFFFFF0]  }
0x200: {  	v3 =	vld [tilespmem:s21+$0x0]  }
0x201: {  	v6 =	vld [tilespmem:s21+$0x10]  }
0x202: {  	v7 =	vld [tilespmem:s21+$0x30]  }
0x203: {  	v11 =	vld [tilespmem:s21+$0xFFFFFFC0]  }
0x204: {  	v12 =	vld [tilespmem:s21+$0xFFFFFFD0]  }
0x205: {  	v8 =	vld [tilespmem:s21+$0x20]  }
0x206: {  	v14 =	vld [tilespmem:s21+$0xFFFFFFE0]  }
0x207: {  	v9 =	vshrl.u32 v3, $0x4  }
0x208: {  	v4 =	vshrl.u32 v3, $0x14;
	v18 =	vshrl.u32 v6, $0x14;
	v16 =	vshrl.u32 v7, $0x4  }
0x209: {  	v19 =	vshrl.u32 v11, $0x14;
	v17 =	vshrl.u32 v5, $0x4;
	v20 =	vshrl.u32 v5, $0x14  }
0x20a: {  	s21 =	simm.s32 $0x4040;
	v21 =	vshrl.u32 v7, $0x14;
	v22 =	vshrl.u32 v12, $0x14;
	v15 =	vshrl.u32 v8, $0x14  }
0x20b: {  	v13 =	vld [tilespmem:s21+$0x10];
	v23 =	vshrl.u32 v11, $0x4;
	v24 =	vshrl.u32 v14, $0x14;
	v3 =	vand.u32 $0xFFF0, v9  }
0x20c: {  	v7 =	vld [tilespmem:s21+$0xFFFFFFF0];
	v9 =	vshrl.u32 v6, $0x4;
	vm0 =	veq.s32 v22, v0;
	v16 =	vand.u32 $0xFFF0, v16  }
0x20d: {  	v11 =	vld [tilespmem:s21+$0xFFFFFFD0];
	v22 =	vand.u32 $0xFFF0, v17;
	vm3 =	veq.s32 v19, v0;
	vm4 =	veq.s32 v18, v0  }
0x20e: {  	v23 =	vand.u32 $0xFFF0, v23;
	vm1 =	veq.s32 v20, v0;
	v18 =	vld [tilespmem:s21+$0x20];
	v6 =	vand.u32 $0xFFF0, v9  }
0x20f: {  	v19 =	vld [tilespmem:s21+$0xFFFFFFC0];
	vm2 =	veq.s32 v24, v0;
	v10 =	vor.u32 v2, v6;
	v6 =	vshrl.u32 v14, $0x4  }
0x210: {  	vm5 =	veq.s32 v21, v0;
	v9 =	vld [tilespmem:s21+$0x30];
	v5 =	vand.u32 $0xFFF0, v6;
	v6 =	vshrl.u32 v12, $0x4  }
0x211: {  	v17 =	vor.u32 v2, v16;
	v16 =	vld [tilespmem:s21+$0x0];
	v20 =	vor.u32 v2, v23;
	v12 =	vand.u32 $0xFFF0, v6  }
0x212: {  	s22 =	simm.s32 $0x0;
	s23 =	simm.s32 $0xC0;
	v14 =	vor.u32 v2, v22;
	v5 =	vor.u32 v2, v5;
	v6 =	vld [tilespmem:s21+$0xFFFFFFE0];
	v12 =	vor.u32 v2, v12  }
.LBB2_50:
0x213: {  	v21 =	vld [tilespmem:s23+$0xFFFFFFF0];
	s22 =	sadd.s32 $0x8, s22;
	v8 =	vshrl.u32 v8, $0x4;
	s21 =	sadd.s32 $0x80, s21  }
0x214: {  	v22 =	vld [tilespmem:s23+$0xFFFFFFE0];
	p0 =	slt.u32 s22, $0x1F8  }
0x215: {  	v23 =	vld [tilespmem:s23+$0xFFFFFFD0]  }
0x216: {  	v24 =	vld [tilespmem:s23+$0x30]  }
0x217: {  	[tilespmem:v20+s18+$0x0] =	vst.idx.add.f32.msk vm3, v19  }
0x218: {  	v8 =	vand.u32 $0xFFF0, v8;
	vm3 =	veq.s32 v15, v0;
	[tilespmem:v10+s18+$0x0] =	vst.idx.add.f32.msk vm4, v13  }
0x219: {  	vm4 =	veq.s32 v4, v0;
	v4 =	vor.u32 v2, v8;
	[tilespmem:v17+s18+$0x0] =	vst.idx.add.f32.msk vm5, v9  }
0x21a: {  	v3 =	vor.u32 v2, v3;
	v9 =	vld [tilespmem:s23+$0x0]  }
0x21b: {  	v10 =	vld [tilespmem:s23+$0x10]  }
0x21c: {  	v8 =	vld [tilespmem:s23+$0x20]  }
0x21d: {  	v17 =	vld [tilespmem:s23+$0xFFFFFFC0]  }
0x21e: {  	[tilespmem:v4+s18+$0x0] =	vst.idx.add.f32.msk vm3, v18  }
0x21f: {  	v4 =	vshrl.u32 v9, $0x14;
	v9 =	vshrl.u32 v9, $0x4;
	[tilespmem:v3+s18+$0x0] =	vst.idx.add.f32.msk vm4, v16  }
0x220: {  	v3 =	vand.u32 $0xFFF0, v9;
	v9 =	vshrl.u32 v10, $0x4;
	[tilespmem:v12+s18+$0x0] =	vst.idx.add.f32.msk vm0, v11  }
0x221: {  	v18 =	vshrl.u32 v10, $0x14;
	v11 =	vshrl.u32 v24, $0x4;
	v9 =	vand.u32 $0xFFF0, v9;
	[tilespmem:v14+s18+$0x0] =	vst.idx.add.f32.msk vm1, v7  }
0x222: {  	v16 =	vshrl.u32 v21, $0x4;
	v14 =	vshrl.u32 v17, $0x14;
	v10 =	vor.u32 v2, v9;
	[tilespmem:v5+s18+$0x0] =	vst.idx.add.f32.msk vm2, v6  }
0x223: {  	v19 =	vshrl.u32 v21, $0x14;
	v21 =	vshrl.u32 v24, $0x14;
	v5 =	vshrl.u32 v22, $0x4;
	v9 =	vld [tilespmem:s21+$0x30]  }
0x224: {  	v15 =	vshrl.u32 v8, $0x14;
	v6 =	vshrl.u32 v23, $0x14;
	v5 =	vand.u32 $0xFFF0, v5;
	v13 =	vld [tilespmem:s21+$0x10]  }
0x225: {  	v12 =	vshrl.u32 v23, $0x4;
	v20 =	vshrl.u32 v17, $0x4;
	v5 =	vor.u32 v2, v5;
	v7 =	vld [tilespmem:s21+$0xFFFFFFF0]  }
.Ltmp23:
0x226: {  	v12 =	vand.u32 $0xFFF0, v12;
	v17 =	vand.u32 $0xFFF0, v11;
	vm0 =	veq.s32 v6, v0;
	v6 =	vld [tilespmem:s21+$0xFFFFFFE0];
	(pc) =	sbr.rel @p0 .LBB2_50-.Ltmp23, $4  }
0x227: {  	v12 =	vor.u32 v2, v12;
	v23 =	vand.u32 $0xFFF0, v16;
	v17 =	vor.u32 v2, v17;
	v11 =	vld [tilespmem:s21+$0xFFFFFFD0]  }
0x228: {  	vm4 =	veq.s32 v18, v0;
	v22 =	vshrl.u32 v22, $0x14;
	vm3 =	veq.s32 v14, v0;
	v16 =	vld [tilespmem:s21+$0x0]  }
0x229: {  	vm1 =	veq.s32 v19, v0;
	v20 =	vand.u32 $0xFFF0, v20;
	v14 =	vor.u32 v2, v23;
	v18 =	vld [tilespmem:s21+$0x20]  }
0x22a: {  	s23 =	sadd.s32 $0x80, s23;
	vm5 =	veq.s32 v21, v0;
	vm2 =	veq.s32 v22, v0;
	v20 =	vor.u32 v2, v20;
	v19 =	vld [tilespmem:s21+$0xFFFFFFC0]  }
0x22b: {  	_ =	sdelay $0x4  }
0x22c: {  	v8 =	vshrl.u32 v8, $0x4;
	vm7 =	veq.s32 v4, v0;
	s21 =	sadd.s32 $0x1, s20;
	[tilespmem:v10+s18+$0x0] =	vst.idx.add.f32.msk vm4, v13  }
0x22d: {  	vm6 =	veq.s32 v15, v0;
	v3 =	vor.u32 v2, v3;
	[tilespmem:v17+s18+$0x0] =	vst.idx.add.f32.msk vm5, v9;
	v8 =	vand.u32 $0xFFF0, v8;
	p0 =	slt.s32 s21, $0xF;
	s22 =	smov.u32 s21  }
0x22e: {  	[tilespmem:v14+s18+$0x0] =	vst.idx.add.f32.msk vm1, v7;
	v63 =	vor.u32 v2, v8;
	s22 =	simm.s32 @!p0 $0xF  }
0x22f: {  	[tilespmem:v5+s18+$0x0] =	vst.idx.add.f32.msk vm2, v6;
	s22 =	sshll.u32 s22, $0x14  }
0x230: {  	[tilespmem:v12+s18+$0x0] =	vst.idx.add.f32.msk vm0, v11;
	s22 =	sor.u32 s8, s22  }
0x231: {  	[tilespmem:v20+s18+$0x0] =	vst.idx.add.f32.msk vm3, v19;
	s22 =	sshrl.u32 s22, $0x3  }
0x232: {  	s24 =	simm.s32 $0x0;
	[tilespmem:v3+s18+$0x0] =	vst.idx.add.f32.msk vm7, v16;
	s23 =	sadd.s32 s2, s22  }
0x233: {  	s25 =	simm.s32 $0x100;
	s26 =	simm.s32 $0x80;
	[tilespmem:v63+s18+$0x0] =	vst.idx.add.f32.msk vm6, v18;
	s28 =	sadd.s32 $0x0, s23  }
.LBB2_52:
0x234: {  	[tilespmem:s24], [sflag:$0x1] =	stream.strided.gather [hbm4b:s28+s15], $0x80, s16, s15, $0x38;
	[tilespmem:$0x18000] =	vst v63  }
0x235: {  	s28 =	smov.u32 s25;
	s24 =	smov.u32 s26;
	p0 =	sne.s32 s25, $0x3F00  }
.Ltmp24:
0x236: {  	s25 =	sadd.s32 $0x100, s25;
	(pc) =	sbr.rel @p0 .LBB2_52-.Ltmp24, $2  }
0x237: {  	_ =	sdelay $0x2  }
0x238: {  	s26 =	sadd.s32 $0x80, s26;
	s28 =	sadd.s32 s28, s23  }
0x239: {  	[tilespmem:s24], [sflag:$0x1] =	stream.strided.gather [hbm4b:s28+s15], $0x80, s16, s15, $0x38;
	[tilespmem:$0x18000] =	vst v63  }
0x23a: {  	s23 =	sadd.s32 s1, s22;
	s24 =	simm.s32 $0x4000  }
0x23b: {  	s25 =	simm.s32 $0x100;
	s26 =	simm.s32 $0x4080;
	s28 =	sadd.s32 $0x0, s23  }
.LBB2_54:
0x23c: {  	[tilespmem:s24], [sflag:$0x1] =	stream.strided.gather [hbm4b:s28+s15], $0x80, s16, s15, $0x38;
	[tilespmem:$0x18000] =	vst v63  }
0x23d: {  	s28 =	smov.u32 s25;
	s24 =	smov.u32 s26;
	p0 =	sne.s32 s25, $0x3F00  }
.Ltmp25:
0x23e: {  	s25 =	sadd.s32 $0x100, s25;
	(pc) =	sbr.rel @p0 .LBB2_54-.Ltmp25, $2  }
0x23f: {  	_ =	sdelay $0x2  }
0x240: {  	s26 =	sadd.s32 $0x80, s26;
	s28 =	sadd.s32 s28, s23  }
0x241: {  	[tilespmem:s24], [sflag:$0x1] =	stream.strided.gather [hbm4b:s28+s15], $0x80, s16, s15, $0x38;
	[tilespmem:$0x18000] =	vst v63  }
0x242: {  	_ =	swait.ge [sflag:s17], $0x2000  }
0x243: {  	[sflag:s17] =	ssyncset.done $0x0  }
0x244: {  	[sflag:s17] =	ssyncadd.s32 $0xFFFFE000  }
0x245: {  	_ =	swait.ge [sflag:s17], $0x2000  }
0x246: {  	[sflag:s17] =	ssyncset.done $0x0  }
0x247: {  	s23 =	simm.s32 $0x2070;
	[sflag:s17] =	ssyncadd.s32 $0xFFFFE000  }
0x248: {  	v5 =	vld [tilespmem:s23+$0xFFFFFFC0]  }
0x249: {  	v3 =	vld [tilespmem:s23+$0xFFFFFFD0]  }
0x24a: {  	v7 =	vld [tilespmem:s23+$0xFFFFFFE0]  }
0x24b: {  	v8 =	vld [tilespmem:s23+$0x0]  }
0x24c: {  	v11 =	vld [tilespmem:s23+$0xFFFFFF90]  }
0x24d: {  	v12 =	vld [tilespmem:s23+$0xFFFFFFA0]  }
0x24e: {  	v6 =	vld [tilespmem:s23+$0xFFFFFFF0]  }
0x24f: {  	v15 =	vld [tilespmem:s23+$0xFFFFFFB0]  }
0x250: {  	v9 =	vshrl.u32 v3, $0x4  }
0x251: {  	v4 =	vshrl.u32 v3, $0x14;
	v18 =	vshrl.u32 v7, $0x14;
	v16 =	vshrl.u32 v8, $0x4  }
0x252: {  	v19 =	vshrl.u32 v11, $0x14;
	v17 =	vshrl.u32 v5, $0x4;
	v20 =	vshrl.u32 v5, $0x14  }
0x253: {  	s23 =	simm.s32 $0x6070;
	v21 =	vshrl.u32 v8, $0x14;
	v22 =	vshrl.u32 v12, $0x14;
	v14 =	vshrl.u32 v6, $0x14  }
0x254: {  	v10 =	vld [tilespmem:s23+$0x0];
	v23 =	vshrl.u32 v11, $0x4;
	v24 =	vshrl.u32 v15, $0x14;
	v3 =	vand.u32 $0xFFF0, v9  }
0x255: {  	v13 =	vld [tilespmem:s23+$0xFFFFFFE0];
	v9 =	vshrl.u32 v7, $0x4;
	vm0 =	veq.s32 v22, v0;
	v16 =	vand.u32 $0xFFF0, v16  }
0x256: {  	v8 =	vld [tilespmem:s23+$0xFFFFFFC0];
	v22 =	vand.u32 $0xFFF0, v17;
	vm3 =	veq.s32 v19, v0;
	vm4 =	veq.s32 v18, v0  }
0x257: {  	v11 =	vld [tilespmem:s23+$0xFFFFFFA0];
	v23 =	vand.u32 $0xFFF0, v23;
	vm1 =	veq.s32 v20, v0;
	v7 =	vand.u32 $0xFFF0, v9  }
0x258: {  	v18 =	vld [tilespmem:s23+$0xFFFFFFF0];
	vm2 =	veq.s32 v24, v0;
	v9 =	vor.u32 v2, v7;
	v7 =	vshrl.u32 v15, $0x4  }
0x259: {  	v19 =	vld [tilespmem:s23+$0xFFFFFF90];
	vm5 =	veq.s32 v21, v0;
	v5 =	vand.u32 $0xFFF0, v7;
	v7 =	vshrl.u32 v12, $0x4  }
0x25a: {  	v17 =	vor.u32 v2, v16;
	v16 =	vld [tilespmem:s23+$0xFFFFFFD0];
	v20 =	vor.u32 v2, v23;
	v12 =	vand.u32 $0xFFF0, v7  }
0x25b: {  	s24 =	simm.s32 $0x0;
	s25 =	simm.s32 $0x20F0;
	v15 =	vor.u32 v2, v22;
	v5 =	vor.u32 v2, v5;
	v7 =	vld [tilespmem:s23+$0xFFFFFFB0];
	v12 =	vor.u32 v2, v12  }
.LBB2_56:
0x25c: {  	v21 =	vld [tilespmem:s25+$0xFFFFFFC0];
	s24 =	sadd.s32 $0x8, s24;
	v6 =	vshrl.u32 v6, $0x4;
	s23 =	sadd.s32 $0x80, s23  }
0x25d: {  	v22 =	vld [tilespmem:s25+$0xFFFFFFB0];
	p0 =	slt.u32 s24, $0x1F8  }
0x25e: {  	v23 =	vld [tilespmem:s25+$0xFFFFFFA0]  }
0x25f: {  	v24 =	vld [tilespmem:s25+$0x0]  }
0x260: {  	[tilespmem:v20+s18+$0x0] =	vst.idx.add.f32.msk vm3, v19  }
0x261: {  	v6 =	vand.u32 $0xFFF0, v6;
	vm3 =	veq.s32 v14, v0;
	[tilespmem:v9+s18+$0x0] =	vst.idx.add.f32.msk vm4, v13  }
0x262: {  	vm4 =	veq.s32 v4, v0;
	v4 =	vor.u32 v2, v6;
	[tilespmem:v17+s18+$0x0] =	vst.idx.add.f32.msk vm5, v10  }
0x263: {  	v3 =	vor.u32 v2, v3;
	v9 =	vld [tilespmem:s25+$0xFFFFFFD0]  }
0x264: {  	v10 =	vld [tilespmem:s25+$0xFFFFFFE0]  }
0x265: {  	v6 =	vld [tilespmem:s25+$0xFFFFFFF0]  }
0x266: {  	v17 =	vld [tilespmem:s25+$0xFFFFFF90]  }
0x267: {  	[tilespmem:v4+s18+$0x0] =	vst.idx.add.f32.msk vm3, v18  }
0x268: {  	v4 =	vshrl.u32 v9, $0x14;
	v9 =	vshrl.u32 v9, $0x4;
	[tilespmem:v3+s18+$0x0] =	vst.idx.add.f32.msk vm4, v16  }
0x269: {  	v3 =	vand.u32 $0xFFF0, v9;
	v9 =	vshrl.u32 v10, $0x4;
	[tilespmem:v12+s18+$0x0] =	vst.idx.add.f32.msk vm0, v11  }
0x26a: {  	v18 =	vshrl.u32 v10, $0x14;
	v11 =	vshrl.u32 v24, $0x4;
	v9 =	vand.u32 $0xFFF0, v9;
	[tilespmem:v15+s18+$0x0] =	vst.idx.add.f32.msk vm1, v8  }
0x26b: {  	v16 =	vshrl.u32 v21, $0x4;
	v15 =	vshrl.u32 v17, $0x14;
	v9 =	vor.u32 v2, v9;
	[tilespmem:v5+s18+$0x0] =	vst.idx.add.f32.msk vm2, v7  }
0x26c: {  	v19 =	vshrl.u32 v21, $0x14;
	v21 =	vshrl.u32 v24, $0x14;
	v5 =	vshrl.u32 v22, $0x4;
	v10 =	vld [tilespmem:s23+$0x0]  }
0x26d: {  	v14 =	vshrl.u32 v6, $0x14;
	v7 =	vshrl.u32 v23, $0x14;
	v5 =	vand.u32 $0xFFF0, v5;
	v13 =	vld [tilespmem:s23+$0xFFFFFFE0]  }
0x26e: {  	v12 =	vshrl.u32 v23, $0x4;
	v20 =	vshrl.u32 v17, $0x4;
	v5 =	vor.u32 v2, v5;
	v8 =	vld [tilespmem:s23+$0xFFFFFFC0]  }
.Ltmp26:
0x26f: {  	v12 =	vand.u32 $0xFFF0, v12;
	v17 =	vand.u32 $0xFFF0, v11;
	vm0 =	veq.s32 v7, v0;
	v7 =	vld [tilespmem:s23+$0xFFFFFFB0];
	(pc) =	sbr.rel @p0 .LBB2_56-.Ltmp26, $4  }
0x270: {  	v12 =	vor.u32 v2, v12;
	v23 =	vand.u32 $0xFFF0, v16;
	v17 =	vor.u32 v2, v17;
	v11 =	vld [tilespmem:s23+$0xFFFFFFA0]  }
0x271: {  	vm4 =	veq.s32 v18, v0;
	v22 =	vshrl.u32 v22, $0x14;
	vm3 =	veq.s32 v15, v0;
	v16 =	vld [tilespmem:s23+$0xFFFFFFD0]  }
0x272: {  	vm1 =	veq.s32 v19, v0;
	v20 =	vand.u32 $0xFFF0, v20;
	v15 =	vor.u32 v2, v23;
	v18 =	vld [tilespmem:s23+$0xFFFFFFF0]  }
0x273: {  	s25 =	sadd.s32 $0x80, s25;
	vm5 =	veq.s32 v21, v0;
	vm2 =	veq.s32 v22, v0;
	v20 =	vor.u32 v2, v20;
	v19 =	vld [tilespmem:s23+$0xFFFFFF90]  }
0x274: {  	_ =	sdelay $0x4  }
0x275: {  	v6 =	vshrl.u32 v6, $0x4;
	vm7 =	veq.s32 v4, v0;
	[tilespmem:v9+s18+$0x0] =	vst.idx.add.f32.msk vm4, v13  }
0x276: {  	vm6 =	veq.s32 v14, v0;
	v3 =	vor.u32 v2, v3;
	[tilespmem:v17+s18+$0x0] =	vst.idx.add.f32.msk vm5, v10;
	v6 =	vand.u32 $0xFFF0, v6  }
0x277: {  	[tilespmem:v15+s18+$0x0] =	vst.idx.add.f32.msk vm1, v8;
	v63 =	vor.u32 v2, v6  }
0x278: {  	[tilespmem:v5+s18+$0x0] =	vst.idx.add.f32.msk vm2, v7  }
0x279: {  	[tilespmem:v12+s18+$0x0] =	vst.idx.add.f32.msk vm0, v11  }
0x27a: {  	s22 =	sor.u32 $0x4000, s22;
	[tilespmem:v20+s18+$0x0] =	vst.idx.add.f32.msk vm3, v19  }
0x27b: {  	s24 =	simm.s32 $0x2000;
	s23 =	sadd.s32 s2, s22;
	[tilespmem:v3+s18+$0x0] =	vst.idx.add.f32.msk vm7, v16  }
0x27c: {  	s25 =	simm.s32 $0x100;
	s26 =	simm.s32 $0x2080;
	s28 =	sadd.s32 $0x0, s23;
	[tilespmem:v63+s18+$0x0] =	vst.idx.add.f32.msk vm6, v18  }
.LBB2_58:
0x27d: {  	[tilespmem:s24], [sflag:$0x1] =	stream.strided.gather [hbm4b:s28+s15], $0x80, s16, s15, $0x38;
	[tilespmem:$0x18000] =	vst v63  }
0x27e: {  	s28 =	smov.u32 s25;
	s24 =	smov.u32 s26;
	p0 =	sne.s32 s25, $0x3F00  }
.Ltmp27:
0x27f: {  	s25 =	sadd.s32 $0x100, s25;
	(pc) =	sbr.rel @p0 .LBB2_58-.Ltmp27, $2  }
0x280: {  	_ =	sdelay $0x2  }
0x281: {  	s26 =	sadd.s32 $0x80, s26;
	s28 =	sadd.s32 s28, s23  }
0x282: {  	[tilespmem:s24], [sflag:$0x1] =	stream.strided.gather [hbm4b:s28+s15], $0x80, s16, s15, $0x38;
	[tilespmem:$0x18000] =	vst v63  }
0x283: {  	s22 =	sadd.s32 s1, s22;
	s23 =	simm.s32 $0x6000  }
0x284: {  	s24 =	simm.s32 $0x100;
	s25 =	simm.s32 $0x6080;
	s26 =	sadd.s32 $0x0, s22  }
.LBB2_60:
0x285: {  	[tilespmem:s23], [sflag:$0x1] =	stream.strided.gather [hbm4b:s26+s15], $0x80, s16, s15, $0x38;
	[tilespmem:$0x18000] =	vst v63  }
0x286: {  	s26 =	smov.u32 s24;
	s23 =	smov.u32 s25;
	p0 =	sne.s32 s24, $0x3F00  }
.Ltmp28:
0x287: {  	s24 =	sadd.s32 $0x100, s24;
	(pc) =	sbr.rel @p0 .LBB2_60-.Ltmp28, $2  }
0x288: {  	_ =	sdelay $0x2  }
0x289: {  	s25 =	sadd.s32 $0x80, s25;
	s26 =	sadd.s32 s26, s22  }
0x28a: {  	[tilespmem:s23], [sflag:$0x1] =	stream.strided.gather [hbm4b:s26+s15], $0x80, s16, s15, $0x38;
	[tilespmem:$0x18000] =	vst v63  }
0x28b: {  	s20 =	sshll.u32 s20, $0x15  }
0x28c: {  	s20 =	sor.u32 s20, s13  }
0x28d: {  	s20 =	sor.u32 s6, s20  }
0x28e: {  	s20 =	sor.u32 s7, s20  }
0x28f: {  	s20 =	sshrl.u32 s20, $0x3  }
0x290: {  	s22 =	simm.s32 $0x8000;
	s20 =	sadd.s32 s4, s20  }
0x291: {  	s23 =	simm.s32 $0x100;
	s24 =	simm.s32 $0x8080;
	s25 =	sadd.s32 $0x0, s20  }
.LBB2_62:
0x292: {  	[hbm4b:s25+s15] =	stream.strided.scatter [tilespmem:s22], [sflag:$0x2], $0x80, s16, s15, $0x38;
	[tilespmem:$0x18000] =	vst v63  }
0x293: {  	s25 =	smov.u32 s23;
	s22 =	smov.u32 s24;
	p0 =	seq.s32 s23, $0x1FF00  }
.Ltmp29:
0x294: {  	s23 =	sadd.s32 $0x100, s23;
	(pc) =	sbr.rel @!p0 .LBB2_62-.Ltmp29, $2  }
0x295: {  	_ =	sdelay $0x2  }
0x296: {  	s24 =	sadd.s32 $0x80, s24;
	s25 =	sadd.s32 s25, s20  }
0x297: {  	[hbm4b:s25+s15] =	stream.strided.scatter [tilespmem:s22], [sflag:$0x2], $0x80, s16, s15, $0x38;
	[tilespmem:$0x18000] =	vst v63  }
0x298: {  	p0 =	seq.s32 s21, $0x10  }
.Ltmp30:
0x299: {  	_ = 	snop;
	(pc) =	sbr.rel @!p0 .LBB2_11-.Ltmp30, $1  }
0x29a: {  	_ =	sdelay $0x3  }
0x29b: {  	_ =	swait.ge [sflag:s19], $0x10000  }
0x29c: {  	[sflag:s19] =	ssyncset.done $0x0  }
0x29d: {  	[sflag:s19] =	ssyncadd.s32 $0xFFFF0000  }
0x29e: {  	_ =	swait.ge [sflag:s17], $0x2000  }
0x29f: {  	[sflag:s17] =	ssyncset.done $0x0  }
0x2a0: {  	[sflag:s17] =	ssyncadd.s32 $0xFFFFE000  }
0x2a1: {  	_ =	swait.ge [sflag:s17], $0x2000  }
0x2a2: {  	[sflag:s17] =	ssyncset.done $0x0  }
0x2a3: {  	s5 =	sadd.s32 $0x1, s5;
	[sflag:s17] =	ssyncadd.s32 $0xFFFFE000  }
0x2a4: {  	p0 =	sne.s32 s5, s14;
	_ =	swait.ge [sflag:s17], $0x2000  }
.Ltmp31:
0x2a5: {  	[sflag:s17] =	ssyncset.done $0x0;
	(pc) =	sbr.rel @p0 .LBB2_1-.Ltmp31, $4  }
0x2a6: {  	[sflag:s17] =	ssyncadd.s32 $0xFFFFE000  }
0x2a7: {  	_ =	swait.ge [sflag:s17], $0x2000  }
0x2a8: {  	[sflag:s17] =	ssyncset.done $0x0  }
0x2a9: {  	[sflag:s17] =	ssyncadd.s32 $0xFFFFE000  }
0x2aa: {  	_ =	sfence.sel $0x180000  }
0x2ab: {  	[bflag:$0x0] =	sbarrier.arrive $0xFFFF  }
0x2ac: {  	p0 =	sne.s32 s3, $0x0;
	_ =	strace $0x90000047  }
0x2ad: {  	s0 =	sadd.s32 @!p0 $0x100000, s0;
	[bflag:$0x2] =	sbarrier.arrive $0xFFFF  }
0x2ae: {  	[sflag:s0] =	ssyncadd.tile.s32 @!p0 $0x1;
	_ =	shalt  }
.Lfunc_end2:
_tile_overlayer_lowered:
.L_overlay_start_2:
0x2af: {  	(tag) =	ssettag $0x2  }
0x2b0: {  	s0 =	rddreg [dreg:$0x0];
	s2 =	stileid.u32  }
0x2b1: {  	s1 =	rddreg [dreg:$0x1];
	p0 =	sne.s32 s2, $0x0  }
0x2b2: {  	s3 =	rddreg [dreg:$0x2];
	[bflag:$0x3] =	sbarrier.arrive $0xFFFF;
	s2 =	simm.s32 @!p0 $0x1C03  }
0x2b3: {  	[timem:s3], [sflag:s2] =	dma.local @!p0 [hbm:s0], s1  }
0x2b4: {  	s0 =	simm.s32 @!p0 $0x3  }
0x2b5: {  	_ =	swait.ge @!p0 [sflag:s0], s1  }
0x2b6: {  	s1 =	ssub.s32 @!p0 $0x0, s1;
	[sflag:s0] =	ssyncset.done @!p0 $0x0  }
0x2b7: {  	[sflag:s0] =	ssyncadd.s32 @!p0 s1  }
0x2b8: {  	[bflag:$0x3] =	sbarrier.arrive $0xFFFF  }
0x2b9: {  	_ =	shalt  }

</sc_bundles>
